<compile_context>
chip_gen: v7x
topology: tpu7x:2x2x1
jax: 0.10.2.dev20260603
libtpu: 0.0.44.dev20260713+nightly
codegen_flags: <defaults>
</compile_context>

<pallas_src>
import functools

import jax
import jax.numpy as jnp
from jax import lax
from jax.experimental import pallas as pl
from jax.experimental.pallas import tpu as pltpu
from jax.experimental.pallas import tpu_sc as plsc

B, N, H = 16, 64, 32
NUM_EDGES, NUM_SPATIAL, MAX_DIST = 1536, 512, 5
S = B * N * N
VPAD = 1544
NW = 32
NQ = 4
NGRP = NW // NQ
S_PER_W = S // NGRP
CHUNK = 512
L = 16


def _pack_rows(t):
    tb = t.astype(jnp.bfloat16)
    u = lax.bitcast_convert_type(tb, jnp.uint16).astype(jnp.uint32)
    lo = u[: H // 2]
    hi = u[H // 2:]
    return lax.bitcast_convert_type(lo | (hi << 16), jnp.int32)


def _prep_body(e_ref, w5_ref, spt_ref, tab_ref):
    for d in range(MAX_DIST):
        t = lax.dot_general(
            w5_ref[d], e_ref[...], (((0,), (1,)), ((), ())),
            preferred_element_type=jnp.float32)
        tab_ref[d, :, pl.ds(0, t.shape[1])] = _pack_rows(t)
    tab_ref[MAX_DIST, :, pl.ds(0, NUM_SPATIAL)] = _pack_rows(spt_ref[...])


def _make_prep():
    return pl.pallas_call(
        _prep_body,
        out_shape=jax.ShapeDtypeStruct(
            (MAX_DIST + 1, H // 2, VPAD), jnp.int32),
    )


NI = CHUNK // N


NCH = S_PER_W // CHUNK


def _sc_body(tab_hbm, eidx_hbm, sp_hbm, core_hbm, tab_v, eidx_v, sp_v, out_v,
             in_sem, out_sem):
    wid = lax.axis_index("s") * 2 + lax.axis_index("c")
    q = wid % NQ
    grp = wid // NQ
    pltpu.sync_copy(tab_hbm.at[q], tab_v)

    def _addrs(ci):
        sbase = grp * S_PER_W + ci * CHUNK
        b = sbase // (N * N)
        i0 = pl.multiple_of((sbase % (N * N)) // N, NI)
        return b, i0

    def _in_copies(ci, slot):
        b, i0 = _addrs(ci)
        return (
            pltpu.make_async_copy(
                eidx_hbm.at[b, :, :, pl.ds(i0, NI), :], eidx_v.at[slot],
                in_sem),
            pltpu.make_async_copy(
                sp_hbm.at[b, pl.ds(i0, NI), :], sp_v.at[slot], in_sem),
        )

    def _out_copies(ci, slot):
        b, i0 = _addrs(ci)
        return (
            pltpu.make_async_copy(
                out_v.at[slot, :, 0],
                core_hbm.at[b, pl.ds(i0, NI), pl.ds(q * 4, 4), :], out_sem),
            pltpu.make_async_copy(
                out_v.at[slot, :, 1],
                core_hbm.at[b, pl.ds(i0, NI),
                            pl.ds(H // 2 + q * 4, 4), :], out_sem),
        )

    for cp in _in_copies(0, 0):
        cp.start()

    def chunk_pair(ci):
        for s in range(2):
            cur = ci + s
            for cp in _in_copies(cur, s):
                cp.wait()

            @pl.when(cur + 1 < NCH)
            def _():
                for cp in _in_copies(cur + 1, 1 - s):
                    cp.start()

            @pl.when(cur >= 2)
            def _():
                for cp in _out_copies(cur - 2, s):
                    cp.wait()

            _compute_chunk(cur, s, tab_v, eidx_v, sp_v, out_v)
            for cp in _out_copies(cur, s):
                cp.start()

    pl.loop(0, NCH, step=2)(chunk_pair)
    for s in range(2):
        for cp in _out_copies(NCH - 2 + s, s):
            cp.wait()


def _compute_chunk(ci, slot, tab_v, eidx_v, sp_v, out_v):
    del ci

    def group_body(g):
        i_loc = g // 4
        j0 = (g % 4) * L
        sp = sp_v[slot, i_loc, pl.ds(j0, L)]
        s4 = jnp.minimum(jnp.maximum(sp - 1, 1), MAX_DIST)
        scale = (1.0 / 3.0) / s4.astype(jnp.float32)
        scale2 = plsc.pack(scale, scale, format=plsc.PackFormat.INTERLEAVED)
        accs = [None] * 4
        for d in range(MAX_DIST):
            for e in range(3):
                r = eidx_v[slot, d, e, i_loc, pl.ds(j0, L)]
                for w in range(4):
                    gw = plsc.bitcast(plsc.load_gather(
                        tab_v.at[pl.ds((d * 4 + w) * VPAD, VPAD)], [r]),
                        jnp.bfloat16)
                    accs[w] = gw if accs[w] is None else accs[w] + gw
        for w in range(4):
            spb = plsc.bitcast(plsc.load_gather(
                tab_v.at[pl.ds((MAX_DIST * 4 + w) * VPAD, VPAD)], [sp]),
                jnp.bfloat16)
            ow = accs[w] * scale2 + spb
            lo, hi = plsc.unpack(ow, format=plsc.PackFormat.INTERLEAVED)
            out_v[slot, i_loc, 0, w, pl.ds(j0, L)] = lo
            out_v[slot, i_loc, 1, w, pl.ds(j0, L)] = hi

    pl.loop(0, CHUNK // L)(group_body)


def _make_sc():
    mesh = plsc.VectorSubcoreMesh(core_axis_name="c", subcore_axis_name="s")
    return functools.partial(
        pl.kernel,
        out_type=jax.ShapeDtypeStruct((B, N, H, N), jnp.float32),
        mesh=mesh,
        compiler_params=pltpu.CompilerParams(needs_layout_passes=False),
        scratch_types=[
            pltpu.VMEM(((MAX_DIST + 1) * 4 * VPAD,), jnp.int32),
            pltpu.VMEM((2, MAX_DIST, 3, NI, N), jnp.int32),
            pltpu.VMEM((2, NI, N), jnp.int32),
            pltpu.VMEM((2, NI, 2, 4, N), jnp.float32),
            pltpu.SemaphoreType.DMA,
            pltpu.SemaphoreType.DMA,
        ],
    )(_sc_body)


def _asm_body(ab_ref, t_ref, core_ref, out_ref):
    cr = core_ref[...]
    tt = t_ref[...]
    left = jnp.broadcast_to(tt[None, None], (2, N, H, 1))
    inner = jnp.concatenate([left, cr], axis=3)
    top = jnp.broadcast_to(tt[None, None], (2, 1, H, N + 1))
    x = jnp.concatenate([top, inner], axis=1)
    ab2 = ab_ref[...] * 2.0
    out_ref[...] = ab2[:, :, None, :] + x


def _make_asm():
    return pl.pallas_call(
        _asm_body,
        grid=(B // 2,),
        in_specs=[
            pl.BlockSpec((2, N + 1, N + 1), lambda b: (b, 0, 0)),
            pl.BlockSpec((H, 1), lambda b: (0, 0)),
            pl.BlockSpec((2, N, H, N), lambda b: (b, 0, 0, 0)),
        ],
        out_specs=pl.BlockSpec((2, N + 1, H, N + 1), lambda b: (b, 0, 0, 0)),
        out_shape=jax.ShapeDtypeStruct((B, N + 1, H, N + 1), jnp.float32),
    )


def kernel(attn_bias, spatial_pos, x, edge_input, edge_encoder_w,
           spatial_pos_encoder_w, graph_token_virtual_distance_w,
           edge_dis_encoder_w):
    del x
    w5 = edge_dis_encoder_w.reshape(-1, H, H)[:MAX_DIST]
    tab = _make_prep()(edge_encoder_w, w5, spatial_pos_encoder_w.T)
    tabq = tab.reshape(MAX_DIST + 1, NQ, 4, VPAD).transpose(
        1, 0, 2, 3).reshape(NQ, (MAX_DIST + 1) * 4 * VPAD)

    eidx = jnp.transpose(edge_input, (0, 3, 4, 1, 2))
    core = _make_sc()(tabq, eidx, spatial_pos)

    tt = graph_token_virtual_distance_w.reshape(H, 1)
    out = _make_asm()(attn_bias, tt, core)
    return jnp.transpose(out, (0, 2, 1, 3))

# --- scband reference (transcript-rebuilt; emitter-appended) ---
"""Pipeline reference for scband-graph-attn-bias-78417512891044 (READ-ONLY COPY).

The authoritative reference and input builder live on the scoring server;
editing this copy changes nothing except your own understanding.
"""

import jax, jax.numpy as jnp
import numpy as np

B, N, H = 16, 64, 32
NUM_EDGES, NUM_SPATIAL, NUM_EDGE_DIS, MAX_DIST = 1536, 512, 128, 5

def setup_inputs(seed: int = 0) -> dict:
    key = jax.random.key(seed)
    ks = jax.random.split(key, 8)
    attn_bias = jax.random.normal(ks[0], (B, N + 1, N + 1), dtype=jnp.float32)
    spatial_pos = jax.random.randint(ks[1], (B, N, N), 0, NUM_SPATIAL)
    x = jax.random.randint(ks[2], (B, N, 9), 0, 4608)
    edge_input = jax.random.randint(ks[3], (B, N, N, MAX_DIST, 3), 0, NUM_EDGES + 1)
    edge_encoder_w = (jax.random.normal(ks[4], (NUM_EDGES + 1, H), dtype=jnp.float32) * 0.02).at[0].set(0.0)
    spatial_pos_encoder_w = (jax.random.normal(ks[5], (NUM_SPATIAL, H), dtype=jnp.float32) * 0.02).at[0].set(0.0)
    graph_token_virtual_distance_w = jax.random.normal(ks[6], (1, H), dtype=jnp.float32) * 0.02
    edge_dis_encoder_w = jax.random.normal(ks[7], (NUM_EDGE_DIS * H * H, 1), dtype=jnp.float32) * 0.02
    return {
        'attn_bias': attn_bias,
        'spatial_pos': spatial_pos,
        'x': x,
        'edge_input': edge_input,
        'edge_encoder_w': edge_encoder_w,
        'spatial_pos_encoder_w': spatial_pos_encoder_w,
        'graph_token_virtual_distance_w': graph_token_virtual_distance_w,
        'edge_dis_encoder_w': edge_dis_encoder_w,
    }

def reference(attn_bias, spatial_pos, x, edge_input, edge_encoder_w, spatial_pos_encoder_w, graph_token_virtual_distance_w, edge_dis_encoder_w):
    n_graph, n_node = x.shape[0], x.shape[1]
    gab = jnp.repeat(attn_bias[:, None, :, :], H, axis=1)
    spb = jnp.take(spatial_pos_encoder_w, spatial_pos, axis=0).transpose(0, 3, 1, 2)
    gab = gab.at[:, :, 1:, 1:].add(spb)
    t = graph_token_virtual_distance_w.reshape(1, H, 1)
    gab = gab.at[:, :, 1:, 0].add(t)
    gab = gab.at[:, :, 0, :].add(t)
    sp = jnp.where(spatial_pos == 0, 1, spatial_pos)
    sp = jnp.where(sp > 1, sp - 1, sp)
    sp = jnp.clip(sp, 0, MAX_DIST)
    ei_idx = edge_input[:, :, :, :MAX_DIST, :]
    ei = jnp.take(edge_encoder_w, ei_idx, axis=0).mean(-2)
    max_dist = ei.shape[-2]
    eif = ei.transpose(3, 0, 1, 2, 4).reshape(max_dist, -1, H)
    w = edge_dis_encoder_w.reshape(NUM_EDGE_DIS, H, H)[:max_dist, :, :]
    eif = jnp.einsum('dbh,dhk->dbk', eif, w)
    ei = eif.reshape(max_dist, n_graph, n_node, n_node, H).transpose(1, 2, 3, 0, 4)
    ei = (ei.sum(-2) / sp.astype(jnp.float32)[..., None]).transpose(0, 3, 1, 2)
    gab = gab.at[:, :, 1:, 1:].add(ei)
    gab = gab + attn_bias[:, None, :, :]
    return gab

if __name__ == "__main__":
    import jax
    _d = setup_inputs()
    print(jax.jit(kernel)(*tuple(_d.values())))

</pallas_src>

<mosaic_0001>
#map = affine_map<(d0, d1) -> (0, 0)>
#map1 = affine_map<(d0, d1) -> (0, 0, 0, 0, 0)>
#map2 = affine_map<(d0, d1) -> (0, 0, 0)>
#map3 = affine_map<(d0, d1) -> (0, 0, 0, 0)>
module attributes {stable_mosaic.version = 14 : i64} {
  func.func @_sc_body(%arg0: i32, %arg1: i32, %arg2: memref<4x37056xi32, #tpu.memory_space<hbm>>, %arg3: memref<16x5x3x64x64xi32, #tpu.memory_space<hbm>>, %arg4: memref<16x64x64xi32, #tpu.memory_space<hbm>>, %arg5: memref<16x64x32x64xf32, #tpu.memory_space<hbm>>, %arg6: memref<37056xi32, #tpu.memory_space<vmem>>, %arg7: memref<2x5x3x8x64xi32, #tpu.memory_space<vmem>>, %arg8: memref<2x8x64xi32, #tpu.memory_space<vmem>>, %arg9: memref<2x8x2x4x64xf32, #tpu.memory_space<vmem>>, %arg10: memref<!tpu.dma_semaphore, #tpu.memory_space<semaphore_mem>>, %arg11: memref<!tpu.dma_semaphore, #tpu.memory_space<semaphore_mem>>) attributes {dimension_semantics = [#tpu.dimension_semantics<core_parallel>, #tpu.dimension_semantics<subcore_parallel>], iteration_bounds = array<i64: 2, 16>, scalar_prefetch = 0 : i64, scratch_operands = 6 : i64, tpu.core_type = #tpu.core_type<sc_vector_subcore>, window_params = [{transform_indices = #map}, {transform_indices = #map1}, {transform_indices = #map2}, {transform_indices = #map3}]} {
    %mul3A = arith.constant 2 : i32
    %mul3A_0 = arith.muli %arg1, %mul3A : i32
    %add3A = arith.addi %mul3A_0, %arg0 : i32
    %jit3A = arith.constant 4 : i32
    %eq3A = arith.constant 0 : i32
    %eq3A_1 = arith.cmpi eq, %jit3A, %eq3A : i32
    %jit3A_2 = arith.constant 1 : i32
    %select_n3A = arith.select %eq3A_1, %jit3A_2, %jit3A : i32
    %rem3A = arith.remsi %add3A, %select_n3A : i32
    %ne3A = arith.constant 0 : i32
    %ne3A_3 = arith.cmpi ne, %rem3A, %ne3A : i32
    %lt3A = arith.constant 0 : i32
    %lt3A_4 = arith.cmpi slt, %rem3A, %lt3A : i32
    %lt3A_5 = arith.constant 0 : i32
    %lt3A_6 = arith.cmpi slt, %select_n3A, %lt3A_5 : i32
    %ne3A_7 = arith.xori %lt3A_4, %lt3A_6 : i1
    %and3A = arith.andi %ne3A_7, %ne3A_3 : i1
    %add3A_8 = arith.addi %rem3A, %select_n3A : i32
    %select_n3A_9 = arith.select %and3A, %add3A_8, %rem3A : i32
    %jit3A_10 = arith.constant 4 : i32
    %div3A = arith.divsi %add3A, %jit3A_10 : i32
    %sign3A = arith.constant 0 : i32
    %sign3A_11 = arith.cmpi sgt, %add3A, %sign3A : i32
    %sign3A_12 = arith.extui %sign3A_11 : i1 to i32
    %sign3A_13 = arith.constant 0 : i32
    %sign3A_14 = arith.cmpi slt, %add3A, %sign3A_13 : i32
    %sign3A_15 = arith.extui %sign3A_14 : i1 to i32
    %sign3A_16 = arith.subi %sign3A_12, %sign3A_15 : i32
    %sign3A_17 = arith.constant 0 : i32
    %sign3A_18 = arith.cmpi sgt, %jit3A_10, %sign3A_17 : i32
    %sign3A_19 = arith.extui %sign3A_18 : i1 to i32
    %sign3A_20 = arith.constant 0 : i32
    %sign3A_21 = arith.cmpi slt, %jit3A_10, %sign3A_20 : i32
    %sign3A_22 = arith.extui %sign3A_21 : i1 to i32
    %sign3A_23 = arith.subi %sign3A_19, %sign3A_22 : i32
    %ne3A_24 = arith.cmpi ne, %sign3A_16, %sign3A_23 : i32
    %rem3A_25 = arith.remsi %add3A, %jit3A_10 : i32
    %ne3A_26 = arith.constant 0 : i32
    %ne3A_27 = arith.cmpi ne, %rem3A_25, %ne3A_26 : i32
    %and3A_28 = arith.andi %ne3A_24, %ne3A_27 : i1
    %sub3A = arith.constant 1 : i32
    %sub3A_29 = arith.subi %div3A, %sub3A : i32
    %select_n3A_30 = arith.select %and3A_28, %sub3A_29, %div3A : i32
    "tpu.region"() ({
      %run_scoped3A = tpu.sem_alloc : memref<!tpu.dma_semaphore, #tpu.memory_space<semaphore_mem>>
      %dma_start3A_361 = arith.constant 0 : i32
      %dma_start3A_362 = tpu.memref_slice %arg2[%select_n3A_9, %dma_start3A_361] : memref<4x37056xi32, #tpu.memory_space<hbm>> -> memref<1x37056xi32, #tpu.memory_space<hbm>>
      %dma_start3A_363 = tpu.memref_squeeze %dma_start3A_362 : memref<1x37056xi32, #tpu.memory_space<hbm>> -> memref<37056xi32, #tpu.memory_space<hbm>>
      %dma_start3A_364 = arith.constant 0 : i32
      %dma_start3A_365 = tpu.memref_slice %arg2[%select_n3A_9, %dma_start3A_364] : memref<4x37056xi32, #tpu.memory_space<hbm>> -> memref<1x37056xi32, #tpu.memory_space<hbm>>
      %dma_start3A_366 = tpu.memref_squeeze %dma_start3A_365 : memref<1x37056xi32, #tpu.memory_space<hbm>> -> memref<37056xi32, #tpu.memory_space<hbm>>
      tpu.enqueue_dma source(%dma_start3A_366 : memref<37056xi32, #tpu.memory_space<hbm>>) target(%arg6 : memref<37056xi32, #tpu.memory_space<vmem>>) target_semaphore(%run_scoped3A : memref<!tpu.dma_semaphore, #tpu.memory_space<semaphore_mem>>)
      %dma_wait3A_367 = arith.constant 0 : i32
      %dma_wait3A_368 = tpu.memref_slice %arg2[%select_n3A_9, %dma_wait3A_367] : memref<4x37056xi32, #tpu.memory_space<hbm>> -> memref<1x37056xi32, #tpu.memory_space<hbm>>
      %dma_wait3A_369 = tpu.memref_squeeze %dma_wait3A_368 : memref<1x37056xi32, #tpu.memory_space<hbm>> -> memref<37056xi32, #tpu.memory_space<hbm>>
      %dma_wait3A_370 = arith.constant 0 : i32
      %dma_wait3A_371 = tpu.memref_slice %arg2[%select_n3A_9, %dma_wait3A_370] : memref<4x37056xi32, #tpu.memory_space<hbm>> -> memref<1x37056xi32, #tpu.memory_space<hbm>>
      %dma_wait3A_372 = tpu.memref_squeeze %dma_wait3A_371 : memref<1x37056xi32, #tpu.memory_space<hbm>> -> memref<37056xi32, #tpu.memory_space<hbm>>
      tpu.wait_dma2 semaphore(%run_scoped3A : memref<!tpu.dma_semaphore, #tpu.memory_space<semaphore_mem>>) src(%dma_wait3A_372 : memref<37056xi32, #tpu.memory_space<hbm>>) dst(%arg6 : memref<37056xi32, #tpu.memory_space<vmem>>)
      tpu.yield
    }) : () -> ()
    %mul3A_31 = arith.constant 8192 : i32
    %mul3A_32 = arith.muli %select_n3A_30, %mul3A_31 : i32
    %add3A_33 = arith.constant 0 : i32
    %add3A_34 = arith.addi %mul3A_32, %add3A_33 : i32
    %jit3A_35 = arith.constant 4096 : i32
    %div3A_36 = arith.divsi %add3A_34, %jit3A_35 : i32
    %sign3A_37 = arith.constant 0 : i32
    %sign3A_38 = arith.cmpi sgt, %add3A_34, %sign3A_37 : i32
    %sign3A_39 = arith.extui %sign3A_38 : i1 to i32
    %sign3A_40 = arith.constant 0 : i32
    %sign3A_41 = arith.cmpi slt, %add3A_34, %sign3A_40 : i32
    %sign3A_42 = arith.extui %sign3A_41 : i1 to i32
    %sign3A_43 = arith.subi %sign3A_39, %sign3A_42 : i32
    %sign3A_44 = arith.constant 0 : i32
    %sign3A_45 = arith.cmpi sgt, %jit3A_35, %sign3A_44 : i32
    %sign3A_46 = arith.extui %sign3A_45 : i1 to i32
    %sign3A_47 = arith.constant 0 : i32
    %sign3A_48 = arith.cmpi slt, %jit3A_35, %sign3A_47 : i32
    %sign3A_49 = arith.extui %sign3A_48 : i1 to i32
    %sign3A_50 = arith.subi %sign3A_46, %sign3A_49 : i32
    %ne3A_51 = arith.cmpi ne, %sign3A_43, %sign3A_50 : i32
    %rem3A_52 = arith.remsi %add3A_34, %jit3A_35 : i32
    %ne3A_53 = arith.constant 0 : i32
    %ne3A_54 = arith.cmpi ne, %rem3A_52, %ne3A_53 : i32
    %and3A_55 = arith.andi %ne3A_51, %ne3A_54 : i1
    %sub3A_56 = arith.constant 1 : i32
    %sub3A_57 = arith.subi %div3A_36, %sub3A_56 : i32
    %select_n3A_58 = arith.select %and3A_55, %sub3A_57, %div3A_36 : i32
    %jit3A_59 = arith.constant 4096 : i32
    %eq3A_60 = arith.constant 0 : i32
    %eq3A_61 = arith.cmpi eq, %jit3A_59, %eq3A_60 : i32
    %jit3A_62 = arith.constant 1 : i32
    %select_n3A_63 = arith.select %eq3A_61, %jit3A_62, %jit3A_59 : i32
    %rem3A_64 = arith.remsi %add3A_34, %select_n3A_63 : i32
    %ne3A_65 = arith.constant 0 : i32
    %ne3A_66 = arith.cmpi ne, %rem3A_64, %ne3A_65 : i32
    %lt3A_67 = arith.constant 0 : i32
    %lt3A_68 = arith.cmpi slt, %rem3A_64, %lt3A_67 : i32
    %lt3A_69 = arith.constant 0 : i32
    %lt3A_70 = arith.cmpi slt, %select_n3A_63, %lt3A_69 : i32
    %ne3A_71 = arith.xori %lt3A_68, %lt3A_70 : i1
    %and3A_72 = arith.andi %ne3A_71, %ne3A_66 : i1
    %add3A_73 = arith.addi %rem3A_64, %select_n3A_63 : i32
    %select_n3A_74 = arith.select %and3A_72, %add3A_73, %rem3A_64 : i32
    %jit3A_75 = arith.constant 64 : i32
    %div3A_76 = arith.divsi %select_n3A_74, %jit3A_75 : i32
    %sign3A_77 = arith.constant 0 : i32
    %sign3A_78 = arith.cmpi sgt, %select_n3A_74, %sign3A_77 : i32
    %sign3A_79 = arith.extui %sign3A_78 : i1 to i32
    %sign3A_80 = arith.constant 0 : i32
    %sign3A_81 = arith.cmpi slt, %select_n3A_74, %sign3A_80 : i32
    %sign3A_82 = arith.extui %sign3A_81 : i1 to i32
    %sign3A_83 = arith.subi %sign3A_79, %sign3A_82 : i32
    %sign3A_84 = arith.constant 0 : i32
    %sign3A_85 = arith.cmpi sgt, %jit3A_75, %sign3A_84 : i32
    %sign3A_86 = arith.extui %sign3A_85 : i1 to i32
    %sign3A_87 = arith.constant 0 : i32
    %sign3A_88 = arith.cmpi slt, %jit3A_75, %sign3A_87 : i32
    %sign3A_89 = arith.extui %sign3A_88 : i1 to i32
    %sign3A_90 = arith.subi %sign3A_86, %sign3A_89 : i32
    %ne3A_91 = arith.cmpi ne, %sign3A_83, %sign3A_90 : i32
    %rem3A_92 = arith.remsi %select_n3A_74, %jit3A_75 : i32
    %ne3A_93 = arith.constant 0 : i32
    %ne3A_94 = arith.cmpi ne, %rem3A_92, %ne3A_93 : i32
    %and3A_95 = arith.andi %ne3A_91, %ne3A_94 : i1
    %sub3A_96 = arith.constant 1 : i32
    %sub3A_97 = arith.subi %div3A_76, %sub3A_96 : i32
    %select_n3A_98 = arith.select %and3A_95, %sub3A_97, %div3A_76 : i32
    %multiple_of3A = tpu.assume_multiple %select_n3A_98, 8 : i32
    %dma_start3A = arith.constant 0 : i32
    %dma_start3A_99 = arith.constant 0 : i32
    %dma_start3A_100 = arith.constant 0 : i32
    %dma_start3A_101 = arith.constant 0 : i32
    %dma_start3A_102 = arith.constant 0 : i32
    %dma_start3A_103 = tpu.memref_slice %arg7[%dma_start3A, %dma_start3A_99, %dma_start3A_100, %dma_start3A_101, %dma_start3A_102] : memref<2x5x3x8x64xi32, #tpu.memory_space<vmem>> -> memref<1x5x3x8x64xi32, #tpu.memory_space<vmem>>
    %dma_start3A_104 = tpu.memref_squeeze %dma_start3A_103 : memref<1x5x3x8x64xi32, #tpu.memory_space<vmem>> -> memref<5x3x8x64xi32, #tpu.memory_space<vmem>>
    %dma_start3A_105 = arith.constant 0 : i32
    %dma_start3A_106 = arith.constant 0 : i32
    %dma_start3A_107 = arith.constant 0 : i32
    %dma_start3A_108 = tpu.memref_slice %arg3[%select_n3A_58, %dma_start3A_105, %dma_start3A_106, %multiple_of3A, %dma_start3A_107] : memref<16x5x3x64x64xi32, #tpu.memory_space<hbm>> -> memref<1x5x3x8x64xi32, #tpu.memory_space<hbm>>
    %dma_start3A_109 = tpu.memref_squeeze %dma_start3A_108 : memref<1x5x3x8x64xi32, #tpu.memory_space<hbm>> -> memref<5x3x8x64xi32, #tpu.memory_space<hbm>>
    %dma_start3A_110 = arith.constant 0 : i32
    %dma_start3A_111 = arith.constant 0 : i32
    %dma_start3A_112 = arith.constant 0 : i32
    %dma_start3A_113 = arith.constant 0 : i32
    %dma_start3A_114 = tpu.memref_slice %arg7[%dma_start3A, %dma_start3A_110, %dma_start3A_111, %dma_start3A_112, %dma_start3A_113] : memref<2x5x3x8x64xi32, #tpu.memory_space<vmem>> -> memref<1x5x3x8x64xi32, #tpu.memory_space<vmem>>
    %dma_start3A_115 = tpu.memref_squeeze %dma_start3A_114 : memref<1x5x3x8x64xi32, #tpu.memory_space<vmem>> -> memref<5x3x8x64xi32, #tpu.memory_space<vmem>>
    %dma_start3A_116 = arith.constant 0 : i32
    %dma_start3A_117 = arith.constant 0 : i32
    %dma_start3A_118 = arith.constant 0 : i32
    %dma_start3A_119 = tpu.memref_slice %arg3[%select_n3A_58, %dma_start3A_116, %dma_start3A_117, %multiple_of3A, %dma_start3A_118] : memref<16x5x3x64x64xi32, #tpu.memory_space<hbm>> -> memref<1x5x3x8x64xi32, #tpu.memory_space<hbm>>
    %dma_start3A_120 = tpu.memref_squeeze %dma_start3A_119 : memref<1x5x3x8x64xi32, #tpu.memory_space<hbm>> -> memref<5x3x8x64xi32, #tpu.memory_space<hbm>>
    tpu.enqueue_dma source(%dma_start3A_120 : memref<5x3x8x64xi32, #tpu.memory_space<hbm>>) target(%dma_start3A_115 : memref<5x3x8x64xi32, #tpu.memory_space<vmem>>) target_semaphore(%arg10 : memref<!tpu.dma_semaphore, #tpu.memory_space<semaphore_mem>>)
    %dma_start3A_121 = arith.constant 0 : i32
    %dma_start3A_122 = arith.constant 0 : i32
    %dma_start3A_123 = arith.constant 0 : i32
    %dma_start3A_124 = tpu.memref_slice %arg8[%dma_start3A_121, %dma_start3A_122, %dma_start3A_123] : memref<2x8x64xi32, #tpu.memory_space<vmem>> -> memref<1x8x64xi32, #tpu.memory_space<vmem>>
    %dma_start3A_125 = tpu.memref_squeeze %dma_start3A_124 : memref<1x8x64xi32, #tpu.memory_space<vmem>> -> memref<8x64xi32, #tpu.memory_space<vmem>>
    %dma_start3A_126 = arith.constant 0 : i32
    %dma_start3A_127 = tpu.memref_slice %arg4[%select_n3A_58, %multiple_of3A, %dma_start3A_126] : memref<16x64x64xi32, #tpu.memory_space<hbm>> -> memref<1x8x64xi32, #tpu.memory_space<hbm>>
    %dma_start3A_128 = tpu.memref_squeeze %dma_start3A_127 : memref<1x8x64xi32, #tpu.memory_space<hbm>> -> memref<8x64xi32, #tpu.memory_space<hbm>>
    %dma_start3A_129 = arith.constant 0 : i32
    %dma_start3A_130 = arith.constant 0 : i32
    %dma_start3A_131 = tpu.memref_slice %arg8[%dma_start3A_121, %dma_start3A_129, %dma_start3A_130] : memref<2x8x64xi32, #tpu.memory_space<vmem>> -> memref<1x8x64xi32, #tpu.memory_space<vmem>>
    %dma_start3A_132 = tpu.memref_squeeze %dma_start3A_131 : memref<1x8x64xi32, #tpu.memory_space<vmem>> -> memref<8x64xi32, #tpu.memory_space<vmem>>
    %dma_start3A_133 = arith.constant 0 : i32
    %dma_start3A_134 = tpu.memref_slice %arg4[%select_n3A_58, %multiple_of3A, %dma_start3A_133] : memref<16x64x64xi32, #tpu.memory_space<hbm>> -> memref<1x8x64xi32, #tpu.memory_space<hbm>>
    %dma_start3A_135 = tpu.memref_squeeze %dma_start3A_134 : memref<1x8x64xi32, #tpu.memory_space<hbm>> -> memref<8x64xi32, #tpu.memory_space<hbm>>
    tpu.enqueue_dma source(%dma_start3A_135 : memref<8x64xi32, #tpu.memory_space<hbm>>) target(%dma_start3A_132 : memref<8x64xi32, #tpu.memory_space<vmem>>) target_semaphore(%arg10 : memref<!tpu.dma_semaphore, #tpu.memory_space<semaphore_mem>>)
    %scan3A = arith.constant 0 : i32
    %scan3A_136 = arith.constant 8 : i32
    %scan3A_137 = arith.addi %scan3A, %scan3A_136 : i32
    %scan3A_138 = arith.constant 1 : i32
    scf.for %scan3A_361 = %scan3A to %scan3A_137 step %scan3A_138  : i32 {
      %mul3A_362 = arith.constant 2 : i32
      %mul3A_363 = arith.muli %scan3A_361, %mul3A_362 : i32
      %add3A_364 = arith.constant 0 : i32
      %add3A_365 = arith.addi %add3A_364, %mul3A_363 : i32
      %add3A_366 = arith.constant 0 : i32
      %add3A_367 = arith.addi %add3A_365, %add3A_366 : i32
      %mul3A_368 = arith.constant 8192 : i32
      %mul3A_369 = arith.muli %select_n3A_30, %mul3A_368 : i32
      %mul3A_370 = arith.constant 512 : i32
      %mul3A_371 = arith.muli %add3A_367, %mul3A_370 : i32
      %add3A_372 = arith.addi %mul3A_369, %mul3A_371 : i32
      %jit3A_373 = arith.constant 4096 : i32
      %div3A_374 = arith.divsi %add3A_372, %jit3A_373 : i32
      %sign3A_375 = arith.constant 0 : i32
      %sign3A_376 = arith.cmpi sgt, %add3A_372, %sign3A_375 : i32
      %sign3A_377 = arith.extui %sign3A_376 : i1 to i32
      %sign3A_378 = arith.constant 0 : i32
      %sign3A_379 = arith.cmpi slt, %add3A_372, %sign3A_378 : i32
      %sign3A_380 = arith.extui %sign3A_379 : i1 to i32
      %sign3A_381 = arith.subi %sign3A_377, %sign3A_380 : i32
      %sign3A_382 = arith.constant 0 : i32
      %sign3A_383 = arith.cmpi sgt, %jit3A_373, %sign3A_382 : i32
      %sign3A_384 = arith.extui %sign3A_383 : i1 to i32
      %sign3A_385 = arith.constant 0 : i32
      %sign3A_386 = arith.cmpi slt, %jit3A_373, %sign3A_385 : i32
      %sign3A_387 = arith.extui %sign3A_386 : i1 to i32
      %sign3A_388 = arith.subi %sign3A_384, %sign3A_387 : i32
      %ne3A_389 = arith.cmpi ne, %sign3A_381, %sign3A_388 : i32
      %rem3A_390 = arith.remsi %add3A_372, %jit3A_373 : i32
      %ne3A_391 = arith.constant 0 : i32
      %ne3A_392 = arith.cmpi ne, %rem3A_390, %ne3A_391 : i32
      %and3A_393 = arith.andi %ne3A_389, %ne3A_392 : i1
      %sub3A_394 = arith.constant 1 : i32
      %sub3A_395 = arith.subi %div3A_374, %sub3A_394 : i32
      %select_n3A_396 = arith.select %and3A_393, %sub3A_395, %div3A_374 : i32
      %jit3A_397 = arith.constant 4096 : i32
      %eq3A_398 = arith.constant 0 : i32
      %eq3A_399 = arith.cmpi eq, %jit3A_397, %eq3A_398 : i32
      %jit3A_400 = arith.constant 1 : i32
      %select_n3A_401 = arith.select %eq3A_399, %jit3A_400, %jit3A_397 : i32
      %rem3A_402 = arith.remsi %add3A_372, %select_n3A_401 : i32
      %ne3A_403 = arith.constant 0 : i32
      %ne3A_404 = arith.cmpi ne, %rem3A_402, %ne3A_403 : i32
      %lt3A_405 = arith.constant 0 : i32
      %lt3A_406 = arith.cmpi slt, %rem3A_402, %lt3A_405 : i32
      %lt3A_407 = arith.constant 0 : i32
      %lt3A_408 = arith.cmpi slt, %select_n3A_401, %lt3A_407 : i32
      %ne3A_409 = arith.xori %lt3A_406, %lt3A_408 : i1
      %and3A_410 = arith.andi %ne3A_409, %ne3A_404 : i1
      %add3A_411 = arith.addi %rem3A_402, %select_n3A_401 : i32
      %select_n3A_412 = arith.select %and3A_410, %add3A_411, %rem3A_402 : i32
      %jit3A_413 = arith.constant 64 : i32
      %div3A_414 = arith.divsi %select_n3A_412, %jit3A_413 : i32
      %sign3A_415 = arith.constant 0 : i32
      %sign3A_416 = arith.cmpi sgt, %select_n3A_412, %sign3A_415 : i32
      %sign3A_417 = arith.extui %sign3A_416 : i1 to i32
      %sign3A_418 = arith.constant 0 : i32
      %sign3A_419 = arith.cmpi slt, %select_n3A_412, %sign3A_418 : i32
      %sign3A_420 = arith.extui %sign3A_419 : i1 to i32
      %sign3A_421 = arith.subi %sign3A_417, %sign3A_420 : i32
      %sign3A_422 = arith.constant 0 : i32
      %sign3A_423 = arith.cmpi sgt, %jit3A_413, %sign3A_422 : i32
      %sign3A_424 = arith.extui %sign3A_423 : i1 to i32
      %sign3A_425 = arith.constant 0 : i32
      %sign3A_426 = arith.cmpi slt, %jit3A_413, %sign3A_425 : i32
      %sign3A_427 = arith.extui %sign3A_426 : i1 to i32
      %sign3A_428 = arith.subi %sign3A_424, %sign3A_427 : i32
      %ne3A_429 = arith.cmpi ne, %sign3A_421, %sign3A_428 : i32
      %rem3A_430 = arith.remsi %select_n3A_412, %jit3A_413 : i32
      %ne3A_431 = arith.constant 0 : i32
      %ne3A_432 = arith.cmpi ne, %rem3A_430, %ne3A_431 : i32
      %and3A_433 = arith.andi %ne3A_429, %ne3A_432 : i1
      %sub3A_434 = arith.constant 1 : i32
      %sub3A_435 = arith.subi %div3A_414, %sub3A_434 : i32
      %select_n3A_436 = arith.select %and3A_433, %sub3A_435, %div3A_414 : i32
      %multiple_of3A_437 = tpu.assume_multiple %select_n3A_436, 8 : i32
      %dma_wait3A_438 = arith.constant 0 : i32
      %dma_wait3A_439 = arith.constant 0 : i32
      %dma_wait3A_440 = arith.constant 0 : i32
      %dma_wait3A_441 = arith.constant 0 : i32
      %dma_wait3A_442 = arith.constant 0 : i32
      %dma_wait3A_443 = tpu.memref_slice %arg7[%dma_wait3A_438, %dma_wait3A_439, %dma_wait3A_440, %dma_wait3A_441, %dma_wait3A_442] : memref<2x5x3x8x64xi32, #tpu.memory_space<vmem>> -> memref<1x5x3x8x64xi32, #tpu.memory_space<vmem>>
      %dma_wait3A_444 = tpu.memref_squeeze %dma_wait3A_443 : memref<1x5x3x8x64xi32, #tpu.memory_space<vmem>> -> memref<5x3x8x64xi32, #tpu.memory_space<vmem>>
      %dma_wait3A_445 = arith.constant 0 : i32
      %dma_wait3A_446 = arith.constant 0 : i32
      %dma_wait3A_447 = arith.constant 0 : i32
      %dma_wait3A_448 = tpu.memref_slice %arg3[%select_n3A_396, %dma_wait3A_445, %dma_wait3A_446, %multiple_of3A_437, %dma_wait3A_447] : memref<16x5x3x64x64xi32, #tpu.memory_space<hbm>> -> memref<1x5x3x8x64xi32, #tpu.memory_space<hbm>>
      %dma_wait3A_449 = tpu.memref_squeeze %dma_wait3A_448 : memref<1x5x3x8x64xi32, #tpu.memory_space<hbm>> -> memref<5x3x8x64xi32, #tpu.memory_space<hbm>>
      %dma_wait3A_450 = arith.constant 0 : i32
      %dma_wait3A_451 = arith.constant 0 : i32
      %dma_wait3A_452 = arith.constant 0 : i32
      %dma_wait3A_453 = arith.constant 0 : i32
      %dma_wait3A_454 = tpu.memref_slice %arg7[%dma_wait3A_438, %dma_wait3A_450, %dma_wait3A_451, %dma_wait3A_452, %dma_wait3A_453] : memref<2x5x3x8x64xi32, #tpu.memory_space<vmem>> -> memref<1x5x3x8x64xi32, #tpu.memory_space<vmem>>
      %dma_wait3A_455 = tpu.memref_squeeze %dma_wait3A_454 : memref<1x5x3x8x64xi32, #tpu.memory_space<vmem>> -> memref<5x3x8x64xi32, #tpu.memory_space<vmem>>
      %dma_wait3A_456 = arith.constant 0 : i32
      %dma_wait3A_457 = arith.constant 0 : i32
      %dma_wait3A_458 = arith.constant 0 : i32
      %dma_wait3A_459 = tpu.memref_slice %arg3[%select_n3A_396, %dma_wait3A_456, %dma_wait3A_457, %multiple_of3A_437, %dma_wait3A_458] : memref<16x5x3x64x64xi32, #tpu.memory_space<hbm>> -> memref<1x5x3x8x64xi32, #tpu.memory_space<hbm>>
      %dma_wait3A_460 = tpu.memref_squeeze %dma_wait3A_459 : memref<1x5x3x8x64xi32, #tpu.memory_space<hbm>> -> memref<5x3x8x64xi32, #tpu.memory_space<hbm>>
      tpu.wait_dma2 semaphore(%arg10 : memref<!tpu.dma_semaphore, #tpu.memory_space<semaphore_mem>>) src(%dma_wait3A_460 : memref<5x3x8x64xi32, #tpu.memory_space<hbm>>) dst(%dma_wait3A_455 : memref<5x3x8x64xi32, #tpu.memory_space<vmem>>)
      %dma_wait3A_461 = arith.constant 0 : i32
      %dma_wait3A_462 = arith.constant 0 : i32
      %dma_wait3A_463 = arith.constant 0 : i32
      %dma_wait3A_464 = tpu.memref_slice %arg8[%dma_wait3A_461, %dma_wait3A_462, %dma_wait3A_463] : memref<2x8x64xi32, #tpu.memory_space<vmem>> -> memref<1x8x64xi32, #tpu.memory_space<vmem>>
      %dma_wait3A_465 = tpu.memref_squeeze %dma_wait3A_464 : memref<1x8x64xi32, #tpu.memory_space<vmem>> -> memref<8x64xi32, #tpu.memory_space<vmem>>
      %dma_wait3A_466 = arith.constant 0 : i32
      %dma_wait3A_467 = tpu.memref_slice %arg4[%select_n3A_396, %multiple_of3A_437, %dma_wait3A_466] : memref<16x64x64xi32, #tpu.memory_space<hbm>> -> memref<1x8x64xi32, #tpu.memory_space<hbm>>
      %dma_wait3A_468 = tpu.memref_squeeze %dma_wait3A_467 : memref<1x8x64xi32, #tpu.memory_space<hbm>> -> memref<8x64xi32, #tpu.memory_space<hbm>>
      %dma_wait3A_469 = arith.constant 0 : i32
      %dma_wait3A_470 = arith.constant 0 : i32
      %dma_wait3A_471 = tpu.memref_slice %arg8[%dma_wait3A_461, %dma_wait3A_469, %dma_wait3A_470] : memref<2x8x64xi32, #tpu.memory_space<vmem>> -> memref<1x8x64xi32, #tpu.memory_space<vmem>>
      %dma_wait3A_472 = tpu.memref_squeeze %dma_wait3A_471 : memref<1x8x64xi32, #tpu.memory_space<vmem>> -> memref<8x64xi32, #tpu.memory_space<vmem>>
      %dma_wait3A_473 = arith.constant 0 : i32
      %dma_wait3A_474 = tpu.memref_slice %arg4[%select_n3A_396, %multiple_of3A_437, %dma_wait3A_473] : memref<16x64x64xi32, #tpu.memory_space<hbm>> -> memref<1x8x64xi32, #tpu.memory_space<hbm>>
      %dma_wait3A_475 = tpu.memref_squeeze %dma_wait3A_474 : memref<1x8x64xi32, #tpu.memory_space<hbm>> -> memref<8x64xi32, #tpu.memory_space<hbm>>
      tpu.wait_dma2 semaphore(%arg10 : memref<!tpu.dma_semaphore, #tpu.memory_space<semaphore_mem>>) src(%dma_wait3A_475 : memref<8x64xi32, #tpu.memory_space<hbm>>) dst(%dma_wait3A_472 : memref<8x64xi32, #tpu.memory_space<vmem>>)
      %add3A_476 = arith.constant 1 : i32
      %add3A_477 = arith.addi %add3A_367, %add3A_476 : i32
      %lt3A_478 = arith.constant 16 : i32
      %lt3A_479 = arith.cmpi slt, %add3A_477, %lt3A_478 : i32
      %convert_element_type3A = arith.extui %lt3A_479 : i1 to i32
      %cond3A = arith.constant 0 : i32
      %cond3A_480 = arith.cmpi ne, %convert_element_type3A, %cond3A : i32
      scf.if %cond3A_480 {
        %add3A_841 = arith.constant 1 : i32
        %add3A_842 = arith.addi %add3A_367, %add3A_841 : i32
        %mul3A_843 = arith.constant 8192 : i32
        %mul3A_844 = arith.muli %select_n3A_30, %mul3A_843 : i32
        %mul3A_845 = arith.constant 512 : i32
        %mul3A_846 = arith.muli %add3A_842, %mul3A_845 : i32
        %add3A_847 = arith.addi %mul3A_844, %mul3A_846 : i32
        %jit3A_848 = arith.constant 4096 : i32
        %div3A_849 = arith.divsi %add3A_847, %jit3A_848 : i32
        %sign3A_850 = arith.constant 0 : i32
        %sign3A_851 = arith.cmpi sgt, %add3A_847, %sign3A_850 : i32
        %sign3A_852 = arith.extui %sign3A_851 : i1 to i32
        %sign3A_853 = arith.constant 0 : i32
        %sign3A_854 = arith.cmpi slt, %add3A_847, %sign3A_853 : i32
        %sign3A_855 = arith.extui %sign3A_854 : i1 to i32
        %sign3A_856 = arith.subi %sign3A_852, %sign3A_855 : i32
        %sign3A_857 = arith.constant 0 : i32
        %sign3A_858 = arith.cmpi sgt, %jit3A_848, %sign3A_857 : i32
        %sign3A_859 = arith.extui %sign3A_858 : i1 to i32
        %sign3A_860 = arith.constant 0 : i32
        %sign3A_861 = arith.cmpi slt, %jit3A_848, %sign3A_860 : i32
        %sign3A_862 = arith.extui %sign3A_861 : i1 to i32
        %sign3A_863 = arith.subi %sign3A_859, %sign3A_862 : i32
        %ne3A_864 = arith.cmpi ne, %sign3A_856, %sign3A_863 : i32
        %rem3A_865 = arith.remsi %add3A_847, %jit3A_848 : i32
        %ne3A_866 = arith.constant 0 : i32
        %ne3A_867 = arith.cmpi ne, %rem3A_865, %ne3A_866 : i32
        %and3A_868 = arith.andi %ne3A_864, %ne3A_867 : i1
        %sub3A_869 = arith.constant 1 : i32
        %sub3A_870 = arith.subi %div3A_849, %sub3A_869 : i32
        %select_n3A_871 = arith.select %and3A_868, %sub3A_870, %div3A_849 : i32
        %jit3A_872 = arith.constant 4096 : i32
        %eq3A_873 = arith.constant 0 : i32
        %eq3A_874 = arith.cmpi eq, %jit3A_872, %eq3A_873 : i32
        %jit3A_875 = arith.constant 1 : i32
        %select_n3A_876 = arith.select %eq3A_874, %jit3A_875, %jit3A_872 : i32
        %rem3A_877 = arith.remsi %add3A_847, %select_n3A_876 : i32
        %ne3A_878 = arith.constant 0 : i32
        %ne3A_879 = arith.cmpi ne, %rem3A_877, %ne3A_878 : i32
        %lt3A_880 = arith.constant 0 : i32
        %lt3A_881 = arith.cmpi slt, %rem3A_877, %lt3A_880 : i32
        %lt3A_882 = arith.constant 0 : i32
        %lt3A_883 = arith.cmpi slt, %select_n3A_876, %lt3A_882 : i32
        %ne3A_884 = arith.xori %lt3A_881, %lt3A_883 : i1
        %and3A_885 = arith.andi %ne3A_884, %ne3A_879 : i1
        %add3A_886 = arith.addi %rem3A_877, %select_n3A_876 : i32
        %select_n3A_887 = arith.select %and3A_885, %add3A_886, %rem3A_877 : i32
        %jit3A_888 = arith.constant 64 : i32
        %div3A_889 = arith.divsi %select_n3A_887, %jit3A_888 : i32
        %sign3A_890 = arith.constant 0 : i32
        %sign3A_891 = arith.cmpi sgt, %select_n3A_887, %sign3A_890 : i32
        %sign3A_892 = arith.extui %sign3A_891 : i1 to i32
        %sign3A_893 = arith.constant 0 : i32
        %sign3A_894 = arith.cmpi slt, %select_n3A_887, %sign3A_893 : i32
        %sign3A_895 = arith.extui %sign3A_894 : i1 to i32
        %sign3A_896 = arith.subi %sign3A_892, %sign3A_895 : i32
        %sign3A_897 = arith.constant 0 : i32
        %sign3A_898 = arith.cmpi sgt, %jit3A_888, %sign3A_897 : i32
        %sign3A_899 = arith.extui %sign3A_898 : i1 to i32
        %sign3A_900 = arith.constant 0 : i32
        %sign3A_901 = arith.cmpi slt, %jit3A_888, %sign3A_900 : i32
        %sign3A_902 = arith.extui %sign3A_901 : i1 to i32
        %sign3A_903 = arith.subi %sign3A_899, %sign3A_902 : i32
        %ne3A_904 = arith.cmpi ne, %sign3A_896, %sign3A_903 : i32
        %rem3A_905 = arith.remsi %select_n3A_887, %jit3A_888 : i32
        %ne3A_906 = arith.constant 0 : i32
        %ne3A_907 = arith.cmpi ne, %rem3A_905, %ne3A_906 : i32
        %and3A_908 = arith.andi %ne3A_904, %ne3A_907 : i1
        %sub3A_909 = arith.constant 1 : i32
        %sub3A_910 = arith.subi %div3A_889, %sub3A_909 : i32
        %select_n3A_911 = arith.select %and3A_908, %sub3A_910, %div3A_889 : i32
        %multiple_of3A_912 = tpu.assume_multiple %select_n3A_911, 8 : i32
        %dma_start3A_913 = arith.constant 1 : i32
        %dma_start3A_914 = arith.constant 0 : i32
        %dma_start3A_915 = arith.constant 0 : i32
        %dma_start3A_916 = arith.constant 0 : i32
        %dma_start3A_917 = arith.constant 0 : i32
        %dma_start3A_918 = tpu.memref_slice %arg7[%dma_start3A_913, %dma_start3A_914, %dma_start3A_915, %dma_start3A_916, %dma_start3A_917] : memref<2x5x3x8x64xi32, #tpu.memory_space<vmem>> -> memref<1x5x3x8x64xi32, #tpu.memory_space<vmem>>
        %dma_start3A_919 = tpu.memref_squeeze %dma_start3A_918 : memref<1x5x3x8x64xi32, #tpu.memory_space<vmem>> -> memref<5x3x8x64xi32, #tpu.memory_space<vmem>>
        %dma_start3A_920 = arith.constant 0 : i32
        %dma_start3A_921 = arith.constant 0 : i32
        %dma_start3A_922 = arith.constant 0 : i32
        %dma_start3A_923 = tpu.memref_slice %arg3[%select_n3A_871, %dma_start3A_920, %dma_start3A_921, %multiple_of3A_912, %dma_start3A_922] : memref<16x5x3x64x64xi32, #tpu.memory_space<hbm>> -> memref<1x5x3x8x64xi32, #tpu.memory_space<hbm>>
        %dma_start3A_924 = tpu.memref_squeeze %dma_start3A_923 : memref<1x5x3x8x64xi32, #tpu.memory_space<hbm>> -> memref<5x3x8x64xi32, #tpu.memory_space<hbm>>
        %dma_start3A_925 = arith.constant 0 : i32
        %dma_start3A_926 = arith.constant 0 : i32
        %dma_start3A_927 = arith.constant 0 : i32
        %dma_start3A_928 = arith.constant 0 : i32
        %dma_start3A_929 = tpu.memref_slice %arg7[%dma_start3A_913, %dma_start3A_925, %dma_start3A_926, %dma_start3A_927, %dma_start3A_928] : memref<2x5x3x8x64xi32, #tpu.memory_space<vmem>> -> memref<1x5x3x8x64xi32, #tpu.memory_space<vmem>>
        %dma_start3A_930 = tpu.memref_squeeze %dma_start3A_929 : memref<1x5x3x8x64xi32, #tpu.memory_space<vmem>> -> memref<5x3x8x64xi32, #tpu.memory_space<vmem>>
        %dma_start3A_931 = arith.constant 0 : i32
        %dma_start3A_932 = arith.constant 0 : i32
        %dma_start3A_933 = arith.constant 0 : i32
        %dma_start3A_934 = tpu.memref_slice %arg3[%select_n3A_871, %dma_start3A_931, %dma_start3A_932, %multiple_of3A_912, %dma_start3A_933] : memref<16x5x3x64x64xi32, #tpu.memory_space<hbm>> -> memref<1x5x3x8x64xi32, #tpu.memory_space<hbm>>
        %dma_start3A_935 = tpu.memref_squeeze %dma_start3A_934 : memref<1x5x3x8x64xi32, #tpu.memory_space<hbm>> -> memref<5x3x8x64xi32, #tpu.memory_space<hbm>>
        tpu.enqueue_dma source(%dma_start3A_935 : memref<5x3x8x64xi32, #tpu.memory_space<hbm>>) target(%dma_start3A_930 : memref<5x3x8x64xi32, #tpu.memory_space<vmem>>) target_semaphore(%arg10 : memref<!tpu.dma_semaphore, #tpu.memory_space<semaphore_mem>>)
        %dma_start3A_936 = arith.constant 1 : i32
        %dma_start3A_937 = arith.constant 0 : i32
        %dma_start3A_938 = arith.constant 0 : i32
        %dma_start3A_939 = tpu.memref_slice %arg8[%dma_start3A_936, %dma_start3A_937, %dma_start3A_938] : memref<2x8x64xi32, #tpu.memory_space<vmem>> -> memref<1x8x64xi32, #tpu.memory_space<vmem>>
        %dma_start3A_940 = tpu.memref_squeeze %dma_start3A_939 : memref<1x8x64xi32, #tpu.memory_space<vmem>> -> memref<8x64xi32, #tpu.memory_space<vmem>>
        %dma_start3A_941 = arith.constant 0 : i32
        %dma_start3A_942 = tpu.memref_slice %arg4[%select_n3A_871, %multiple_of3A_912, %dma_start3A_941] : memref<16x64x64xi32, #tpu.memory_space<hbm>> -> memref<1x8x64xi32, #tpu.memory_space<hbm>>
        %dma_start3A_943 = tpu.memref_squeeze %dma_start3A_942 : memref<1x8x64xi32, #tpu.memory_space<hbm>> -> memref<8x64xi32, #tpu.memory_space<hbm>>
        %dma_start3A_944 = arith.constant 0 : i32
        %dma_start3A_945 = arith.constant 0 : i32
        %dma_start3A_946 = tpu.memref_slice %arg8[%dma_start3A_936, %dma_start3A_944, %dma_start3A_945] : memref<2x8x64xi32, #tpu.memory_space<vmem>> -> memref<1x8x64xi32, #tpu.memory_space<vmem>>
        %dma_start3A_947 = tpu.memref_squeeze %dma_start3A_946 : memref<1x8x64xi32, #tpu.memory_space<vmem>> -> memref<8x64xi32, #tpu.memory_space<vmem>>
        %dma_start3A_948 = arith.constant 0 : i32
        %dma_start3A_949 = tpu.memref_slice %arg4[%select_n3A_871, %multiple_of3A_912, %dma_start3A_948] : memref<16x64x64xi32, #tpu.memory_space<hbm>> -> memref<1x8x64xi32, #tpu.memory_space<hbm>>
        %dma_start3A_950 = tpu.memref_squeeze %dma_start3A_949 : memref<1x8x64xi32, #tpu.memory_space<hbm>> -> memref<8x64xi32, #tpu.memory_space<hbm>>
        tpu.enqueue_dma source(%dma_start3A_950 : memref<8x64xi32, #tpu.memory_space<hbm>>) target(%dma_start3A_947 : memref<8x64xi32, #tpu.memory_space<vmem>>) target_semaphore(%arg10 : memref<!tpu.dma_semaphore, #tpu.memory_space<semaphore_mem>>)
      } else {
      }
      %ge3A = arith.constant 2 : i32
      %ge3A_481 = arith.cmpi sge, %add3A_367, %ge3A : i32
      %convert_element_type3A_482 = arith.extui %ge3A_481 : i1 to i32
      %cond3A_483 = arith.constant 0 : i32
      %cond3A_484 = arith.cmpi ne, %convert_element_type3A_482, %cond3A_483 : i32
      scf.if %cond3A_484 {
        %sub3A_841 = arith.constant 2 : i32
        %sub3A_842 = arith.subi %add3A_367, %sub3A_841 : i32
        %mul3A_843 = arith.constant 8192 : i32
        %mul3A_844 = arith.muli %select_n3A_30, %mul3A_843 : i32
        %mul3A_845 = arith.constant 512 : i32
        %mul3A_846 = arith.muli %sub3A_842, %mul3A_845 : i32
        %add3A_847 = arith.addi %mul3A_844, %mul3A_846 : i32
        %jit3A_848 = arith.constant 4096 : i32
        %div3A_849 = arith.divsi %add3A_847, %jit3A_848 : i32
        %sign3A_850 = arith.constant 0 : i32
        %sign3A_851 = arith.cmpi sgt, %add3A_847, %sign3A_850 : i32
        %sign3A_852 = arith.extui %sign3A_851 : i1 to i32
        %sign3A_853 = arith.constant 0 : i32
        %sign3A_854 = arith.cmpi slt, %add3A_847, %sign3A_853 : i32
        %sign3A_855 = arith.extui %sign3A_854 : i1 to i32
        %sign3A_856 = arith.subi %sign3A_852, %sign3A_855 : i32
        %sign3A_857 = arith.constant 0 : i32
        %sign3A_858 = arith.cmpi sgt, %jit3A_848, %sign3A_857 : i32
        %sign3A_859 = arith.extui %sign3A_858 : i1 to i32
        %sign3A_860 = arith.constant 0 : i32
        %sign3A_861 = arith.cmpi slt, %jit3A_848, %sign3A_860 : i32
        %sign3A_862 = arith.extui %sign3A_861 : i1 to i32
        %sign3A_863 = arith.subi %sign3A_859, %sign3A_862 : i32
        %ne3A_864 = arith.cmpi ne, %sign3A_856, %sign3A_863 : i32
        %rem3A_865 = arith.remsi %add3A_847, %jit3A_848 : i32
        %ne3A_866 = arith.constant 0 : i32
        %ne3A_867 = arith.cmpi ne, %rem3A_865, %ne3A_866 : i32
        %and3A_868 = arith.andi %ne3A_864, %ne3A_867 : i1
        %sub3A_869 = arith.constant 1 : i32
        %sub3A_870 = arith.subi %div3A_849, %sub3A_869 : i32
        %select_n3A_871 = arith.select %and3A_868, %sub3A_870, %div3A_849 : i32
        %jit3A_872 = arith.constant 4096 : i32
        %eq3A_873 = arith.constant 0 : i32
        %eq3A_874 = arith.cmpi eq, %jit3A_872, %eq3A_873 : i32
        %jit3A_875 = arith.constant 1 : i32
        %select_n3A_876 = arith.select %eq3A_874, %jit3A_875, %jit3A_872 : i32
        %rem3A_877 = arith.remsi %add3A_847, %select_n3A_876 : i32
        %ne3A_878 = arith.constant 0 : i32
        %ne3A_879 = arith.cmpi ne, %rem3A_877, %ne3A_878 : i32
        %lt3A_880 = arith.constant 0 : i32
        %lt3A_881 = arith.cmpi slt, %rem3A_877, %lt3A_880 : i32
        %lt3A_882 = arith.constant 0 : i32
        %lt3A_883 = arith.cmpi slt, %select_n3A_876, %lt3A_882 : i32
        %ne3A_884 = arith.xori %lt3A_881, %lt3A_883 : i1
        %and3A_885 = arith.andi %ne3A_884, %ne3A_879 : i1
        %add3A_886 = arith.addi %rem3A_877, %select_n3A_876 : i32
        %select_n3A_887 = arith.select %and3A_885, %add3A_886, %rem3A_877 : i32
        %jit3A_888 = arith.constant 64 : i32
        %div3A_889 = arith.divsi %select_n3A_887, %jit3A_888 : i32
        %sign3A_890 = arith.constant 0 : i32
        %sign3A_891 = arith.cmpi sgt, %select_n3A_887, %sign3A_890 : i32
        %sign3A_892 = arith.extui %sign3A_891 : i1 to i32
        %sign3A_893 = arith.constant 0 : i32
        %sign3A_894 = arith.cmpi slt, %select_n3A_887, %sign3A_893 : i32
        %sign3A_895 = arith.extui %sign3A_894 : i1 to i32
        %sign3A_896 = arith.subi %sign3A_892, %sign3A_895 : i32
        %sign3A_897 = arith.constant 0 : i32
        %sign3A_898 = arith.cmpi sgt, %jit3A_888, %sign3A_897 : i32
        %sign3A_899 = arith.extui %sign3A_898 : i1 to i32
        %sign3A_900 = arith.constant 0 : i32
        %sign3A_901 = arith.cmpi slt, %jit3A_888, %sign3A_900 : i32
        %sign3A_902 = arith.extui %sign3A_901 : i1 to i32
        %sign3A_903 = arith.subi %sign3A_899, %sign3A_902 : i32
        %ne3A_904 = arith.cmpi ne, %sign3A_896, %sign3A_903 : i32
        %rem3A_905 = arith.remsi %select_n3A_887, %jit3A_888 : i32
        %ne3A_906 = arith.constant 0 : i32
        %ne3A_907 = arith.cmpi ne, %rem3A_905, %ne3A_906 : i32
        %and3A_908 = arith.andi %ne3A_904, %ne3A_907 : i1
        %sub3A_909 = arith.constant 1 : i32
        %sub3A_910 = arith.subi %div3A_889, %sub3A_909 : i32
        %select_n3A_911 = arith.select %and3A_908, %sub3A_910, %div3A_889 : i32
        %multiple_of3A_912 = tpu.assume_multiple %select_n3A_911, 8 : i32
        %mul3A_913 = arith.constant 4 : i32
        %mul3A_914 = arith.muli %select_n3A_9, %mul3A_913 : i32
        %mul3A_915 = arith.constant 4 : i32
        %mul3A_916 = arith.muli %select_n3A_9, %mul3A_915 : i32
        %add3A_917 = arith.constant 16 : i32
        %add3A_918 = arith.addi %add3A_917, %mul3A_916 : i32
        %dma_wait3A_919 = arith.constant 0 : i32
        %dma_wait3A_920 = arith.constant 0 : i32
        %dma_wait3A_921 = arith.constant 0 : i32
        %dma_wait3A_922 = arith.constant 0 : i32
        %dma_wait3A_923 = arith.constant 0 : i32
        %dma_wait3A_924 = tpu.memref_slice %arg9[%dma_wait3A_919, %dma_wait3A_921, %dma_wait3A_920, %dma_wait3A_922, %dma_wait3A_923] : memref<2x8x2x4x64xf32, #tpu.memory_space<vmem>> -> memref<1x8x1x4x64xf32, #tpu.memory_space<vmem>>
        %dma_wait3A_925 = tpu.memref_squeeze %dma_wait3A_924 : memref<1x8x1x4x64xf32, #tpu.memory_space<vmem>> -> memref<8x4x64xf32, #tpu.memory_space<vmem>>
        %dma_wait3A_926 = arith.constant 0 : i32
        %dma_wait3A_927 = tpu.memref_slice %arg5[%select_n3A_871, %multiple_of3A_912, %mul3A_914, %dma_wait3A_926] : memref<16x64x32x64xf32, #tpu.memory_space<hbm>> -> memref<1x8x4x64xf32, #tpu.memory_space<hbm>>
        %dma_wait3A_928 = tpu.memref_squeeze %dma_wait3A_927 : memref<1x8x4x64xf32, #tpu.memory_space<hbm>> -> memref<8x4x64xf32, #tpu.memory_space<hbm>>
        %dma_wait3A_929 = arith.constant 0 : i32
        %dma_wait3A_930 = tpu.memref_slice %arg5[%select_n3A_871, %multiple_of3A_912, %mul3A_914, %dma_wait3A_929] : memref<16x64x32x64xf32, #tpu.memory_space<hbm>> -> memref<1x8x4x64xf32, #tpu.memory_space<hbm>>
        %dma_wait3A_931 = tpu.memref_squeeze %dma_wait3A_930 : memref<1x8x4x64xf32, #tpu.memory_space<hbm>> -> memref<8x4x64xf32, #tpu.memory_space<hbm>>
        %dma_wait3A_932 = arith.constant 0 : i32
        %dma_wait3A_933 = arith.constant 0 : i32
        %dma_wait3A_934 = arith.constant 0 : i32
        %dma_wait3A_935 = tpu.memref_slice %arg9[%dma_wait3A_919, %dma_wait3A_932, %dma_wait3A_920, %dma_wait3A_933, %dma_wait3A_934] : memref<2x8x2x4x64xf32, #tpu.memory_space<vmem>> -> memref<1x8x1x4x64xf32, #tpu.memory_space<vmem>>
        %dma_wait3A_936 = tpu.memref_squeeze %dma_wait3A_935 : memref<1x8x1x4x64xf32, #tpu.memory_space<vmem>> -> memref<8x4x64xf32, #tpu.memory_space<vmem>>
        tpu.wait_dma2 semaphore(%arg11 : memref<!tpu.dma_semaphore, #tpu.memory_space<semaphore_mem>>) src(%dma_wait3A_936 : memref<8x4x64xf32, #tpu.memory_space<vmem>>) dst(%dma_wait3A_931 : memref<8x4x64xf32, #tpu.memory_space<hbm>>)
        %dma_wait3A_937 = arith.constant 0 : i32
        %dma_wait3A_938 = arith.constant 1 : i32
        %dma_wait3A_939 = arith.constant 0 : i32
        %dma_wait3A_940 = arith.constant 0 : i32
        %dma_wait3A_941 = arith.constant 0 : i32
        %dma_wait3A_942 = tpu.memref_slice %arg9[%dma_wait3A_937, %dma_wait3A_939, %dma_wait3A_938, %dma_wait3A_940, %dma_wait3A_941] : memref<2x8x2x4x64xf32, #tpu.memory_space<vmem>> -> memref<1x8x1x4x64xf32, #tpu.memory_space<vmem>>
        %dma_wait3A_943 = tpu.memref_squeeze %dma_wait3A_942 : memref<1x8x1x4x64xf32, #tpu.memory_space<vmem>> -> memref<8x4x64xf32, #tpu.memory_space<vmem>>
        %dma_wait3A_944 = arith.constant 0 : i32
        %dma_wait3A_945 = tpu.memref_slice %arg5[%select_n3A_871, %multiple_of3A_912, %add3A_918, %dma_wait3A_944] : memref<16x64x32x64xf32, #tpu.memory_space<hbm>> -> memref<1x8x4x64xf32, #tpu.memory_space<hbm>>
        %dma_wait3A_946 = tpu.memref_squeeze %dma_wait3A_945 : memref<1x8x4x64xf32, #tpu.memory_space<hbm>> -> memref<8x4x64xf32, #tpu.memory_space<hbm>>
        %dma_wait3A_947 = arith.constant 0 : i32
        %dma_wait3A_948 = tpu.memref_slice %arg5[%select_n3A_871, %multiple_of3A_912, %add3A_918, %dma_wait3A_947] : memref<16x64x32x64xf32, #tpu.memory_space<hbm>> -> memref<1x8x4x64xf32, #tpu.memory_space<hbm>>
        %dma_wait3A_949 = tpu.memref_squeeze %dma_wait3A_948 : memref<1x8x4x64xf32, #tpu.memory_space<hbm>> -> memref<8x4x64xf32, #tpu.memory_space<hbm>>
        %dma_wait3A_950 = arith.constant 0 : i32
        %dma_wait3A_951 = arith.constant 0 : i32
        %dma_wait3A_952 = arith.constant 0 : i32
        %dma_wait3A_953 = tpu.memref_slice %arg9[%dma_wait3A_937, %dma_wait3A_950, %dma_wait3A_938, %dma_wait3A_951, %dma_wait3A_952] : memref<2x8x2x4x64xf32, #tpu.memory_space<vmem>> -> memref<1x8x1x4x64xf32, #tpu.memory_space<vmem>>
        %dma_wait3A_954 = tpu.memref_squeeze %dma_wait3A_953 : memref<1x8x1x4x64xf32, #tpu.memory_space<vmem>> -> memref<8x4x64xf32, #tpu.memory_space<vmem>>
        tpu.wait_dma2 semaphore(%arg11 : memref<!tpu.dma_semaphore, #tpu.memory_space<semaphore_mem>>) src(%dma_wait3A_954 : memref<8x4x64xf32, #tpu.memory_space<vmem>>) dst(%dma_wait3A_949 : memref<8x4x64xf32, #tpu.memory_space<hbm>>)
      } else {
      }
      %scan3A_485 = arith.constant 0 : i32
      %scan3A_486 = arith.constant 32 : i32
      %scan3A_487 = arith.addi %scan3A_485, %scan3A_486 : i32
      %scan3A_488 = arith.constant 1 : i32
      scf.for %scan3A_841 = %scan3A_485 to %scan3A_487 step %scan3A_488  : i32 {
        %mul3A_842 = arith.constant 1 : i32
        %mul3A_843 = arith.muli %scan3A_841, %mul3A_842 : i32
        %add3A_844 = arith.constant 0 : i32
        %add3A_845 = arith.addi %add3A_844, %mul3A_843 : i32
        %jit3A_846 = arith.constant 4 : i32
        %div3A_847 = arith.divsi %add3A_845, %jit3A_846 : i32
        %sign3A_848 = arith.constant 0 : i32
        %sign3A_849 = arith.cmpi sgt, %add3A_845, %sign3A_848 : i32
        %sign3A_850 = arith.extui %sign3A_849 : i1 to i32
        %sign3A_851 = arith.constant 0 : i32
        %sign3A_852 = arith.cmpi slt, %add3A_845, %sign3A_851 : i32
        %sign3A_853 = arith.extui %sign3A_852 : i1 to i32
        %sign3A_854 = arith.subi %sign3A_850, %sign3A_853 : i32
        %sign3A_855 = arith.constant 0 : i32
        %sign3A_856 = arith.cmpi sgt, %jit3A_846, %sign3A_855 : i32
        %sign3A_857 = arith.extui %sign3A_856 : i1 to i32
        %sign3A_858 = arith.constant 0 : i32
        %sign3A_859 = arith.cmpi slt, %jit3A_846, %sign3A_858 : i32
        %sign3A_860 = arith.extui %sign3A_859 : i1 to i32
        %sign3A_861 = arith.subi %sign3A_857, %sign3A_860 : i32
        %ne3A_862 = arith.cmpi ne, %sign3A_854, %sign3A_861 : i32
        %rem3A_863 = arith.remsi %add3A_845, %jit3A_846 : i32
        %ne3A_864 = arith.constant 0 : i32
        %ne3A_865 = arith.cmpi ne, %rem3A_863, %ne3A_864 : i32
        %and3A_866 = arith.andi %ne3A_862, %ne3A_865 : i1
        %sub3A_867 = arith.constant 1 : i32
        %sub3A_868 = arith.subi %div3A_847, %sub3A_867 : i32
        %select_n3A_869 = arith.select %and3A_866, %sub3A_868, %div3A_847 : i32
        %jit3A_870 = arith.constant 4 : i32
        %eq3A_871 = arith.constant 0 : i32
        %eq3A_872 = arith.cmpi eq, %jit3A_870, %eq3A_871 : i32
        %jit3A_873 = arith.constant 1 : i32
        %select_n3A_874 = arith.select %eq3A_872, %jit3A_873, %jit3A_870 : i32
        %rem3A_875 = arith.remsi %add3A_845, %select_n3A_874 : i32
        %ne3A_876 = arith.constant 0 : i32
        %ne3A_877 = arith.cmpi ne, %rem3A_875, %ne3A_876 : i32
        %lt3A_878 = arith.constant 0 : i32
        %lt3A_879 = arith.cmpi slt, %rem3A_875, %lt3A_878 : i32
        %lt3A_880 = arith.constant 0 : i32
        %lt3A_881 = arith.cmpi slt, %select_n3A_874, %lt3A_880 : i32
        %ne3A_882 = arith.xori %lt3A_879, %lt3A_881 : i1
        %and3A_883 = arith.andi %ne3A_882, %ne3A_877 : i1
        %add3A_884 = arith.addi %rem3A_875, %select_n3A_874 : i32
        %select_n3A_885 = arith.select %and3A_883, %add3A_884, %rem3A_875 : i32
        %mul3A_886 = arith.constant 16 : i32
        %mul3A_887 = arith.muli %select_n3A_885, %mul3A_886 : i32
        %get3A = arith.constant 0 : i32
        %get3A_888 = arith.index_cast %get3A : i32 to index
        %get3A_889 = arith.index_cast %select_n3A_869 : i32 to index
        %get3A_890 = arith.index_cast %mul3A_887 : i32 to index
        %get3A_891 = tpu.vector_load %arg8[%get3A_888, %get3A_889, %get3A_890] {strides = array<i32>} : memref<2x8x64xi32, #tpu.memory_space<vmem>>, vector<16xi32>,
        %sub3A_892 = arith.constant 1 : i32
        %sub3A_893 = vector.broadcast %sub3A_892 : i32 to vector<16xi32>
        %sub3A_894 = arith.subi %get3A_891, %sub3A_893 : vector<16xi32>
        %max3A = arith.constant 1 : i32
        %max3A_895 = vector.broadcast %max3A : i32 to vector<16xi32>
        %max3A_896 = arith.maxsi %sub3A_894, %max3A_895 : vector<16xi32>
        %min3A = arith.constant 5 : i32
        %min3A_897 = vector.broadcast %min3A : i32 to vector<16xi32>
        %min3A_898 = arith.minsi %max3A_896, %min3A_897 : vector<16xi32>
        %convert_element_type3A_899 = arith.sitofp %min3A_898 : vector<16xi32> to vector<16xf32>
        %div3A_900 = arith.constant 0.333333343 : f32
        %div3A_901 = vector.broadcast %div3A_900 : f32 to vector<16xf32>
        %div3A_902 = arith.divf %div3A_901, %convert_element_type3A_899 : vector<16xf32>
        %pack3A = tpu.pack_subelements %div3A_902, %div3A_902 {pack_format = #tpu.pack_format<interleaved>, positions = array<i32: 0, 1>} : vector<16xf32>, vector<16xf32> -> vector<32xbf16>
        %get3A_903 = arith.constant 0 : i32
        %get3A_904 = arith.constant 0 : i32
        %get3A_905 = arith.constant 0 : i32
        %get3A_906 = arith.index_cast %get3A_903 : i32 to index
        %get3A_907 = arith.index_cast %get3A_904 : i32 to index
        %get3A_908 = arith.index_cast %get3A_905 : i32 to index
        %get3A_909 = arith.index_cast %select_n3A_869 : i32 to index
        %get3A_910 = arith.index_cast %mul3A_887 : i32 to index
        %get3A_911 = tpu.vector_load %arg7[%get3A_906, %get3A_907, %get3A_908, %get3A_909, %get3A_910] {strides = array<i32>} : memref<2x5x3x8x64xi32, #tpu.memory_space<vmem>>, vector<16xi32>,
        %gather3A = arith.constant 0 : i32
        %gather3A_912 = tpu.memref_slice %arg6[%gather3A] : memref<37056xi32, #tpu.memory_space<vmem>> -> memref<1544xi32, #tpu.memory_space<vmem>>
        %gather3A_913 = tpu.vector_load_idx %gather3A_912[%get3A_911] : memref<1544xi32, #tpu.memory_space<vmem>>[vector<16xi32>], vector<16xi32>,
        %bitcast3A = vector.bitcast %gather3A_913 : vector<16xi32> to vector<32xbf16>
        %gather3A_914 = arith.constant 1544 : i32
        %gather3A_915 = tpu.memref_slice %arg6[%gather3A_914] : memref<37056xi32, #tpu.memory_space<vmem>> -> memref<1544xi32, #tpu.memory_space<vmem>>
        %gather3A_916 = tpu.vector_load_idx %gather3A_915[%get3A_911] : memref<1544xi32, #tpu.memory_space<vmem>>[vector<16xi32>], vector<16xi32>,
        %bitcast3A_917 = vector.bitcast %gather3A_916 : vector<16xi32> to vector<32xbf16>
        %gather3A_918 = arith.constant 3088 : i32
        %gather3A_919 = tpu.memref_slice %arg6[%gather3A_918] : memref<37056xi32, #tpu.memory_space<vmem>> -> memref<1544xi32, #tpu.memory_space<vmem>>
        %gather3A_920 = tpu.vector_load_idx %gather3A_919[%get3A_911] : memref<1544xi32, #tpu.memory_space<vmem>>[vector<16xi32>], vector<16xi32>,
        %bitcast3A_921 = vector.bitcast %gather3A_920 : vector<16xi32> to vector<32xbf16>
        %gather3A_922 = arith.constant 4632 : i32
        %gather3A_923 = tpu.memref_slice %arg6[%gather3A_922] : memref<37056xi32, #tpu.memory_space<vmem>> -> memref<1544xi32, #tpu.memory_space<vmem>>
        %gather3A_924 = tpu.vector_load_idx %gather3A_923[%get3A_911] : memref<1544xi32, #tpu.memory_space<vmem>>[vector<16xi32>], vector<16xi32>,
        %bitcast3A_925 = vector.bitcast %gather3A_924 : vector<16xi32> to vector<32xbf16>
        %get3A_926 = arith.constant 0 : i32
        %get3A_927 = arith.constant 0 : i32
        %get3A_928 = arith.constant 1 : i32
        %get3A_929 = arith.index_cast %get3A_926 : i32 to index
        %get3A_930 = arith.index_cast %get3A_927 : i32 to index
        %get3A_931 = arith.index_cast %get3A_928 : i32 to index
        %get3A_932 = arith.index_cast %select_n3A_869 : i32 to index
        %get3A_933 = arith.index_cast %mul3A_887 : i32 to index
        %get3A_934 = tpu.vector_load %arg7[%get3A_929, %get3A_930, %get3A_931, %get3A_932, %get3A_933] {strides = array<i32>} : memref<2x5x3x8x64xi32, #tpu.memory_space<vmem>>, vector<16xi32>,
        %gather3A_935 = arith.constant 0 : i32
        %gather3A_936 = tpu.memref_slice %arg6[%gather3A_935] : memref<37056xi32, #tpu.memory_space<vmem>> -> memref<1544xi32, #tpu.memory_space<vmem>>
        %gather3A_937 = tpu.vector_load_idx %gather3A_936[%get3A_934] : memref<1544xi32, #tpu.memory_space<vmem>>[vector<16xi32>], vector<16xi32>,
        %bitcast3A_938 = vector.bitcast %gather3A_937 : vector<16xi32> to vector<32xbf16>
        %add3A_939 = arith.addf %bitcast3A, %bitcast3A_938 : vector<32xbf16>
        %gather3A_940 = arith.constant 1544 : i32
        %gather3A_941 = tpu.memref_slice %arg6[%gather3A_940] : memref<37056xi32, #tpu.memory_space<vmem>> -> memref<1544xi32, #tpu.memory_space<vmem>>
        %gather3A_942 = tpu.vector_load_idx %gather3A_941[%get3A_934] : memref<1544xi32, #tpu.memory_space<vmem>>[vector<16xi32>], vector<16xi32>,
        %bitcast3A_943 = vector.bitcast %gather3A_942 : vector<16xi32> to vector<32xbf16>
        %add3A_944 = arith.addf %bitcast3A_917, %bitcast3A_943 : vector<32xbf16>
        %gather3A_945 = arith.constant 3088 : i32
        %gather3A_946 = tpu.memref_slice %arg6[%gather3A_945] : memref<37056xi32, #tpu.memory_space<vmem>> -> memref<1544xi32, #tpu.memory_space<vmem>>
        %gather3A_947 = tpu.vector_load_idx %gather3A_946[%get3A_934] : memref<1544xi32, #tpu.memory_space<vmem>>[vector<16xi32>], vector<16xi32>,
        %bitcast3A_948 = vector.bitcast %gather3A_947 : vector<16xi32> to vector<32xbf16>
        %add3A_949 = arith.addf %bitcast3A_921, %bitcast3A_948 : vector<32xbf16>
        %gather3A_950 = arith.constant 4632 : i32
        %gather3A_951 = tpu.memref_slice %arg6[%gather3A_950] : memref<37056xi32, #tpu.memory_space<vmem>> -> memref<1544xi32, #tpu.memory_space<vmem>>
        %gather3A_952 = tpu.vector_load_idx %gather3A_951[%get3A_934] : memref<1544xi32, #tpu.memory_space<vmem>>[vector<16xi32>], vector<16xi32>,
        %bitcast3A_953 = vector.bitcast %gather3A_952 : vector<16xi32> to vector<32xbf16>
        %add3A_954 = arith.addf %bitcast3A_925, %bitcast3A_953 : vector<32xbf16>
        %get3A_955 = arith.constant 0 : i32
        %get3A_956 = arith.constant 0 : i32
        %get3A_957 = arith.constant 2 : i32
        %get3A_958 = arith.index_cast %get3A_955 : i32 to index
        %get3A_959 = arith.index_cast %get3A_956 : i32 to index
        %get3A_960 = arith.index_cast %get3A_957 : i32 to index
        %get3A_961 = arith.index_cast %select_n3A_869 : i32 to index
        %get3A_962 = arith.index_cast %mul3A_887 : i32 to index
        %get3A_963 = tpu.vector_load %arg7[%get3A_958, %get3A_959, %get3A_960, %get3A_961, %get3A_962] {strides = array<i32>} : memref<2x5x3x8x64xi32, #tpu.memory_space<vmem>>, vector<16xi32>,
        %gather3A_964 = arith.constant 0 : i32
        %gather3A_965 = tpu.memref_slice %arg6[%gather3A_964] : memref<37056xi32, #tpu.memory_space<vmem>> -> memref<1544xi32, #tpu.memory_space<vmem>>
        %gather3A_966 = tpu.vector_load_idx %gather3A_965[%get3A_963] : memref<1544xi32, #tpu.memory_space<vmem>>[vector<16xi32>], vector<16xi32>,
        %bitcast3A_967 = vector.bitcast %gather3A_966 : vector<16xi32> to vector<32xbf16>
        %add3A_968 = arith.addf %add3A_939, %bitcast3A_967 : vector<32xbf16>
        %gather3A_969 = arith.constant 1544 : i32
        %gather3A_970 = tpu.memref_slice %arg6[%gather3A_969] : memref<37056xi32, #tpu.memory_space<vmem>> -> memref<1544xi32, #tpu.memory_space<vmem>>
        %gather3A_971 = tpu.vector_load_idx %gather3A_970[%get3A_963] : memref<1544xi32, #tpu.memory_space<vmem>>[vector<16xi32>], vector<16xi32>,
        %bitcast3A_972 = vector.bitcast %gather3A_971 : vector<16xi32> to vector<32xbf16>
        %add3A_973 = arith.addf %add3A_944, %bitcast3A_972 : vector<32xbf16>
        %gather3A_974 = arith.constant 3088 : i32
        %gather3A_975 = tpu.memref_slice %arg6[%gather3A_974] : memref<37056xi32, #tpu.memory_space<vmem>> -> memref<1544xi32, #tpu.memory_space<vmem>>
        %gather3A_976 = tpu.vector_load_idx %gather3A_975[%get3A_963] : memref<1544xi32, #tpu.memory_space<vmem>>[vector<16xi32>], vector<16xi32>,
        %bitcast3A_977 = vector.bitcast %gather3A_976 : vector<16xi32> to vector<32xbf16>
        %add3A_978 = arith.addf %add3A_949, %bitcast3A_977 : vector<32xbf16>
        %gather3A_979 = arith.constant 4632 : i32
        %gather3A_980 = tpu.memref_slice %arg6[%gather3A_979] : memref<37056xi32, #tpu.memory_space<vmem>> -> memref<1544xi32, #tpu.memory_space<vmem>>
        %gather3A_981 = tpu.vector_load_idx %gather3A_980[%get3A_963] : memref<1544xi32, #tpu.memory_space<vmem>>[vector<16xi32>], vector<16xi32>,
        %bitcast3A_982 = vector.bitcast %gather3A_981 : vector<16xi32> to vector<32xbf16>
        %add3A_983 = arith.addf %add3A_954, %bitcast3A_982 : vector<32xbf16>
        %get3A_984 = arith.constant 0 : i32
        %get3A_985 = arith.constant 1 : i32
        %get3A_986 = arith.constant 0 : i32
        %get3A_987 = arith.index_cast %get3A_984 : i32 to index
        %get3A_988 = arith.index_cast %get3A_985 : i32 to index
        %get3A_989 = arith.index_cast %get3A_986 : i32 to index
        %get3A_990 = arith.index_cast %select_n3A_869 : i32 to index
        %get3A_991 = arith.index_cast %mul3A_887 : i32 to index
        %get3A_992 = tpu.vector_load %arg7[%get3A_987, %get3A_988, %get3A_989, %get3A_990, %get3A_991] {strides = array<i32>} : memref<2x5x3x8x64xi32, #tpu.memory_space<vmem>>, vector<16xi32>,
        %gather3A_993 = arith.constant 6176 : i32
        %gather3A_994 = tpu.memref_slice %arg6[%gather3A_993] : memref<37056xi32, #tpu.memory_space<vmem>> -> memref<1544xi32, #tpu.memory_space<vmem>>
        %gather3A_995 = tpu.vector_load_idx %gather3A_994[%get3A_992] : memref<1544xi32, #tpu.memory_space<vmem>>[vector<16xi32>], vector<16xi32>,
        %bitcast3A_996 = vector.bitcast %gather3A_995 : vector<16xi32> to vector<32xbf16>
        %add3A_997 = arith.addf %add3A_968, %bitcast3A_996 : vector<32xbf16>
        %gather3A_998 = arith.constant 7720 : i32
        %gather3A_999 = tpu.memref_slice %arg6[%gather3A_998] : memref<37056xi32, #tpu.memory_space<vmem>> -> memref<1544xi32, #tpu.memory_space<vmem>>
        %gather3A_1000 = tpu.vector_load_idx %gather3A_999[%get3A_992] : memref<1544xi32, #tpu.memory_space<vmem>>[vector<16xi32>], vector<16xi32>,
        %bitcast3A_1001 = vector.bitcast %gather3A_1000 : vector<16xi32> to vector<32xbf16>
        %add3A_1002 = arith.addf %add3A_973, %bitcast3A_1001 : vector<32xbf16>
        %gather3A_1003 = arith.constant 9264 : i32
        %gather3A_1004 = tpu.memref_slice %arg6[%gather3A_1003] : memref<37056xi32, #tpu.memory_space<vmem>> -> memref<1544xi32, #tpu.memory_space<vmem>>
        %gather3A_1005 = tpu.vector_load_idx %gather3A_1004[%get3A_992] : memref<1544xi32, #tpu.memory_space<vmem>>[vector<16xi32>], vector<16xi32>,
        %bitcast3A_1006 = vector.bitcast %gather3A_1005 : vector<16xi32> to vector<32xbf16>
        %add3A_1007 = arith.addf %add3A_978, %bitcast3A_1006 : vector<32xbf16>
        %gather3A_1008 = arith.constant 10808 : i32
        %gather3A_1009 = tpu.memref_slice %arg6[%gather3A_1008] : memref<37056xi32, #tpu.memory_space<vmem>> -> memref<1544xi32, #tpu.memory_space<vmem>>
        %gather3A_1010 = tpu.vector_load_idx %gather3A_1009[%get3A_992] : memref<1544xi32, #tpu.memory_space<vmem>>[vector<16xi32>], vector<16xi32>,
        %bitcast3A_1011 = vector.bitcast %gather3A_1010 : vector<16xi32> to vector<32xbf16>
        %add3A_1012 = arith.addf %add3A_983, %bitcast3A_1011 : vector<32xbf16>
        %get3A_1013 = arith.constant 0 : i32
        %get3A_1014 = arith.constant 1 : i32
        %get3A_1015 = arith.constant 1 : i32
        %get3A_1016 = arith.index_cast %get3A_1013 : i32 to index
        %get3A_1017 = arith.index_cast %get3A_1014 : i32 to index
        %get3A_1018 = arith.index_cast %get3A_1015 : i32 to index
        %get3A_1019 = arith.index_cast %select_n3A_869 : i32 to index
        %get3A_1020 = arith.index_cast %mul3A_887 : i32 to index
        %get3A_1021 = tpu.vector_load %arg7[%get3A_1016, %get3A_1017, %get3A_1018, %get3A_1019, %get3A_1020] {strides = array<i32>} : memref<2x5x3x8x64xi32, #tpu.memory_space<vmem>>, vector<16xi32>,
        %gather3A_1022 = arith.constant 6176 : i32
        %gather3A_1023 = tpu.memref_slice %arg6[%gather3A_1022] : memref<37056xi32, #tpu.memory_space<vmem>> -> memref<1544xi32, #tpu.memory_space<vmem>>
        %gather3A_1024 = tpu.vector_load_idx %gather3A_1023[%get3A_1021] : memref<1544xi32, #tpu.memory_space<vmem>>[vector<16xi32>], vector<16xi32>,
        %bitcast3A_1025 = vector.bitcast %gather3A_1024 : vector<16xi32> to vector<32xbf16>
        %add3A_1026 = arith.addf %add3A_997, %bitcast3A_1025 : vector<32xbf16>
        %gather3A_1027 = arith.constant 7720 : i32
        %gather3A_1028 = tpu.memref_slice %arg6[%gather3A_1027] : memref<37056xi32, #tpu.memory_space<vmem>> -> memref<1544xi32, #tpu.memory_space<vmem>>
        %gather3A_1029 = tpu.vector_load_idx %gather3A_1028[%get3A_1021] : memref<1544xi32, #tpu.memory_space<vmem>>[vector<16xi32>], vector<16xi32>,
        %bitcast3A_1030 = vector.bitcast %gather3A_1029 : vector<16xi32> to vector<32xbf16>
        %add3A_1031 = arith.addf %add3A_1002, %bitcast3A_1030 : vector<32xbf16>
        %gather3A_1032 = arith.constant 9264 : i32
        %gather3A_1033 = tpu.memref_slice %arg6[%gather3A_1032] : memref<37056xi32, #tpu.memory_space<vmem>> -> memref<1544xi32, #tpu.memory_space<vmem>>
        %gather3A_1034 = tpu.vector_load_idx %gather3A_1033[%get3A_1021] : memref<1544xi32, #tpu.memory_space<vmem>>[vector<16xi32>], vector<16xi32>,
        %bitcast3A_1035 = vector.bitcast %gather3A_1034 : vector<16xi32> to vector<32xbf16>
        %add3A_1036 = arith.addf %add3A_1007, %bitcast3A_1035 : vector<32xbf16>
        %gather3A_1037 = arith.constant 10808 : i32
        %gather3A_1038 = tpu.memref_slice %arg6[%gather3A_1037] : memref<37056xi32, #tpu.memory_space<vmem>> -> memref<1544xi32, #tpu.memory_space<vmem>>
        %gather3A_1039 = tpu.vector_load_idx %gather3A_1038[%get3A_1021] : memref<1544xi32, #tpu.memory_space<vmem>>[vector<16xi32>], vector<16xi32>,
        %bitcast3A_1040 = vector.bitcast %gather3A_1039 : vector<16xi32> to vector<32xbf16>
        %add3A_1041 = arith.addf %add3A_1012, %bitcast3A_1040 : vector<32xbf16>
        %get3A_1042 = arith.constant 0 : i32
        %get3A_1043 = arith.constant 1 : i32
        %get3A_1044 = arith.constant 2 : i32
        %get3A_1045 = arith.index_cast %get3A_1042 : i32 to index
        %get3A_1046 = arith.index_cast %get3A_1043 : i32 to index
        %get3A_1047 = arith.index_cast %get3A_1044 : i32 to index
        %get3A_1048 = arith.index_cast %select_n3A_869 : i32 to index
        %get3A_1049 = arith.index_cast %mul3A_887 : i32 to index
        %get3A_1050 = tpu.vector_load %arg7[%get3A_1045, %get3A_1046, %get3A_1047, %get3A_1048, %get3A_1049] {strides = array<i32>} : memref<2x5x3x8x64xi32, #tpu.memory_space<vmem>>, vector<16xi32>,
        %gather3A_1051 = arith.constant 6176 : i32
        %gather3A_1052 = tpu.memref_slice %arg6[%gather3A_1051] : memref<37056xi32, #tpu.memory_space<vmem>> -> memref<1544xi32, #tpu.memory_space<vmem>>
        %gather3A_1053 = tpu.vector_load_idx %gather3A_1052[%get3A_1050] : memref<1544xi32, #tpu.memory_space<vmem>>[vector<16xi32>], vector<16xi32>,
        %bitcast3A_1054 = vector.bitcast %gather3A_1053 : vector<16xi32> to vector<32xbf16>
        %add3A_1055 = arith.addf %add3A_1026, %bitcast3A_1054 : vector<32xbf16>
        %gather3A_1056 = arith.constant 7720 : i32
        %gather3A_1057 = tpu.memref_slice %arg6[%gather3A_1056] : memref<37056xi32, #tpu.memory_space<vmem>> -> memref<1544xi32, #tpu.memory_space<vmem>>
        %gather3A_1058 = tpu.vector_load_idx %gather3A_1057[%get3A_1050] : memref<1544xi32, #tpu.memory_space<vmem>>[vector<16xi32>], vector<16xi32>,
        %bitcast3A_1059 = vector.bitcast %gather3A_1058 : vector<16xi32> to vector<32xbf16>
        %add3A_1060 = arith.addf %add3A_1031, %bitcast3A_1059 : vector<32xbf16>
        %gather3A_1061 = arith.constant 9264 : i32
        %gather3A_1062 = tpu.memref_slice %arg6[%gather3A_1061] : memref<37056xi32, #tpu.memory_space<vmem>> -> memref<1544xi32, #tpu.memory_space<vmem>>
        %gather3A_1063 = tpu.vector_load_idx %gather3A_1062[%get3A_1050] : memref<1544xi32, #tpu.memory_space<vmem>>[vector<16xi32>], vector<16xi32>,
        %bitcast3A_1064 = vector.bitcast %gather3A_1063 : vector<16xi32> to vector<32xbf16>
        %add3A_1065 = arith.addf %add3A_1036, %bitcast3A_1064 : vector<32xbf16>
        %gather3A_1066 = arith.constant 10808 : i32
        %gather3A_1067 = tpu.memref_slice %arg6[%gather3A_1066] : memref<37056xi32, #tpu.memory_space<vmem>> -> memref<1544xi32, #tpu.memory_space<vmem>>
        %gather3A_1068 = tpu.vector_load_idx %gather3A_1067[%get3A_1050] : memref<1544xi32, #tpu.memory_space<vmem>>[vector<16xi32>], vector<16xi32>,
        %bitcast3A_1069 = vector.bitcast %gather3A_1068 : vector<16xi32> to vector<32xbf16>
        %add3A_1070 = arith.addf %add3A_1041, %bitcast3A_1069 : vector<32xbf16>
        %get3A_1071 = arith.constant 0 : i32
        %get3A_1072 = arith.constant 2 : i32
        %get3A_1073 = arith.constant 0 : i32
        %get3A_1074 = arith.index_cast %get3A_1071 : i32 to index
        %get3A_1075 = arith.index_cast %get3A_1072 : i32 to index
        %get3A_1076 = arith.index_cast %get3A_1073 : i32 to index
        %get3A_1077 = arith.index_cast %select_n3A_869 : i32 to index
        %get3A_1078 = arith.index_cast %mul3A_887 : i32 to index
        %get3A_1079 = tpu.vector_load %arg7[%get3A_1074, %get3A_1075, %get3A_1076, %get3A_1077, %get3A_1078] {strides = array<i32>} : memref<2x5x3x8x64xi32, #tpu.memory_space<vmem>>, vector<16xi32>,
        %gather3A_1080 = arith.constant 12352 : i32
        %gather3A_1081 = tpu.memref_slice %arg6[%gather3A_1080] : memref<37056xi32, #tpu.memory_space<vmem>> -> memref<1544xi32, #tpu.memory_space<vmem>>
        %gather3A_1082 = tpu.vector_load_idx %gather3A_1081[%get3A_1079] : memref<1544xi32, #tpu.memory_space<vmem>>[vector<16xi32>], vector<16xi32>,
        %bitcast3A_1083 = vector.bitcast %gather3A_1082 : vector<16xi32> to vector<32xbf16>
        %add3A_1084 = arith.addf %add3A_1055, %bitcast3A_1083 : vector<32xbf16>
        %gather3A_1085 = arith.constant 13896 : i32
        %gather3A_1086 = tpu.memref_slice %arg6[%gather3A_1085] : memref<37056xi32, #tpu.memory_space<vmem>> -> memref<1544xi32, #tpu.memory_space<vmem>>
        %gather3A_1087 = tpu.vector_load_idx %gather3A_1086[%get3A_1079] : memref<1544xi32, #tpu.memory_space<vmem>>[vector<16xi32>], vector<16xi32>,
        %bitcast3A_1088 = vector.bitcast %gather3A_1087 : vector<16xi32> to vector<32xbf16>
        %add3A_1089 = arith.addf %add3A_1060, %bitcast3A_1088 : vector<32xbf16>
        %gather3A_1090 = arith.constant 15440 : i32
        %gather3A_1091 = tpu.memref_slice %arg6[%gather3A_1090] : memref<37056xi32, #tpu.memory_space<vmem>> -> memref<1544xi32, #tpu.memory_space<vmem>>
        %gather3A_1092 = tpu.vector_load_idx %gather3A_1091[%get3A_1079] : memref<1544xi32, #tpu.memory_space<vmem>>[vector<16xi32>], vector<16xi32>,
        %bitcast3A_1093 = vector.bitcast %gather3A_1092 : vector<16xi32> to vector<32xbf16>
        %add3A_1094 = arith.addf %add3A_1065, %bitcast3A_1093 : vector<32xbf16>
        %gather3A_1095 = arith.constant 16984 : i32
        %gather3A_1096 = tpu.memref_slice %arg6[%gather3A_1095] : memref<37056xi32, #tpu.memory_space<vmem>> -> memref<1544xi32, #tpu.memory_space<vmem>>
        %gather3A_1097 = tpu.vector_load_idx %gather3A_1096[%get3A_1079] : memref<1544xi32, #tpu.memory_space<vmem>>[vector<16xi32>], vector<16xi32>,
        %bitcast3A_1098 = vector.bitcast %gather3A_1097 : vector<16xi32> to vector<32xbf16>
        %add3A_1099 = arith.addf %add3A_1070, %bitcast3A_1098 : vector<32xbf16>
        %get3A_1100 = arith.constant 0 : i32
        %get3A_1101 = arith.constant 2 : i32
        %get3A_1102 = arith.constant 1 : i32
        %get3A_1103 = arith.index_cast %get3A_1100 : i32 to index
        %get3A_1104 = arith.index_cast %get3A_1101 : i32 to index
        %get3A_1105 = arith.index_cast %get3A_1102 : i32 to index
        %get3A_1106 = arith.index_cast %select_n3A_869 : i32 to index
        %get3A_1107 = arith.index_cast %mul3A_887 : i32 to index
        %get3A_1108 = tpu.vector_load %arg7[%get3A_1103, %get3A_1104, %get3A_1105, %get3A_1106, %get3A_1107] {strides = array<i32>} : memref<2x5x3x8x64xi32, #tpu.memory_space<vmem>>, vector<16xi32>,
        %gather3A_1109 = arith.constant 12352 : i32
        %gather3A_1110 = tpu.memref_slice %arg6[%gather3A_1109] : memref<37056xi32, #tpu.memory_space<vmem>> -> memref<1544xi32, #tpu.memory_space<vmem>>
        %gather3A_1111 = tpu.vector_load_idx %gather3A_1110[%get3A_1108] : memref<1544xi32, #tpu.memory_space<vmem>>[vector<16xi32>], vector<16xi32>,
        %bitcast3A_1112 = vector.bitcast %gather3A_1111 : vector<16xi32> to vector<32xbf16>
        %add3A_1113 = arith.addf %add3A_1084, %bitcast3A_1112 : vector<32xbf16>
        %gather3A_1114 = arith.constant 13896 : i32
        %gather3A_1115 = tpu.memref_slice %arg6[%gather3A_1114] : memref<37056xi32, #tpu.memory_space<vmem>> -> memref<1544xi32, #tpu.memory_space<vmem>>
        %gather3A_1116 = tpu.vector_load_idx %gather3A_1115[%get3A_1108] : memref<1544xi32, #tpu.memory_space<vmem>>[vector<16xi32>], vector<16xi32>,
        %bitcast3A_1117 = vector.bitcast %gather3A_1116 : vector<16xi32> to vector<32xbf16>
        %add3A_1118 = arith.addf %add3A_1089, %bitcast3A_1117 : vector<32xbf16>
        %gather3A_1119 = arith.constant 15440 : i32
        %gather3A_1120 = tpu.memref_slice %arg6[%gather3A_1119] : memref<37056xi32, #tpu.memory_space<vmem>> -> memref<1544xi32, #tpu.memory_space<vmem>>
        %gather3A_1121 = tpu.vector_load_idx %gather3A_1120[%get3A_1108] : memref<1544xi32, #tpu.memory_space<vmem>>[vector<16xi32>], vector<16xi32>,
        %bitcast3A_1122 = vector.bitcast %gather3A_1121 : vector<16xi32> to vector<32xbf16>
        %add3A_1123 = arith.addf %add3A_1094, %bitcast3A_1122 : vector<32xbf16>
        %gather3A_1124 = arith.constant 16984 : i32
        %gather3A_1125 = tpu.memref_slice %arg6[%gather3A_1124] : memref<37056xi32, #tpu.memory_space<vmem>> -> memref<1544xi32, #tpu.memory_space<vmem>>
        %gather3A_1126 = tpu.vector_load_idx %gather3A_1125[%get3A_1108] : memref<1544xi32, #tpu.memory_space<vmem>>[vector<16xi32>], vector<16xi32>,
        %bitcast3A_1127 = vector.bitcast %gather3A_1126 : vector<16xi32> to vector<32xbf16>
        %add3A_1128 = arith.addf %add3A_1099, %bitcast3A_1127 : vector<32xbf16>
        %get3A_1129 = arith.constant 0 : i32
        %get3A_1130 = arith.constant 2 : i32
        %get3A_1131 = arith.constant 2 : i32
        %get3A_1132 = arith.index_cast %get3A_1129 : i32 to index
        %get3A_1133 = arith.index_cast %get3A_1130 : i32 to index
        %get3A_1134 = arith.index_cast %get3A_1131 : i32 to index
        %get3A_1135 = arith.index_cast %select_n3A_869 : i32 to index
        %get3A_1136 = arith.index_cast %mul3A_887 : i32 to index
        %get3A_1137 = tpu.vector_load %arg7[%get3A_1132, %get3A_1133, %get3A_1134, %get3A_1135, %get3A_1136] {strides = array<i32>} : memref<2x5x3x8x64xi32, #tpu.memory_space<vmem>>, vector<16xi32>,
        %gather3A_1138 = arith.constant 12352 : i32
        %gather3A_1139 = tpu.memref_slice %arg6[%gather3A_1138] : memref<37056xi32, #tpu.memory_space<vmem>> -> memref<1544xi32, #tpu.memory_space<vmem>>
        %gather3A_1140 = tpu.vector_load_idx %gather3A_1139[%get3A_1137] : memref<1544xi32, #tpu.memory_space<vmem>>[vector<16xi32>], vector<16xi32>,
        %bitcast3A_1141 = vector.bitcast %gather3A_1140 : vector<16xi32> to vector<32xbf16>
        %add3A_1142 = arith.addf %add3A_1113, %bitcast3A_1141 : vector<32xbf16>
        %gather3A_1143 = arith.constant 13896 : i32
        %gather3A_1144 = tpu.memref_slice %arg6[%gather3A_1143] : memref<37056xi32, #tpu.memory_space<vmem>> -> memref<1544xi32, #tpu.memory_space<vmem>>
        %gather3A_1145 = tpu.vector_load_idx %gather3A_1144[%get3A_1137] : memref<1544xi32, #tpu.memory_space<vmem>>[vector<16xi32>], vector<16xi32>,
        %bitcast3A_1146 = vector.bitcast %gather3A_1145 : vector<16xi32> to vector<32xbf16>
        %add3A_1147 = arith.addf %add3A_1118, %bitcast3A_1146 : vector<32xbf16>
        %gather3A_1148 = arith.constant 15440 : i32
        %gather3A_1149 = tpu.memref_slice %arg6[%gather3A_1148] : memref<37056xi32, #tpu.memory_space<vmem>> -> memref<1544xi32, #tpu.memory_space<vmem>>
        %gather3A_1150 = tpu.vector_load_idx %gather3A_1149[%get3A_1137] : memref<1544xi32, #tpu.memory_space<vmem>>[vector<16xi32>], vector<16xi32>,
        %bitcast3A_1151 = vector.bitcast %gather3A_1150 : vector<16xi32> to vector<32xbf16>
        %add3A_1152 = arith.addf %add3A_1123, %bitcast3A_1151 : vector<32xbf16>
        %gather3A_1153 = arith.constant 16984 : i32
        %gather3A_1154 = tpu.memref_slice %arg6[%gather3A_1153] : memref<37056xi32, #tpu.memory_space<vmem>> -> memref<1544xi32, #tpu.memory_space<vmem>>
        %gather3A_1155 = tpu.vector_load_idx %gather3A_1154[%get3A_1137] : memref<1544xi32, #tpu.memory_space<vmem>>[vector<16xi32>], vector<16xi32>,
        %bitcast3A_1156 = vector.bitcast %gather3A_1155 : vector<16xi32> to vector<32xbf16>
        %add3A_1157 = arith.addf %add3A_1128, %bitcast3A_1156 : vector<32xbf16>
        %get3A_1158 = arith.constant 0 : i32
        %get3A_1159 = arith.constant 3 : i32
        %get3A_1160 = arith.constant 0 : i32
        %get3A_1161 = arith.index_cast %get3A_1158 : i32 to index
        %get3A_1162 = arith.index_cast %get3A_1159 : i32 to index
        %get3A_1163 = arith.index_cast %get3A_1160 : i32 to index
        %get3A_1164 = arith.index_cast %select_n3A_869 : i32 to index
        %get3A_1165 = arith.index_cast %mul3A_887 : i32 to index
        %get3A_1166 = tpu.vector_load %arg7[%get3A_1161, %get3A_1162, %get3A_1163, %get3A_1164, %get3A_1165] {strides = array<i32>} : memref<2x5x3x8x64xi32, #tpu.memory_space<vmem>>, vector<16xi32>,
        %gather3A_1167 = arith.constant 18528 : i32
        %gather3A_1168 = tpu.memref_slice %arg6[%gather3A_1167] : memref<37056xi32, #tpu.memory_space<vmem>> -> memref<1544xi32, #tpu.memory_space<vmem>>
        %gather3A_1169 = tpu.vector_load_idx %gather3A_1168[%get3A_1166] : memref<1544xi32, #tpu.memory_space<vmem>>[vector<16xi32>], vector<16xi32>,
        %bitcast3A_1170 = vector.bitcast %gather3A_1169 : vector<16xi32> to vector<32xbf16>
        %add3A_1171 = arith.addf %add3A_1142, %bitcast3A_1170 : vector<32xbf16>
        %gather3A_1172 = arith.constant 20072 : i32
        %gather3A_1173 = tpu.memref_slice %arg6[%gather3A_1172] : memref<37056xi32, #tpu.memory_space<vmem>> -> memref<1544xi32, #tpu.memory_space<vmem>>
        %gather3A_1174 = tpu.vector_load_idx %gather3A_1173[%get3A_1166] : memref<1544xi32, #tpu.memory_space<vmem>>[vector<16xi32>], vector<16xi32>,
        %bitcast3A_1175 = vector.bitcast %gather3A_1174 : vector<16xi32> to vector<32xbf16>
        %add3A_1176 = arith.addf %add3A_1147, %bitcast3A_1175 : vector<32xbf16>
        %gather3A_1177 = arith.constant 21616 : i32
        %gather3A_1178 = tpu.memref_slice %arg6[%gather3A_1177] : memref<37056xi32, #tpu.memory_space<vmem>> -> memref<1544xi32, #tpu.memory_space<vmem>>
        %gather3A_1179 = tpu.vector_load_idx %gather3A_1178[%get3A_1166] : memref<1544xi32, #tpu.memory_space<vmem>>[vector<16xi32>], vector<16xi32>,
        %bitcast3A_1180 = vector.bitcast %gather3A_1179 : vector<16xi32> to vector<32xbf16>
        %add3A_1181 = arith.addf %add3A_1152, %bitcast3A_1180 : vector<32xbf16>
        %gather3A_1182 = arith.constant 23160 : i32
        %gather3A_1183 = tpu.memref_slice %arg6[%gather3A_1182] : memref<37056xi32, #tpu.memory_space<vmem>> -> memref<1544xi32, #tpu.memory_space<vmem>>
        %gather3A_1184 = tpu.vector_load_idx %gather3A_1183[%get3A_1166] : memref<1544xi32, #tpu.memory_space<vmem>>[vector<16xi32>], vector<16xi32>,
        %bitcast3A_1185 = vector.bitcast %gather3A_1184 : vector<16xi32> to vector<32xbf16>
        %add3A_1186 = arith.addf %add3A_1157, %bitcast3A_1185 : vector<32xbf16>
        %get3A_1187 = arith.constant 0 : i32
        %get3A_1188 = arith.constant 3 : i32
        %get3A_1189 = arith.constant 1 : i32
        %get3A_1190 = arith.index_cast %get3A_1187 : i32 to index
        %get3A_1191 = arith.index_cast %get3A_1188 : i32 to index
        %get3A_1192 = arith.index_cast %get3A_1189 : i32 to index
        %get3A_1193 = arith.index_cast %select_n3A_869 : i32 to index
        %get3A_1194 = arith.index_cast %mul3A_887 : i32 to index
        %get3A_1195 = tpu.vector_load %arg7[%get3A_1190, %get3A_1191, %get3A_1192, %get3A_1193, %get3A_1194] {strides = array<i32>} : memref<2x5x3x8x64xi32, #tpu.memory_space<vmem>>, vector<16xi32>,
        %gather3A_1196 = arith.constant 18528 : i32
        %gather3A_1197 = tpu.memref_slice %arg6[%gather3A_1196] : memref<37056xi32, #tpu.memory_space<vmem>> -> memref<1544xi32, #tpu.memory_space<vmem>>
        %gather3A_1198 = tpu.vector_load_idx %gather3A_1197[%get3A_1195] : memref<1544xi32, #tpu.memory_space<vmem>>[vector<16xi32>], vector<16xi32>,
        %bitcast3A_1199 = vector.bitcast %gather3A_1198 : vector<16xi32> to vector<32xbf16>
        %add3A_1200 = arith.addf %add3A_1171, %bitcast3A_1199 : vector<32xbf16>
        %gather3A_1201 = arith.constant 20072 : i32
        %gather3A_1202 = tpu.memref_slice %arg6[%gather3A_1201] : memref<37056xi32, #tpu.memory_space<vmem>> -> memref<1544xi32, #tpu.memory_space<vmem>>
        %gather3A_1203 = tpu.vector_load_idx %gather3A_1202[%get3A_1195] : memref<1544xi32, #tpu.memory_space<vmem>>[vector<16xi32>], vector<16xi32>,
        %bitcast3A_1204 = vector.bitcast %gather3A_1203 : vector<16xi32> to vector<32xbf16>
        %add3A_1205 = arith.addf %add3A_1176, %bitcast3A_1204 : vector<32xbf16>
        %gather3A_1206 = arith.constant 21616 : i32
        %gather3A_1207 = tpu.memref_slice %arg6[%gather3A_1206] : memref<37056xi32, #tpu.memory_space<vmem>> -> memref<1544xi32, #tpu.memory_space<vmem>>
        %gather3A_1208 = tpu.vector_load_idx %gather3A_1207[%get3A_1195] : memref<1544xi32, #tpu.memory_space<vmem>>[vector<16xi32>], vector<16xi32>,
        %bitcast3A_1209 = vector.bitcast %gather3A_1208 : vector<16xi32> to vector<32xbf16>
        %add3A_1210 = arith.addf %add3A_1181, %bitcast3A_1209 : vector<32xbf16>
        %gather3A_1211 = arith.constant 23160 : i32
        %gather3A_1212 = tpu.memref_slice %arg6[%gather3A_1211] : memref<37056xi32, #tpu.memory_space<vmem>> -> memref<1544xi32, #tpu.memory_space<vmem>>
        %gather3A_1213 = tpu.vector_load_idx %gather3A_1212[%get3A_1195] : memref<1544xi32, #tpu.memory_space<vmem>>[vector<16xi32>], vector<16xi32>,
        %bitcast3A_1214 = vector.bitcast %gather3A_1213 : vector<16xi32> to vector<32xbf16>
        %add3A_1215 = arith.addf %add3A_1186, %bitcast3A_1214 : vector<32xbf16>
        %get3A_1216 = arith.constant 0 : i32
        %get3A_1217 = arith.constant 3 : i32
        %get3A_1218 = arith.constant 2 : i32
        %get3A_1219 = arith.index_cast %get3A_1216 : i32 to index
        %get3A_1220 = arith.index_cast %get3A_1217 : i32 to index
        %get3A_1221 = arith.index_cast %get3A_1218 : i32 to index
        %get3A_1222 = arith.index_cast %select_n3A_869 : i32 to index
        %get3A_1223 = arith.index_cast %mul3A_887 : i32 to index
        %get3A_1224 = tpu.vector_load %arg7[%get3A_1219, %get3A_1220, %get3A_1221, %get3A_1222, %get3A_1223] {strides = array<i32>} : memref<2x5x3x8x64xi32, #tpu.memory_space<vmem>>, vector<16xi32>,
        %gather3A_1225 = arith.constant 18528 : i32
        %gather3A_1226 = tpu.memref_slice %arg6[%gather3A_1225] : memref<37056xi32, #tpu.memory_space<vmem>> -> memref<1544xi32, #tpu.memory_space<vmem>>
        %gather3A_1227 = tpu.vector_load_idx %gather3A_1226[%get3A_1224] : memref<1544xi32, #tpu.memory_space<vmem>>[vector<16xi32>], vector<16xi32>,
        %bitcast3A_1228 = vector.bitcast %gather3A_1227 : vector<16xi32> to vector<32xbf16>
        %add3A_1229 = arith.addf %add3A_1200, %bitcast3A_1228 : vector<32xbf16>
        %gather3A_1230 = arith.constant 20072 : i32
        %gather3A_1231 = tpu.memref_slice %arg6[%gather3A_1230] : memref<37056xi32, #tpu.memory_space<vmem>> -> memref<1544xi32, #tpu.memory_space<vmem>>
        %gather3A_1232 = tpu.vector_load_idx %gather3A_1231[%get3A_1224] : memref<1544xi32, #tpu.memory_space<vmem>>[vector<16xi32>], vector<16xi32>,
        %bitcast3A_1233 = vector.bitcast %gather3A_1232 : vector<16xi32> to vector<32xbf16>
        %add3A_1234 = arith.addf %add3A_1205, %bitcast3A_1233 : vector<32xbf16>
        %gather3A_1235 = arith.constant 21616 : i32
        %gather3A_1236 = tpu.memref_slice %arg6[%gather3A_1235] : memref<37056xi32, #tpu.memory_space<vmem>> -> memref<1544xi32, #tpu.memory_space<vmem>>
        %gather3A_1237 = tpu.vector_load_idx %gather3A_1236[%get3A_1224] : memref<1544xi32, #tpu.memory_space<vmem>>[vector<16xi32>], vector<16xi32>,
        %bitcast3A_1238 = vector.bitcast %gather3A_1237 : vector<16xi32> to vector<32xbf16>
        %add3A_1239 = arith.addf %add3A_1210, %bitcast3A_1238 : vector<32xbf16>
        %gather3A_1240 = arith.constant 23160 : i32
        %gather3A_1241 = tpu.memref_slice %arg6[%gather3A_1240] : memref<37056xi32, #tpu.memory_space<vmem>> -> memref<1544xi32, #tpu.memory_space<vmem>>
        %gather3A_1242 = tpu.vector_load_idx %gather3A_1241[%get3A_1224] : memref<1544xi32, #tpu.memory_space<vmem>>[vector<16xi32>], vector<16xi32>,
        %bitcast3A_1243 = vector.bitcast %gather3A_1242 : vector<16xi32> to vector<32xbf16>
        %add3A_1244 = arith.addf %add3A_1215, %bitcast3A_1243 : vector<32xbf16>
        %get3A_1245 = arith.constant 0 : i32
        %get3A_1246 = arith.constant 4 : i32
        %get3A_1247 = arith.constant 0 : i32
        %get3A_1248 = arith.index_cast %get3A_1245 : i32 to index
        %get3A_1249 = arith.index_cast %get3A_1246 : i32 to index
        %get3A_1250 = arith.index_cast %get3A_1247 : i32 to index
        %get3A_1251 = arith.index_cast %select_n3A_869 : i32 to index
        %get3A_1252 = arith.index_cast %mul3A_887 : i32 to index
        %get3A_1253 = tpu.vector_load %arg7[%get3A_1248, %get3A_1249, %get3A_1250, %get3A_1251, %get3A_1252] {strides = array<i32>} : memref<2x5x3x8x64xi32, #tpu.memory_space<vmem>>, vector<16xi32>,
        %gather3A_1254 = arith.constant 24704 : i32
        %gather3A_1255 = tpu.memref_slice %arg6[%gather3A_1254] : memref<37056xi32, #tpu.memory_space<vmem>> -> memref<1544xi32, #tpu.memory_space<vmem>>
        %gather3A_1256 = tpu.vector_load_idx %gather3A_1255[%get3A_1253] : memref<1544xi32, #tpu.memory_space<vmem>>[vector<16xi32>], vector<16xi32>,
        %bitcast3A_1257 = vector.bitcast %gather3A_1256 : vector<16xi32> to vector<32xbf16>
        %add3A_1258 = arith.addf %add3A_1229, %bitcast3A_1257 : vector<32xbf16>
        %gather3A_1259 = arith.constant 26248 : i32
        %gather3A_1260 = tpu.memref_slice %arg6[%gather3A_1259] : memref<37056xi32, #tpu.memory_space<vmem>> -> memref<1544xi32, #tpu.memory_space<vmem>>
        %gather3A_1261 = tpu.vector_load_idx %gather3A_1260[%get3A_1253] : memref<1544xi32, #tpu.memory_space<vmem>>[vector<16xi32>], vector<16xi32>,
        %bitcast3A_1262 = vector.bitcast %gather3A_1261 : vector<16xi32> to vector<32xbf16>
        %add3A_1263 = arith.addf %add3A_1234, %bitcast3A_1262 : vector<32xbf16>
        %gather3A_1264 = arith.constant 27792 : i32
        %gather3A_1265 = tpu.memref_slice %arg6[%gather3A_1264] : memref<37056xi32, #tpu.memory_space<vmem>> -> memref<1544xi32, #tpu.memory_space<vmem>>
        %gather3A_1266 = tpu.vector_load_idx %gather3A_1265[%get3A_1253] : memref<1544xi32, #tpu.memory_space<vmem>>[vector<16xi32>], vector<16xi32>,
        %bitcast3A_1267 = vector.bitcast %gather3A_1266 : vector<16xi32> to vector<32xbf16>
        %add3A_1268 = arith.addf %add3A_1239, %bitcast3A_1267 : vector<32xbf16>
        %gather3A_1269 = arith.constant 29336 : i32
        %gather3A_1270 = tpu.memref_slice %arg6[%gather3A_1269] : memref<37056xi32, #tpu.memory_space<vmem>> -> memref<1544xi32, #tpu.memory_space<vmem>>
        %gather3A_1271 = tpu.vector_load_idx %gather3A_1270[%get3A_1253] : memref<1544xi32, #tpu.memory_space<vmem>>[vector<16xi32>], vector<16xi32>,
        %bitcast3A_1272 = vector.bitcast %gather3A_1271 : vector<16xi32> to vector<32xbf16>
        %add3A_1273 = arith.addf %add3A_1244, %bitcast3A_1272 : vector<32xbf16>
        %get3A_1274 = arith.constant 0 : i32
        %get3A_1275 = arith.constant 4 : i32
        %get3A_1276 = arith.constant 1 : i32
        %get3A_1277 = arith.index_cast %get3A_1274 : i32 to index
        %get3A_1278 = arith.index_cast %get3A_1275 : i32 to index
        %get3A_1279 = arith.index_cast %get3A_1276 : i32 to index
        %get3A_1280 = arith.index_cast %select_n3A_869 : i32 to index
        %get3A_1281 = arith.index_cast %mul3A_887 : i32 to index
        %get3A_1282 = tpu.vector_load %arg7[%get3A_1277, %get3A_1278, %get3A_1279, %get3A_1280, %get3A_1281] {strides = array<i32>} : memref<2x5x3x8x64xi32, #tpu.memory_space<vmem>>, vector<16xi32>,
        %gather3A_1283 = arith.constant 24704 : i32
        %gather3A_1284 = tpu.memref_slice %arg6[%gather3A_1283] : memref<37056xi32, #tpu.memory_space<vmem>> -> memref<1544xi32, #tpu.memory_space<vmem>>
        %gather3A_1285 = tpu.vector_load_idx %gather3A_1284[%get3A_1282] : memref<1544xi32, #tpu.memory_space<vmem>>[vector<16xi32>], vector<16xi32>,
        %bitcast3A_1286 = vector.bitcast %gather3A_1285 : vector<16xi32> to vector<32xbf16>
        %add3A_1287 = arith.addf %add3A_1258, %bitcast3A_1286 : vector<32xbf16>
        %gather3A_1288 = arith.constant 26248 : i32
        %gather3A_1289 = tpu.memref_slice %arg6[%gather3A_1288] : memref<37056xi32, #tpu.memory_space<vmem>> -> memref<1544xi32, #tpu.memory_space<vmem>>
        %gather3A_1290 = tpu.vector_load_idx %gather3A_1289[%get3A_1282] : memref<1544xi32, #tpu.memory_space<vmem>>[vector<16xi32>], vector<16xi32>,
        %bitcast3A_1291 = vector.bitcast %gather3A_1290 : vector<16xi32> to vector<32xbf16>
        %add3A_1292 = arith.addf %add3A_1263, %bitcast3A_1291 : vector<32xbf16>
        %gather3A_1293 = arith.constant 27792 : i32
        %gather3A_1294 = tpu.memref_slice %arg6[%gather3A_1293] : memref<37056xi32, #tpu.memory_space<vmem>> -> memref<1544xi32, #tpu.memory_space<vmem>>
        %gather3A_1295 = tpu.vector_load_idx %gather3A_1294[%get3A_1282] : memref<1544xi32, #tpu.memory_space<vmem>>[vector<16xi32>], vector<16xi32>,
        %bitcast3A_1296 = vector.bitcast %gather3A_1295 : vector<16xi32> to vector<32xbf16>
        %add3A_1297 = arith.addf %add3A_1268, %bitcast3A_1296 : vector<32xbf16>
        %gather3A_1298 = arith.constant 29336 : i32
        %gather3A_1299 = tpu.memref_slice %arg6[%gather3A_1298] : memref<37056xi32, #tpu.memory_space<vmem>> -> memref<1544xi32, #tpu.memory_space<vmem>>
        %gather3A_1300 = tpu.vector_load_idx %gather3A_1299[%get3A_1282] : memref<1544xi32, #tpu.memory_space<vmem>>[vector<16xi32>], vector<16xi32>,
        %bitcast3A_1301 = vector.bitcast %gather3A_1300 : vector<16xi32> to vector<32xbf16>
        %add3A_1302 = arith.addf %add3A_1273, %bitcast3A_1301 : vector<32xbf16>
        %get3A_1303 = arith.constant 0 : i32
        %get3A_1304 = arith.constant 4 : i32
        %get3A_1305 = arith.constant 2 : i32
        %get3A_1306 = arith.index_cast %get3A_1303 : i32 to index
        %get3A_1307 = arith.index_cast %get3A_1304 : i32 to index
        %get3A_1308 = arith.index_cast %get3A_1305 : i32 to index
        %get3A_1309 = arith.index_cast %select_n3A_869 : i32 to index
        %get3A_1310 = arith.index_cast %mul3A_887 : i32 to index
        %get3A_1311 = tpu.vector_load %arg7[%get3A_1306, %get3A_1307, %get3A_1308, %get3A_1309, %get3A_1310] {strides = array<i32>} : memref<2x5x3x8x64xi32, #tpu.memory_space<vmem>>, vector<16xi32>,
        %gather3A_1312 = arith.constant 24704 : i32
        %gather3A_1313 = tpu.memref_slice %arg6[%gather3A_1312] : memref<37056xi32, #tpu.memory_space<vmem>> -> memref<1544xi32, #tpu.memory_space<vmem>>
        %gather3A_1314 = tpu.vector_load_idx %gather3A_1313[%get3A_1311] : memref<1544xi32, #tpu.memory_space<vmem>>[vector<16xi32>], vector<16xi32>,
        %bitcast3A_1315 = vector.bitcast %gather3A_1314 : vector<16xi32> to vector<32xbf16>
        %add3A_1316 = arith.addf %add3A_1287, %bitcast3A_1315 : vector<32xbf16>
        %gather3A_1317 = arith.constant 26248 : i32
        %gather3A_1318 = tpu.memref_slice %arg6[%gather3A_1317] : memref<37056xi32, #tpu.memory_space<vmem>> -> memref<1544xi32, #tpu.memory_space<vmem>>
        %gather3A_1319 = tpu.vector_load_idx %gather3A_1318[%get3A_1311] : memref<1544xi32, #tpu.memory_space<vmem>>[vector<16xi32>], vector<16xi32>,
        %bitcast3A_1320 = vector.bitcast %gather3A_1319 : vector<16xi32> to vector<32xbf16>
        %add3A_1321 = arith.addf %add3A_1292, %bitcast3A_1320 : vector<32xbf16>
        %gather3A_1322 = arith.constant 27792 : i32
        %gather3A_1323 = tpu.memref_slice %arg6[%gather3A_1322] : memref<37056xi32, #tpu.memory_space<vmem>> -> memref<1544xi32, #tpu.memory_space<vmem>>
        %gather3A_1324 = tpu.vector_load_idx %gather3A_1323[%get3A_1311] : memref<1544xi32, #tpu.memory_space<vmem>>[vector<16xi32>], vector<16xi32>,
        %bitcast3A_1325 = vector.bitcast %gather3A_1324 : vector<16xi32> to vector<32xbf16>
        %add3A_1326 = arith.addf %add3A_1297, %bitcast3A_1325 : vector<32xbf16>
        %gather3A_1327 = arith.constant 29336 : i32
        %gather3A_1328 = tpu.memref_slice %arg6[%gather3A_1327] : memref<37056xi32, #tpu.memory_space<vmem>> -> memref<1544xi32, #tpu.memory_space<vmem>>
        %gather3A_1329 = tpu.vector_load_idx %gather3A_1328[%get3A_1311] : memref<1544xi32, #tpu.memory_space<vmem>>[vector<16xi32>], vector<16xi32>,
        %bitcast3A_1330 = vector.bitcast %gather3A_1329 : vector<16xi32> to vector<32xbf16>
        %add3A_1331 = arith.addf %add3A_1302, %bitcast3A_1330 : vector<32xbf16>
        %gather3A_1332 = arith.constant 30880 : i32
        %gather3A_1333 = tpu.memref_slice %arg6[%gather3A_1332] : memref<37056xi32, #tpu.memory_space<vmem>> -> memref<1544xi32, #tpu.memory_space<vmem>>
        %gather3A_1334 = tpu.vector_load_idx %gather3A_1333[%get3A_891] : memref<1544xi32, #tpu.memory_space<vmem>>[vector<16xi32>], vector<16xi32>,
        %bitcast3A_1335 = vector.bitcast %gather3A_1334 : vector<16xi32> to vector<32xbf16>
        %mul3A_1336 = arith.mulf %add3A_1316, %pack3A : vector<32xbf16>
        %add3A_1337 = arith.addf %mul3A_1336, %bitcast3A_1335 : vector<32xbf16>
        %unpack3A = tpu.unpack_subelements %add3A_1337, 0 {pack_format = #tpu.pack_format<interleaved>} : vector<32xbf16> -> vector<16xf32>
        %unpack3A_1338 = tpu.unpack_subelements %add3A_1337, 1 {pack_format = #tpu.pack_format<interleaved>} : vector<32xbf16> -> vector<16xf32>
        %swap3A = arith.constant 0 : i32
        %swap3A_1339 = arith.constant 0 : i32
        %swap3A_1340 = arith.constant 0 : i32
        %swap3A_1341 = arith.index_cast %swap3A : i32 to index
        %swap3A_1342 = arith.index_cast %select_n3A_869 : i32 to index
        %swap3A_1343 = arith.index_cast %swap3A_1339 : i32 to index
        %swap3A_1344 = arith.index_cast %swap3A_1340 : i32 to index
        %swap3A_1345 = arith.index_cast %mul3A_887 : i32 to index
        %swap3A_1346 = tpu.vector_load %arg9[%swap3A_1341, %swap3A_1342, %swap3A_1343, %swap3A_1344, %swap3A_1345] {strides = array<i32>} : memref<2x8x2x4x64xf32, #tpu.memory_space<vmem>>, vector<16xf32>,
        tpu.vector_store %arg9[%swap3A_1341, %swap3A_1342, %swap3A_1343, %swap3A_1344, %swap3A_1345], %unpack3A {strides = array<i32>} : memref<2x8x2x4x64xf32, #tpu.memory_space<vmem>>, vector<16xf32>,
        %swap3A_1347 = arith.constant 0 : i32
        %swap3A_1348 = arith.constant 1 : i32
        %swap3A_1349 = arith.constant 0 : i32
        %swap3A_1350 = arith.index_cast %swap3A_1347 : i32 to index
        %swap3A_1351 = arith.index_cast %select_n3A_869 : i32 to index
        %swap3A_1352 = arith.index_cast %swap3A_1348 : i32 to index
        %swap3A_1353 = arith.index_cast %swap3A_1349 : i32 to index
        %swap3A_1354 = arith.index_cast %mul3A_887 : i32 to index
        %swap3A_1355 = tpu.vector_load %arg9[%swap3A_1350, %swap3A_1351, %swap3A_1352, %swap3A_1353, %swap3A_1354] {strides = array<i32>} : memref<2x8x2x4x64xf32, #tpu.memory_space<vmem>>, vector<16xf32>,
        tpu.vector_store %arg9[%swap3A_1350, %swap3A_1351, %swap3A_1352, %swap3A_1353, %swap3A_1354], %unpack3A_1338 {strides = array<i32>} : memref<2x8x2x4x64xf32, #tpu.memory_space<vmem>>, vector<16xf32>,
        %gather3A_1356 = arith.constant 32424 : i32
        %gather3A_1357 = tpu.memref_slice %arg6[%gather3A_1356] : memref<37056xi32, #tpu.memory_space<vmem>> -> memref<1544xi32, #tpu.memory_space<vmem>>
        %gather3A_1358 = tpu.vector_load_idx %gather3A_1357[%get3A_891] : memref<1544xi32, #tpu.memory_space<vmem>>[vector<16xi32>], vector<16xi32>,
        %bitcast3A_1359 = vector.bitcast %gather3A_1358 : vector<16xi32> to vector<32xbf16>
        %mul3A_1360 = arith.mulf %add3A_1321, %pack3A : vector<32xbf16>
        %add3A_1361 = arith.addf %mul3A_1360, %bitcast3A_1359 : vector<32xbf16>
        %unpack3A_1362 = tpu.unpack_subelements %add3A_1361, 0 {pack_format = #tpu.pack_format<interleaved>} : vector<32xbf16> -> vector<16xf32>
        %unpack3A_1363 = tpu.unpack_subelements %add3A_1361, 1 {pack_format = #tpu.pack_format<interleaved>} : vector<32xbf16> -> vector<16xf32>
        %swap3A_1364 = arith.constant 0 : i32
        %swap3A_1365 = arith.constant 0 : i32
        %swap3A_1366 = arith.constant 1 : i32
        %swap3A_1367 = arith.index_cast %swap3A_1364 : i32 to index
        %swap3A_1368 = arith.index_cast %select_n3A_869 : i32 to index
        %swap3A_1369 = arith.index_cast %swap3A_1365 : i32 to index
        %swap3A_1370 = arith.index_cast %swap3A_1366 : i32 to index
        %swap3A_1371 = arith.index_cast %mul3A_887 : i32 to index
        %swap3A_1372 = tpu.vector_load %arg9[%swap3A_1367, %swap3A_1368, %swap3A_1369, %swap3A_1370, %swap3A_1371] {strides = array<i32>} : memref<2x8x2x4x64xf32, #tpu.memory_space<vmem>>, vector<16xf32>,
        tpu.vector_store %arg9[%swap3A_1367, %swap3A_1368, %swap3A_1369, %swap3A_1370, %swap3A_1371], %unpack3A_1362 {strides = array<i32>} : memref<2x8x2x4x64xf32, #tpu.memory_space<vmem>>, vector<16xf32>,
        %swap3A_1373 = arith.constant 0 : i32
        %swap3A_1374 = arith.constant 1 : i32
        %swap3A_1375 = arith.constant 1 : i32
        %swap3A_1376 = arith.index_cast %swap3A_1373 : i32 to index
        %swap3A_1377 = arith.index_cast %select_n3A_869 : i32 to index
        %swap3A_1378 = arith.index_cast %swap3A_1374 : i32 to index
        %swap3A_1379 = arith.index_cast %swap3A_1375 : i32 to index
        %swap3A_1380 = arith.index_cast %mul3A_887 : i32 to index
        %swap3A_1381 = tpu.vector_load %arg9[%swap3A_1376, %swap3A_1377, %swap3A_1378, %swap3A_1379, %swap3A_1380] {strides = array<i32>} : memref<2x8x2x4x64xf32, #tpu.memory_space<vmem>>, vector<16xf32>,
        tpu.vector_store %arg9[%swap3A_1376, %swap3A_1377, %swap3A_1378, %swap3A_1379, %swap3A_1380], %unpack3A_1363 {strides = array<i32>} : memref<2x8x2x4x64xf32, #tpu.memory_space<vmem>>, vector<16xf32>,
        %gather3A_1382 = arith.constant 33968 : i32
        %gather3A_1383 = tpu.memref_slice %arg6[%gather3A_1382] : memref<37056xi32, #tpu.memory_space<vmem>> -> memref<1544xi32, #tpu.memory_space<vmem>>
        %gather3A_1384 = tpu.vector_load_idx %gather3A_1383[%get3A_891] : memref<1544xi32, #tpu.memory_space<vmem>>[vector<16xi32>], vector<16xi32>,
        %bitcast3A_1385 = vector.bitcast %gather3A_1384 : vector<16xi32> to vector<32xbf16>
        %mul3A_1386 = arith.mulf %add3A_1326, %pack3A : vector<32xbf16>
        %add3A_1387 = arith.addf %mul3A_1386, %bitcast3A_1385 : vector<32xbf16>
        %unpack3A_1388 = tpu.unpack_subelements %add3A_1387, 0 {pack_format = #tpu.pack_format<interleaved>} : vector<32xbf16> -> vector<16xf32>
        %unpack3A_1389 = tpu.unpack_subelements %add3A_1387, 1 {pack_format = #tpu.pack_format<interleaved>} : vector<32xbf16> -> vector<16xf32>
        %swap3A_1390 = arith.constant 0 : i32
        %swap3A_1391 = arith.constant 0 : i32
        %swap3A_1392 = arith.constant 2 : i32
        %swap3A_1393 = arith.index_cast %swap3A_1390 : i32 to index
        %swap3A_1394 = arith.index_cast %select_n3A_869 : i32 to index
        %swap3A_1395 = arith.index_cast %swap3A_1391 : i32 to index
        %swap3A_1396 = arith.index_cast %swap3A_1392 : i32 to index
        %swap3A_1397 = arith.index_cast %mul3A_887 : i32 to index
        %swap3A_1398 = tpu.vector_load %arg9[%swap3A_1393, %swap3A_1394, %swap3A_1395, %swap3A_1396, %swap3A_1397] {strides = array<i32>} : memref<2x8x2x4x64xf32, #tpu.memory_space<vmem>>, vector<16xf32>,
        tpu.vector_store %arg9[%swap3A_1393, %swap3A_1394, %swap3A_1395, %swap3A_1396, %swap3A_1397], %unpack3A_1388 {strides = array<i32>} : memref<2x8x2x4x64xf32, #tpu.memory_space<vmem>>, vector<16xf32>,
        %swap3A_1399 = arith.constant 0 : i32
        %swap3A_1400 = arith.constant 1 : i32
        %swap3A_1401 = arith.constant 2 : i32
        %swap3A_1402 = arith.index_cast %swap3A_1399 : i32 to index
        %swap3A_1403 = arith.index_cast %select_n3A_869 : i32 to index
        %swap3A_1404 = arith.index_cast %swap3A_1400 : i32 to index
        %swap3A_1405 = arith.index_cast %swap3A_1401 : i32 to index
        %swap3A_1406 = arith.index_cast %mul3A_887 : i32 to index
        %swap3A_1407 = tpu.vector_load %arg9[%swap3A_1402, %swap3A_1403, %swap3A_1404, %swap3A_1405, %swap3A_1406] {strides = array<i32>} : memref<2x8x2x4x64xf32, #tpu.memory_space<vmem>>, vector<16xf32>,
        tpu.vector_store %arg9[%swap3A_1402, %swap3A_1403, %swap3A_1404, %swap3A_1405, %swap3A_1406], %unpack3A_1389 {strides = array<i32>} : memref<2x8x2x4x64xf32, #tpu.memory_space<vmem>>, vector<16xf32>,
        %gather3A_1408 = arith.constant 35512 : i32
        %gather3A_1409 = tpu.memref_slice %arg6[%gather3A_1408] : memref<37056xi32, #tpu.memory_space<vmem>> -> memref<1544xi32, #tpu.memory_space<vmem>>
        %gather3A_1410 = tpu.vector_load_idx %gather3A_1409[%get3A_891] : memref<1544xi32, #tpu.memory_space<vmem>>[vector<16xi32>], vector<16xi32>,
        %bitcast3A_1411 = vector.bitcast %gather3A_1410 : vector<16xi32> to vector<32xbf16>
        %mul3A_1412 = arith.mulf %add3A_1331, %pack3A : vector<32xbf16>
        %add3A_1413 = arith.addf %mul3A_1412, %bitcast3A_1411 : vector<32xbf16>
        %unpack3A_1414 = tpu.unpack_subelements %add3A_1413, 0 {pack_format = #tpu.pack_format<interleaved>} : vector<32xbf16> -> vector<16xf32>
        %unpack3A_1415 = tpu.unpack_subelements %add3A_1413, 1 {pack_format = #tpu.pack_format<interleaved>} : vector<32xbf16> -> vector<16xf32>
        %swap3A_1416 = arith.constant 0 : i32
        %swap3A_1417 = arith.constant 0 : i32
        %swap3A_1418 = arith.constant 3 : i32
        %swap3A_1419 = arith.index_cast %swap3A_1416 : i32 to index
        %swap3A_1420 = arith.index_cast %select_n3A_869 : i32 to index
        %swap3A_1421 = arith.index_cast %swap3A_1417 : i32 to index
        %swap3A_1422 = arith.index_cast %swap3A_1418 : i32 to index
        %swap3A_1423 = arith.index_cast %mul3A_887 : i32 to index
        %swap3A_1424 = tpu.vector_load %arg9[%swap3A_1419, %swap3A_1420, %swap3A_1421, %swap3A_1422, %swap3A_1423] {strides = array<i32>} : memref<2x8x2x4x64xf32, #tpu.memory_space<vmem>>, vector<16xf32>,
        tpu.vector_store %arg9[%swap3A_1419, %swap3A_1420, %swap3A_1421, %swap3A_1422, %swap3A_1423], %unpack3A_1414 {strides = array<i32>} : memref<2x8x2x4x64xf32, #tpu.memory_space<vmem>>, vector<16xf32>,
        %swap3A_1425 = arith.constant 0 : i32
        %swap3A_1426 = arith.constant 1 : i32
        %swap3A_1427 = arith.constant 3 : i32
        %swap3A_1428 = arith.index_cast %swap3A_1425 : i32 to index
        %swap3A_1429 = arith.index_cast %select_n3A_869 : i32 to index
        %swap3A_1430 = arith.index_cast %swap3A_1426 : i32 to index
        %swap3A_1431 = arith.index_cast %swap3A_1427 : i32 to index
        %swap3A_1432 = arith.index_cast %mul3A_887 : i32 to index
        %swap3A_1433 = tpu.vector_load %arg9[%swap3A_1428, %swap3A_1429, %swap3A_1430, %swap3A_1431, %swap3A_1432] {strides = array<i32>} : memref<2x8x2x4x64xf32, #tpu.memory_space<vmem>>, vector<16xf32>,
        tpu.vector_store %arg9[%swap3A_1428, %swap3A_1429, %swap3A_1430, %swap3A_1431, %swap3A_1432], %unpack3A_1415 {strides = array<i32>} : memref<2x8x2x4x64xf32, #tpu.memory_space<vmem>>, vector<16xf32>,
      }
      %scan3A_489 = arith.constant 32 : i32
      %mul3A_490 = arith.constant 8192 : i32
      %mul3A_491 = arith.muli %select_n3A_30, %mul3A_490 : i32
      %mul3A_492 = arith.constant 512 : i32
      %mul3A_493 = arith.muli %add3A_367, %mul3A_492 : i32
      %add3A_494 = arith.addi %mul3A_491, %mul3A_493 : i32
      %jit3A_495 = arith.constant 4096 : i32
      %div3A_496 = arith.divsi %add3A_494, %jit3A_495 : i32
      %sign3A_497 = arith.constant 0 : i32
      %sign3A_498 = arith.cmpi sgt, %add3A_494, %sign3A_497 : i32
      %sign3A_499 = arith.extui %sign3A_498 : i1 to i32
      %sign3A_500 = arith.constant 0 : i32
      %sign3A_501 = arith.cmpi slt, %add3A_494, %sign3A_500 : i32
      %sign3A_502 = arith.extui %sign3A_501 : i1 to i32
      %sign3A_503 = arith.subi %sign3A_499, %sign3A_502 : i32
      %sign3A_504 = arith.constant 0 : i32
      %sign3A_505 = arith.cmpi sgt, %jit3A_495, %sign3A_504 : i32
      %sign3A_506 = arith.extui %sign3A_505 : i1 to i32
      %sign3A_507 = arith.constant 0 : i32
      %sign3A_508 = arith.cmpi slt, %jit3A_495, %sign3A_507 : i32
      %sign3A_509 = arith.extui %sign3A_508 : i1 to i32
      %sign3A_510 = arith.subi %sign3A_506, %sign3A_509 : i32
      %ne3A_511 = arith.cmpi ne, %sign3A_503, %sign3A_510 : i32
      %rem3A_512 = arith.remsi %add3A_494, %jit3A_495 : i32
      %ne3A_513 = arith.constant 0 : i32
      %ne3A_514 = arith.cmpi ne, %rem3A_512, %ne3A_513 : i32
      %and3A_515 = arith.andi %ne3A_511, %ne3A_514 : i1
      %sub3A_516 = arith.constant 1 : i32
      %sub3A_517 = arith.subi %div3A_496, %sub3A_516 : i32
      %select_n3A_518 = arith.select %and3A_515, %sub3A_517, %div3A_496 : i32
      %jit3A_519 = arith.constant 4096 : i32
      %eq3A_520 = arith.constant 0 : i32
      %eq3A_521 = arith.cmpi eq, %jit3A_519, %eq3A_520 : i32
      %jit3A_522 = arith.constant 1 : i32
      %select_n3A_523 = arith.select %eq3A_521, %jit3A_522, %jit3A_519 : i32
      %rem3A_524 = arith.remsi %add3A_494, %select_n3A_523 : i32
      %ne3A_525 = arith.constant 0 : i32
      %ne3A_526 = arith.cmpi ne, %rem3A_524, %ne3A_525 : i32
      %lt3A_527 = arith.constant 0 : i32
      %lt3A_528 = arith.cmpi slt, %rem3A_524, %lt3A_527 : i32
      %lt3A_529 = arith.constant 0 : i32
      %lt3A_530 = arith.cmpi slt, %select_n3A_523, %lt3A_529 : i32
      %ne3A_531 = arith.xori %lt3A_528, %lt3A_530 : i1
      %and3A_532 = arith.andi %ne3A_531, %ne3A_526 : i1
      %add3A_533 = arith.addi %rem3A_524, %select_n3A_523 : i32
      %select_n3A_534 = arith.select %and3A_532, %add3A_533, %rem3A_524 : i32
      %jit3A_535 = arith.constant 64 : i32
      %div3A_536 = arith.divsi %select_n3A_534, %jit3A_535 : i32
      %sign3A_537 = arith.constant 0 : i32
      %sign3A_538 = arith.cmpi sgt, %select_n3A_534, %sign3A_537 : i32
      %sign3A_539 = arith.extui %sign3A_538 : i1 to i32
      %sign3A_540 = arith.constant 0 : i32
      %sign3A_541 = arith.cmpi slt, %select_n3A_534, %sign3A_540 : i32
      %sign3A_542 = arith.extui %sign3A_541 : i1 to i32
      %sign3A_543 = arith.subi %sign3A_539, %sign3A_542 : i32
      %sign3A_544 = arith.constant 0 : i32
      %sign3A_545 = arith.cmpi sgt, %jit3A_535, %sign3A_544 : i32
      %sign3A_546 = arith.extui %sign3A_545 : i1 to i32
      %sign3A_547 = arith.constant 0 : i32
      %sign3A_548 = arith.cmpi slt, %jit3A_535, %sign3A_547 : i32
      %sign3A_549 = arith.extui %sign3A_548 : i1 to i32
      %sign3A_550 = arith.subi %sign3A_546, %sign3A_549 : i32
      %ne3A_551 = arith.cmpi ne, %sign3A_543, %sign3A_550 : i32
      %rem3A_552 = arith.remsi %select_n3A_534, %jit3A_535 : i32
      %ne3A_553 = arith.constant 0 : i32
      %ne3A_554 = arith.cmpi ne, %rem3A_552, %ne3A_553 : i32
      %and3A_555 = arith.andi %ne3A_551, %ne3A_554 : i1
      %sub3A_556 = arith.constant 1 : i32
      %sub3A_557 = arith.subi %div3A_536, %sub3A_556 : i32
      %select_n3A_558 = arith.select %and3A_555, %sub3A_557, %div3A_536 : i32
      %multiple_of3A_559 = tpu.assume_multiple %select_n3A_558, 8 : i32
      %mul3A_560 = arith.constant 4 : i32
      %mul3A_561 = arith.muli %select_n3A_9, %mul3A_560 : i32
      %mul3A_562 = arith.constant 4 : i32
      %mul3A_563 = arith.muli %select_n3A_9, %mul3A_562 : i32
      %add3A_564 = arith.constant 16 : i32
      %add3A_565 = arith.addi %add3A_564, %mul3A_563 : i32
      %dma_start3A_566 = arith.constant 0 : i32
      %dma_start3A_567 = arith.constant 0 : i32
      %dma_start3A_568 = arith.constant 0 : i32
      %dma_start3A_569 = arith.constant 0 : i32
      %dma_start3A_570 = arith.constant 0 : i32
      %dma_start3A_571 = tpu.memref_slice %arg9[%dma_start3A_566, %dma_start3A_568, %dma_start3A_567, %dma_start3A_569, %dma_start3A_570] : memref<2x8x2x4x64xf32, #tpu.memory_space<vmem>> -> memref<1x8x1x4x64xf32, #tpu.memory_space<vmem>>
      %dma_start3A_572 = tpu.memref_squeeze %dma_start3A_571 : memref<1x8x1x4x64xf32, #tpu.memory_space<vmem>> -> memref<8x4x64xf32, #tpu.memory_space<vmem>>
      %dma_start3A_573 = arith.constant 0 : i32
      %dma_start3A_574 = tpu.memref_slice %arg5[%select_n3A_518, %multiple_of3A_559, %mul3A_561, %dma_start3A_573] : memref<16x64x32x64xf32, #tpu.memory_space<hbm>> -> memref<1x8x4x64xf32, #tpu.memory_space<hbm>>
      %dma_start3A_575 = tpu.memref_squeeze %dma_start3A_574 : memref<1x8x4x64xf32, #tpu.memory_space<hbm>> -> memref<8x4x64xf32, #tpu.memory_space<hbm>>
      %dma_start3A_576 = arith.constant 0 : i32
      %dma_start3A_577 = tpu.memref_slice %arg5[%select_n3A_518, %multiple_of3A_559, %mul3A_561, %dma_start3A_576] : memref<16x64x32x64xf32, #tpu.memory_space<hbm>> -> memref<1x8x4x64xf32, #tpu.memory_space<hbm>>
      %dma_start3A_578 = tpu.memref_squeeze %dma_start3A_577 : memref<1x8x4x64xf32, #tpu.memory_space<hbm>> -> memref<8x4x64xf32, #tpu.memory_space<hbm>>
      %dma_start3A_579 = arith.constant 0 : i32
      %dma_start3A_580 = arith.constant 0 : i32
      %dma_start3A_581 = arith.constant 0 : i32
      %dma_start3A_582 = tpu.memref_slice %arg9[%dma_start3A_566, %dma_start3A_579, %dma_start3A_567, %dma_start3A_580, %dma_start3A_581] : memref<2x8x2x4x64xf32, #tpu.memory_space<vmem>> -> memref<1x8x1x4x64xf32, #tpu.memory_space<vmem>>
      %dma_start3A_583 = tpu.memref_squeeze %dma_start3A_582 : memref<1x8x1x4x64xf32, #tpu.memory_space<vmem>> -> memref<8x4x64xf32, #tpu.memory_space<vmem>>
      tpu.enqueue_dma source(%dma_start3A_583 : memref<8x4x64xf32, #tpu.memory_space<vmem>>) target(%dma_start3A_578 : memref<8x4x64xf32, #tpu.memory_space<hbm>>) target_semaphore(%arg11 : memref<!tpu.dma_semaphore, #tpu.memory_space<semaphore_mem>>)
      %dma_start3A_584 = arith.constant 0 : i32
      %dma_start3A_585 = arith.constant 1 : i32
      %dma_start3A_586 = arith.constant 0 : i32
      %dma_start3A_587 = arith.constant 0 : i32
      %dma_start3A_588 = arith.constant 0 : i32
      %dma_start3A_589 = tpu.memref_slice %arg9[%dma_start3A_584, %dma_start3A_586, %dma_start3A_585, %dma_start3A_587, %dma_start3A_588] : memref<2x8x2x4x64xf32, #tpu.memory_space<vmem>> -> memref<1x8x1x4x64xf32, #tpu.memory_space<vmem>>
      %dma_start3A_590 = tpu.memref_squeeze %dma_start3A_589 : memref<1x8x1x4x64xf32, #tpu.memory_space<vmem>> -> memref<8x4x64xf32, #tpu.memory_space<vmem>>
      %dma_start3A_591 = arith.constant 0 : i32
      %dma_start3A_592 = tpu.memref_slice %arg5[%select_n3A_518, %multiple_of3A_559, %add3A_565, %dma_start3A_591] : memref<16x64x32x64xf32, #tpu.memory_space<hbm>> -> memref<1x8x4x64xf32, #tpu.memory_space<hbm>>
      %dma_start3A_593 = tpu.memref_squeeze %dma_start3A_592 : memref<1x8x4x64xf32, #tpu.memory_space<hbm>> -> memref<8x4x64xf32, #tpu.memory_space<hbm>>
      %dma_start3A_594 = arith.constant 0 : i32
      %dma_start3A_595 = tpu.memref_slice %arg5[%select_n3A_518, %multiple_of3A_559, %add3A_565, %dma_start3A_594] : memref<16x64x32x64xf32, #tpu.memory_space<hbm>> -> memref<1x8x4x64xf32, #tpu.memory_space<hbm>>
      %dma_start3A_596 = tpu.memref_squeeze %dma_start3A_595 : memref<1x8x4x64xf32, #tpu.memory_space<hbm>> -> memref<8x4x64xf32, #tpu.memory_space<hbm>>
      %dma_start3A_597 = arith.constant 0 : i32
      %dma_start3A_598 = arith.constant 0 : i32
      %dma_start3A_599 = arith.constant 0 : i32
      %dma_start3A_600 = tpu.memref_slice %arg9[%dma_start3A_584, %dma_start3A_597, %dma_start3A_585, %dma_start3A_598, %dma_start3A_599] : memref<2x8x2x4x64xf32, #tpu.memory_space<vmem>> -> memref<1x8x1x4x64xf32, #tpu.memory_space<vmem>>
      %dma_start3A_601 = tpu.memref_squeeze %dma_start3A_600 : memref<1x8x1x4x64xf32, #tpu.memory_space<vmem>> -> memref<8x4x64xf32, #tpu.memory_space<vmem>>
      tpu.enqueue_dma source(%dma_start3A_601 : memref<8x4x64xf32, #tpu.memory_space<vmem>>) target(%dma_start3A_596 : memref<8x4x64xf32, #tpu.memory_space<hbm>>) target_semaphore(%arg11 : memref<!tpu.dma_semaphore, #tpu.memory_space<semaphore_mem>>)
      %add3A_602 = arith.constant 1 : i32
      %add3A_603 = arith.addi %add3A_365, %add3A_602 : i32
      %mul3A_604 = arith.constant 8192 : i32
      %mul3A_605 = arith.muli %select_n3A_30, %mul3A_604 : i32
      %mul3A_606 = arith.constant 512 : i32
      %mul3A_607 = arith.muli %add3A_603, %mul3A_606 : i32
      %add3A_608 = arith.addi %mul3A_605, %mul3A_607 : i32
      %jit3A_609 = arith.constant 4096 : i32
      %div3A_610 = arith.divsi %add3A_608, %jit3A_609 : i32
      %sign3A_611 = arith.constant 0 : i32
      %sign3A_612 = arith.cmpi sgt, %add3A_608, %sign3A_611 : i32
      %sign3A_613 = arith.extui %sign3A_612 : i1 to i32
      %sign3A_614 = arith.constant 0 : i32
      %sign3A_615 = arith.cmpi slt, %add3A_608, %sign3A_614 : i32
      %sign3A_616 = arith.extui %sign3A_615 : i1 to i32
      %sign3A_617 = arith.subi %sign3A_613, %sign3A_616 : i32
      %sign3A_618 = arith.constant 0 : i32
      %sign3A_619 = arith.cmpi sgt, %jit3A_609, %sign3A_618 : i32
      %sign3A_620 = arith.extui %sign3A_619 : i1 to i32
      %sign3A_621 = arith.constant 0 : i32
      %sign3A_622 = arith.cmpi slt, %jit3A_609, %sign3A_621 : i32
      %sign3A_623 = arith.extui %sign3A_622 : i1 to i32
      %sign3A_624 = arith.subi %sign3A_620, %sign3A_623 : i32
      %ne3A_625 = arith.cmpi ne, %sign3A_617, %sign3A_624 : i32
      %rem3A_626 = arith.remsi %add3A_608, %jit3A_609 : i32
      %ne3A_627 = arith.constant 0 : i32
      %ne3A_628 = arith.cmpi ne, %rem3A_626, %ne3A_627 : i32
      %and3A_629 = arith.andi %ne3A_625, %ne3A_628 : i1
      %sub3A_630 = arith.constant 1 : i32
      %sub3A_631 = arith.subi %div3A_610, %sub3A_630 : i32
      %select_n3A_632 = arith.select %and3A_629, %sub3A_631, %div3A_610 : i32
      %jit3A_633 = arith.constant 4096 : i32
      %eq3A_634 = arith.constant 0 : i32
      %eq3A_635 = arith.cmpi eq, %jit3A_633, %eq3A_634 : i32
      %jit3A_636 = arith.constant 1 : i32
      %select_n3A_637 = arith.select %eq3A_635, %jit3A_636, %jit3A_633 : i32
      %rem3A_638 = arith.remsi %add3A_608, %select_n3A_637 : i32
      %ne3A_639 = arith.constant 0 : i32
      %ne3A_640 = arith.cmpi ne, %rem3A_638, %ne3A_639 : i32
      %lt3A_641 = arith.constant 0 : i32
      %lt3A_642 = arith.cmpi slt, %rem3A_638, %lt3A_641 : i32
      %lt3A_643 = arith.constant 0 : i32
      %lt3A_644 = arith.cmpi slt, %select_n3A_637, %lt3A_643 : i32
      %ne3A_645 = arith.xori %lt3A_642, %lt3A_644 : i1
      %and3A_646 = arith.andi %ne3A_645, %ne3A_640 : i1
      %add3A_647 = arith.addi %rem3A_638, %select_n3A_637 : i32
      %select_n3A_648 = arith.select %and3A_646, %add3A_647, %rem3A_638 : i32
      %jit3A_649 = arith.constant 64 : i32
      %div3A_650 = arith.divsi %select_n3A_648, %jit3A_649 : i32
      %sign3A_651 = arith.constant 0 : i32
      %sign3A_652 = arith.cmpi sgt, %select_n3A_648, %sign3A_651 : i32
      %sign3A_653 = arith.extui %sign3A_652 : i1 to i32
      %sign3A_654 = arith.constant 0 : i32
      %sign3A_655 = arith.cmpi slt, %select_n3A_648, %sign3A_654 : i32
      %sign3A_656 = arith.extui %sign3A_655 : i1 to i32
      %sign3A_657 = arith.subi %sign3A_653, %sign3A_656 : i32
      %sign3A_658 = arith.constant 0 : i32
      %sign3A_659 = arith.cmpi sgt, %jit3A_649, %sign3A_658 : i32
      %sign3A_660 = arith.extui %sign3A_659 : i1 to i32
      %sign3A_661 = arith.constant 0 : i32
      %sign3A_662 = arith.cmpi slt, %jit3A_649, %sign3A_661 : i32
      %sign3A_663 = arith.extui %sign3A_662 : i1 to i32
      %sign3A_664 = arith.subi %sign3A_660, %sign3A_663 : i32
      %ne3A_665 = arith.cmpi ne, %sign3A_657, %sign3A_664 : i32
      %rem3A_666 = arith.remsi %select_n3A_648, %jit3A_649 : i32
      %ne3A_667 = arith.constant 0 : i32
      %ne3A_668 = arith.cmpi ne, %rem3A_666, %ne3A_667 : i32
      %and3A_669 = arith.andi %ne3A_665, %ne3A_668 : i1
      %sub3A_670 = arith.constant 1 : i32
      %sub3A_671 = arith.subi %div3A_650, %sub3A_670 : i32
      %select_n3A_672 = arith.select %and3A_669, %sub3A_671, %div3A_650 : i32
      %multiple_of3A_673 = tpu.assume_multiple %select_n3A_672, 8 : i32
      %dma_wait3A_674 = arith.constant 1 : i32
      %dma_wait3A_675 = arith.constant 0 : i32
      %dma_wait3A_676 = arith.constant 0 : i32
      %dma_wait3A_677 = arith.constant 0 : i32
      %dma_wait3A_678 = arith.constant 0 : i32
      %dma_wait3A_679 = tpu.memref_slice %arg7[%dma_wait3A_674, %dma_wait3A_675, %dma_wait3A_676, %dma_wait3A_677, %dma_wait3A_678] : memref<2x5x3x8x64xi32, #tpu.memory_space<vmem>> -> memref<1x5x3x8x64xi32, #tpu.memory_space<vmem>>
      %dma_wait3A_680 = tpu.memref_squeeze %dma_wait3A_679 : memref<1x5x3x8x64xi32, #tpu.memory_space<vmem>> -> memref<5x3x8x64xi32, #tpu.memory_space<vmem>>
      %dma_wait3A_681 = arith.constant 0 : i32
      %dma_wait3A_682 = arith.constant 0 : i32
      %dma_wait3A_683 = arith.constant 0 : i32
      %dma_wait3A_684 = tpu.memref_slice %arg3[%select_n3A_632, %dma_wait3A_681, %dma_wait3A_682, %multiple_of3A_673, %dma_wait3A_683] : memref<16x5x3x64x64xi32, #tpu.memory_space<hbm>> -> memref<1x5x3x8x64xi32, #tpu.memory_space<hbm>>
      %dma_wait3A_685 = tpu.memref_squeeze %dma_wait3A_684 : memref<1x5x3x8x64xi32, #tpu.memory_space<hbm>> -> memref<5x3x8x64xi32, #tpu.memory_space<hbm>>
      %dma_wait3A_686 = arith.constant 0 : i32
      %dma_wait3A_687 = arith.constant 0 : i32
      %dma_wait3A_688 = arith.constant 0 : i32
      %dma_wait3A_689 = arith.constant 0 : i32
      %dma_wait3A_690 = tpu.memref_slice %arg7[%dma_wait3A_674, %dma_wait3A_686, %dma_wait3A_687, %dma_wait3A_688, %dma_wait3A_689] : memref<2x5x3x8x64xi32, #tpu.memory_space<vmem>> -> memref<1x5x3x8x64xi32, #tpu.memory_space<vmem>>
      %dma_wait3A_691 = tpu.memref_squeeze %dma_wait3A_690 : memref<1x5x3x8x64xi32, #tpu.memory_space<vmem>> -> memref<5x3x8x64xi32, #tpu.memory_space<vmem>>
      %dma_wait3A_692 = arith.constant 0 : i32
      %dma_wait3A_693 = arith.constant 0 : i32
      %dma_wait3A_694 = arith.constant 0 : i32
      %dma_wait3A_695 = tpu.memref_slice %arg3[%select_n3A_632, %dma_wait3A_692, %dma_wait3A_693, %multiple_of3A_673, %dma_wait3A_694] : memref<16x5x3x64x64xi32, #tpu.memory_space<hbm>> -> memref<1x5x3x8x64xi32, #tpu.memory_space<hbm>>
      %dma_wait3A_696 = tpu.memref_squeeze %dma_wait3A_695 : memref<1x5x3x8x64xi32, #tpu.memory_space<hbm>> -> memref<5x3x8x64xi32, #tpu.memory_space<hbm>>
      tpu.wait_dma2 semaphore(%arg10 : memref<!tpu.dma_semaphore, #tpu.memory_space<semaphore_mem>>) src(%dma_wait3A_696 : memref<5x3x8x64xi32, #tpu.memory_space<hbm>>) dst(%dma_wait3A_691 : memref<5x3x8x64xi32, #tpu.memory_space<vmem>>)
      %dma_wait3A_697 = arith.constant 1 : i32
      %dma_wait3A_698 = arith.constant 0 : i32
      %dma_wait3A_699 = arith.constant 0 : i32
      %dma_wait3A_700 = tpu.memref_slice %arg8[%dma_wait3A_697, %dma_wait3A_698, %dma_wait3A_699] : memref<2x8x64xi32, #tpu.memory_space<vmem>> -> memref<1x8x64xi32, #tpu.memory_space<vmem>>
      %dma_wait3A_701 = tpu.memref_squeeze %dma_wait3A_700 : memref<1x8x64xi32, #tpu.memory_space<vmem>> -> memref<8x64xi32, #tpu.memory_space<vmem>>
      %dma_wait3A_702 = arith.constant 0 : i32
      %dma_wait3A_703 = tpu.memref_slice %arg4[%select_n3A_632, %multiple_of3A_673, %dma_wait3A_702] : memref<16x64x64xi32, #tpu.memory_space<hbm>> -> memref<1x8x64xi32, #tpu.memory_space<hbm>>
      %dma_wait3A_704 = tpu.memref_squeeze %dma_wait3A_703 : memref<1x8x64xi32, #tpu.memory_space<hbm>> -> memref<8x64xi32, #tpu.memory_space<hbm>>
      %dma_wait3A_705 = arith.constant 0 : i32
      %dma_wait3A_706 = arith.constant 0 : i32
      %dma_wait3A_707 = tpu.memref_slice %arg8[%dma_wait3A_697, %dma_wait3A_705, %dma_wait3A_706] : memref<2x8x64xi32, #tpu.memory_space<vmem>> -> memref<1x8x64xi32, #tpu.memory_space<vmem>>
      %dma_wait3A_708 = tpu.memref_squeeze %dma_wait3A_707 : memref<1x8x64xi32, #tpu.memory_space<vmem>> -> memref<8x64xi32, #tpu.memory_space<vmem>>
      %dma_wait3A_709 = arith.constant 0 : i32
      %dma_wait3A_710 = tpu.memref_slice %arg4[%select_n3A_632, %multiple_of3A_673, %dma_wait3A_709] : memref<16x64x64xi32, #tpu.memory_space<hbm>> -> memref<1x8x64xi32, #tpu.memory_space<hbm>>
      %dma_wait3A_711 = tpu.memref_squeeze %dma_wait3A_710 : memref<1x8x64xi32, #tpu.memory_space<hbm>> -> memref<8x64xi32, #tpu.memory_space<hbm>>
      tpu.wait_dma2 semaphore(%arg10 : memref<!tpu.dma_semaphore, #tpu.memory_space<semaphore_mem>>) src(%dma_wait3A_711 : memref<8x64xi32, #tpu.memory_space<hbm>>) dst(%dma_wait3A_708 : memref<8x64xi32, #tpu.memory_space<vmem>>)
      %add3A_712 = arith.constant 1 : i32
      %add3A_713 = arith.addi %add3A_603, %add3A_712 : i32
      %lt3A_714 = arith.constant 16 : i32
      %lt3A_715 = arith.cmpi slt, %add3A_713, %lt3A_714 : i32
      %convert_element_type3A_716 = arith.extui %lt3A_715 : i1 to i32
      %cond3A_717 = arith.constant 0 : i32
      %cond3A_718 = arith.cmpi ne, %convert_element_type3A_716, %cond3A_717 : i32
      scf.if %cond3A_718 {
        %add3A_841 = arith.constant 1 : i32
        %add3A_842 = arith.addi %add3A_603, %add3A_841 : i32
        %mul3A_843 = arith.constant 8192 : i32
        %mul3A_844 = arith.muli %select_n3A_30, %mul3A_843 : i32
        %mul3A_845 = arith.constant 512 : i32
        %mul3A_846 = arith.muli %add3A_842, %mul3A_845 : i32
        %add3A_847 = arith.addi %mul3A_844, %mul3A_846 : i32
        %jit3A_848 = arith.constant 4096 : i32
        %div3A_849 = arith.divsi %add3A_847, %jit3A_848 : i32
        %sign3A_850 = arith.constant 0 : i32
        %sign3A_851 = arith.cmpi sgt, %add3A_847, %sign3A_850 : i32
        %sign3A_852 = arith.extui %sign3A_851 : i1 to i32
        %sign3A_853 = arith.constant 0 : i32
        %sign3A_854 = arith.cmpi slt, %add3A_847, %sign3A_853 : i32
        %sign3A_855 = arith.extui %sign3A_854 : i1 to i32
        %sign3A_856 = arith.subi %sign3A_852, %sign3A_855 : i32
        %sign3A_857 = arith.constant 0 : i32
        %sign3A_858 = arith.cmpi sgt, %jit3A_848, %sign3A_857 : i32
        %sign3A_859 = arith.extui %sign3A_858 : i1 to i32
        %sign3A_860 = arith.constant 0 : i32
        %sign3A_861 = arith.cmpi slt, %jit3A_848, %sign3A_860 : i32
        %sign3A_862 = arith.extui %sign3A_861 : i1 to i32
        %sign3A_863 = arith.subi %sign3A_859, %sign3A_862 : i32
        %ne3A_864 = arith.cmpi ne, %sign3A_856, %sign3A_863 : i32
        %rem3A_865 = arith.remsi %add3A_847, %jit3A_848 : i32
        %ne3A_866 = arith.constant 0 : i32
        %ne3A_867 = arith.cmpi ne, %rem3A_865, %ne3A_866 : i32
        %and3A_868 = arith.andi %ne3A_864, %ne3A_867 : i1
        %sub3A_869 = arith.constant 1 : i32
        %sub3A_870 = arith.subi %div3A_849, %sub3A_869 : i32
        %select_n3A_871 = arith.select %and3A_868, %sub3A_870, %div3A_849 : i32
        %jit3A_872 = arith.constant 4096 : i32
        %eq3A_873 = arith.constant 0 : i32
        %eq3A_874 = arith.cmpi eq, %jit3A_872, %eq3A_873 : i32
        %jit3A_875 = arith.constant 1 : i32
        %select_n3A_876 = arith.select %eq3A_874, %jit3A_875, %jit3A_872 : i32
        %rem3A_877 = arith.remsi %add3A_847, %select_n3A_876 : i32
        %ne3A_878 = arith.constant 0 : i32
        %ne3A_879 = arith.cmpi ne, %rem3A_877, %ne3A_878 : i32
        %lt3A_880 = arith.constant 0 : i32
        %lt3A_881 = arith.cmpi slt, %rem3A_877, %lt3A_880 : i32
        %lt3A_882 = arith.constant 0 : i32
        %lt3A_883 = arith.cmpi slt, %select_n3A_876, %lt3A_882 : i32
        %ne3A_884 = arith.xori %lt3A_881, %lt3A_883 : i1
        %and3A_885 = arith.andi %ne3A_884, %ne3A_879 : i1
        %add3A_886 = arith.addi %rem3A_877, %select_n3A_876 : i32
        %select_n3A_887 = arith.select %and3A_885, %add3A_886, %rem3A_877 : i32
        %jit3A_888 = arith.constant 64 : i32
        %div3A_889 = arith.divsi %select_n3A_887, %jit3A_888 : i32
        %sign3A_890 = arith.constant 0 : i32
        %sign3A_891 = arith.cmpi sgt, %select_n3A_887, %sign3A_890 : i32
        %sign3A_892 = arith.extui %sign3A_891 : i1 to i32
        %sign3A_893 = arith.constant 0 : i32
        %sign3A_894 = arith.cmpi slt, %select_n3A_887, %sign3A_893 : i32
        %sign3A_895 = arith.extui %sign3A_894 : i1 to i32
        %sign3A_896 = arith.subi %sign3A_892, %sign3A_895 : i32
        %sign3A_897 = arith.constant 0 : i32
        %sign3A_898 = arith.cmpi sgt, %jit3A_888, %sign3A_897 : i32
        %sign3A_899 = arith.extui %sign3A_898 : i1 to i32
        %sign3A_900 = arith.constant 0 : i32
        %sign3A_901 = arith.cmpi slt, %jit3A_888, %sign3A_900 : i32
        %sign3A_902 = arith.extui %sign3A_901 : i1 to i32
        %sign3A_903 = arith.subi %sign3A_899, %sign3A_902 : i32
        %ne3A_904 = arith.cmpi ne, %sign3A_896, %sign3A_903 : i32
        %rem3A_905 = arith.remsi %select_n3A_887, %jit3A_888 : i32
        %ne3A_906 = arith.constant 0 : i32
        %ne3A_907 = arith.cmpi ne, %rem3A_905, %ne3A_906 : i32
        %and3A_908 = arith.andi %ne3A_904, %ne3A_907 : i1
        %sub3A_909 = arith.constant 1 : i32
        %sub3A_910 = arith.subi %div3A_889, %sub3A_909 : i32
        %select_n3A_911 = arith.select %and3A_908, %sub3A_910, %div3A_889 : i32
        %multiple_of3A_912 = tpu.assume_multiple %select_n3A_911, 8 : i32
        %dma_start3A_913 = arith.constant 0 : i32
        %dma_start3A_914 = arith.constant 0 : i32
        %dma_start3A_915 = arith.constant 0 : i32
        %dma_start3A_916 = arith.constant 0 : i32
        %dma_start3A_917 = arith.constant 0 : i32
        %dma_start3A_918 = tpu.memref_slice %arg7[%dma_start3A_913, %dma_start3A_914, %dma_start3A_915, %dma_start3A_916, %dma_start3A_917] : memref<2x5x3x8x64xi32, #tpu.memory_space<vmem>> -> memref<1x5x3x8x64xi32, #tpu.memory_space<vmem>>
        %dma_start3A_919 = tpu.memref_squeeze %dma_start3A_918 : memref<1x5x3x8x64xi32, #tpu.memory_space<vmem>> -> memref<5x3x8x64xi32, #tpu.memory_space<vmem>>
        %dma_start3A_920 = arith.constant 0 : i32
        %dma_start3A_921 = arith.constant 0 : i32
        %dma_start3A_922 = arith.constant 0 : i32
        %dma_start3A_923 = tpu.memref_slice %arg3[%select_n3A_871, %dma_start3A_920, %dma_start3A_921, %multiple_of3A_912, %dma_start3A_922] : memref<16x5x3x64x64xi32, #tpu.memory_space<hbm>> -> memref<1x5x3x8x64xi32, #tpu.memory_space<hbm>>
        %dma_start3A_924 = tpu.memref_squeeze %dma_start3A_923 : memref<1x5x3x8x64xi32, #tpu.memory_space<hbm>> -> memref<5x3x8x64xi32, #tpu.memory_space<hbm>>
        %dma_start3A_925 = arith.constant 0 : i32
        %dma_start3A_926 = arith.constant 0 : i32
        %dma_start3A_927 = arith.constant 0 : i32
        %dma_start3A_928 = arith.constant 0 : i32
        %dma_start3A_929 = tpu.memref_slice %arg7[%dma_start3A_913, %dma_start3A_925, %dma_start3A_926, %dma_start3A_927, %dma_start3A_928] : memref<2x5x3x8x64xi32, #tpu.memory_space<vmem>> -> memref<1x5x3x8x64xi32, #tpu.memory_space<vmem>>
        %dma_start3A_930 = tpu.memref_squeeze %dma_start3A_929 : memref<1x5x3x8x64xi32, #tpu.memory_space<vmem>> -> memref<5x3x8x64xi32, #tpu.memory_space<vmem>>
        %dma_start3A_931 = arith.constant 0 : i32
        %dma_start3A_932 = arith.constant 0 : i32
        %dma_start3A_933 = arith.constant 0 : i32
        %dma_start3A_934 = tpu.memref_slice %arg3[%select_n3A_871, %dma_start3A_931, %dma_start3A_932, %multiple_of3A_912, %dma_start3A_933] : memref<16x5x3x64x64xi32, #tpu.memory_space<hbm>> -> memref<1x5x3x8x64xi32, #tpu.memory_space<hbm>>
        %dma_start3A_935 = tpu.memref_squeeze %dma_start3A_934 : memref<1x5x3x8x64xi32, #tpu.memory_space<hbm>> -> memref<5x3x8x64xi32, #tpu.memory_space<hbm>>
        tpu.enqueue_dma source(%dma_start3A_935 : memref<5x3x8x64xi32, #tpu.memory_space<hbm>>) target(%dma_start3A_930 : memref<5x3x8x64xi32, #tpu.memory_space<vmem>>) target_semaphore(%arg10 : memref<!tpu.dma_semaphore, #tpu.memory_space<semaphore_mem>>)
        %dma_start3A_936 = arith.constant 0 : i32
        %dma_start3A_937 = arith.constant 0 : i32
        %dma_start3A_938 = arith.constant 0 : i32
        %dma_start3A_939 = tpu.memref_slice %arg8[%dma_start3A_936, %dma_start3A_937, %dma_start3A_938] : memref<2x8x64xi32, #tpu.memory_space<vmem>> -> memref<1x8x64xi32, #tpu.memory_space<vmem>>
        %dma_start3A_940 = tpu.memref_squeeze %dma_start3A_939 : memref<1x8x64xi32, #tpu.memory_space<vmem>> -> memref<8x64xi32, #tpu.memory_space<vmem>>
        %dma_start3A_941 = arith.constant 0 : i32
        %dma_start3A_942 = tpu.memref_slice %arg4[%select_n3A_871, %multiple_of3A_912, %dma_start3A_941] : memref<16x64x64xi32, #tpu.memory_space<hbm>> -> memref<1x8x64xi32, #tpu.memory_space<hbm>>
        %dma_start3A_943 = tpu.memref_squeeze %dma_start3A_942 : memref<1x8x64xi32, #tpu.memory_space<hbm>> -> memref<8x64xi32, #tpu.memory_space<hbm>>
        %dma_start3A_944 = arith.constant 0 : i32
        %dma_start3A_945 = arith.constant 0 : i32
        %dma_start3A_946 = tpu.memref_slice %arg8[%dma_start3A_936, %dma_start3A_944, %dma_start3A_945] : memref<2x8x64xi32, #tpu.memory_space<vmem>> -> memref<1x8x64xi32, #tpu.memory_space<vmem>>
        %dma_start3A_947 = tpu.memref_squeeze %dma_start3A_946 : memref<1x8x64xi32, #tpu.memory_space<vmem>> -> memref<8x64xi32, #tpu.memory_space<vmem>>
        %dma_start3A_948 = arith.constant 0 : i32
        %dma_start3A_949 = tpu.memref_slice %arg4[%select_n3A_871, %multiple_of3A_912, %dma_start3A_948] : memref<16x64x64xi32, #tpu.memory_space<hbm>> -> memref<1x8x64xi32, #tpu.memory_space<hbm>>
        %dma_start3A_950 = tpu.memref_squeeze %dma_start3A_949 : memref<1x8x64xi32, #tpu.memory_space<hbm>> -> memref<8x64xi32, #tpu.memory_space<hbm>>
        tpu.enqueue_dma source(%dma_start3A_950 : memref<8x64xi32, #tpu.memory_space<hbm>>) target(%dma_start3A_947 : memref<8x64xi32, #tpu.memory_space<vmem>>) target_semaphore(%arg10 : memref<!tpu.dma_semaphore, #tpu.memory_space<semaphore_mem>>)
      } else {
      }
      %ge3A_719 = arith.constant 2 : i32
      %ge3A_720 = arith.cmpi sge, %add3A_603, %ge3A_719 : i32
      %convert_element_type3A_721 = arith.extui %ge3A_720 : i1 to i32
      %cond3A_722 = arith.constant 0 : i32
      %cond3A_723 = arith.cmpi ne, %convert_element_type3A_721, %cond3A_722 : i32
      scf.if %cond3A_723 {
        %sub3A_841 = arith.constant 2 : i32
        %sub3A_842 = arith.subi %add3A_603, %sub3A_841 : i32
        %mul3A_843 = arith.constant 8192 : i32
        %mul3A_844 = arith.muli %select_n3A_30, %mul3A_843 : i32
        %mul3A_845 = arith.constant 512 : i32
        %mul3A_846 = arith.muli %sub3A_842, %mul3A_845 : i32
        %add3A_847 = arith.addi %mul3A_844, %mul3A_846 : i32
        %jit3A_848 = arith.constant 4096 : i32
        %div3A_849 = arith.divsi %add3A_847, %jit3A_848 : i32
        %sign3A_850 = arith.constant 0 : i32
        %sign3A_851 = arith.cmpi sgt, %add3A_847, %sign3A_850 : i32
        %sign3A_852 = arith.extui %sign3A_851 : i1 to i32
        %sign3A_853 = arith.constant 0 : i32
        %sign3A_854 = arith.cmpi slt, %add3A_847, %sign3A_853 : i32
        %sign3A_855 = arith.extui %sign3A_854 : i1 to i32
        %sign3A_856 = arith.subi %sign3A_852, %sign3A_855 : i32
        %sign3A_857 = arith.constant 0 : i32
        %sign3A_858 = arith.cmpi sgt, %jit3A_848, %sign3A_857 : i32
        %sign3A_859 = arith.extui %sign3A_858 : i1 to i32
        %sign3A_860 = arith.constant 0 : i32
        %sign3A_861 = arith.cmpi slt, %jit3A_848, %sign3A_860 : i32
        %sign3A_862 = arith.extui %sign3A_861 : i1 to i32
        %sign3A_863 = arith.subi %sign3A_859, %sign3A_862 : i32
        %ne3A_864 = arith.cmpi ne, %sign3A_856, %sign3A_863 : i32
        %rem3A_865 = arith.remsi %add3A_847, %jit3A_848 : i32
        %ne3A_866 = arith.constant 0 : i32
        %ne3A_867 = arith.cmpi ne, %rem3A_865, %ne3A_866 : i32
        %and3A_868 = arith.andi %ne3A_864, %ne3A_867 : i1
        %sub3A_869 = arith.constant 1 : i32
        %sub3A_870 = arith.subi %div3A_849, %sub3A_869 : i32
        %select_n3A_871 = arith.select %and3A_868, %sub3A_870, %div3A_849 : i32
        %jit3A_872 = arith.constant 4096 : i32
        %eq3A_873 = arith.constant 0 : i32
        %eq3A_874 = arith.cmpi eq, %jit3A_872, %eq3A_873 : i32
        %jit3A_875 = arith.constant 1 : i32
        %select_n3A_876 = arith.select %eq3A_874, %jit3A_875, %jit3A_872 : i32
        %rem3A_877 = arith.remsi %add3A_847, %select_n3A_876 : i32
        %ne3A_878 = arith.constant 0 : i32
        %ne3A_879 = arith.cmpi ne, %rem3A_877, %ne3A_878 : i32
        %lt3A_880 = arith.constant 0 : i32
        %lt3A_881 = arith.cmpi slt, %rem3A_877, %lt3A_880 : i32
        %lt3A_882 = arith.constant 0 : i32
        %lt3A_883 = arith.cmpi slt, %select_n3A_876, %lt3A_882 : i32
        %ne3A_884 = arith.xori %lt3A_881, %lt3A_883 : i1
        %and3A_885 = arith.andi %ne3A_884, %ne3A_879 : i1
        %add3A_886 = arith.addi %rem3A_877, %select_n3A_876 : i32
        %select_n3A_887 = arith.select %and3A_885, %add3A_886, %rem3A_877 : i32
        %jit3A_888 = arith.constant 64 : i32
        %div3A_889 = arith.divsi %select_n3A_887, %jit3A_888 : i32
        %sign3A_890 = arith.constant 0 : i32
        %sign3A_891 = arith.cmpi sgt, %select_n3A_887, %sign3A_890 : i32
        %sign3A_892 = arith.extui %sign3A_891 : i1 to i32
        %sign3A_893 = arith.constant 0 : i32
        %sign3A_894 = arith.cmpi slt, %select_n3A_887, %sign3A_893 : i32
        %sign3A_895 = arith.extui %sign3A_894 : i1 to i32
        %sign3A_896 = arith.subi %sign3A_892, %sign3A_895 : i32
        %sign3A_897 = arith.constant 0 : i32
        %sign3A_898 = arith.cmpi sgt, %jit3A_888, %sign3A_897 : i32
        %sign3A_899 = arith.extui %sign3A_898 : i1 to i32
        %sign3A_900 = arith.constant 0 : i32
        %sign3A_901 = arith.cmpi slt, %jit3A_888, %sign3A_900 : i32
        %sign3A_902 = arith.extui %sign3A_901 : i1 to i32
        %sign3A_903 = arith.subi %sign3A_899, %sign3A_902 : i32
        %ne3A_904 = arith.cmpi ne, %sign3A_896, %sign3A_903 : i32
        %rem3A_905 = arith.remsi %select_n3A_887, %jit3A_888 : i32
        %ne3A_906 = arith.constant 0 : i32
        %ne3A_907 = arith.cmpi ne, %rem3A_905, %ne3A_906 : i32
        %and3A_908 = arith.andi %ne3A_904, %ne3A_907 : i1
        %sub3A_909 = arith.constant 1 : i32
        %sub3A_910 = arith.subi %div3A_889, %sub3A_909 : i32
        %select_n3A_911 = arith.select %and3A_908, %sub3A_910, %div3A_889 : i32
        %multiple_of3A_912 = tpu.assume_multiple %select_n3A_911, 8 : i32
        %mul3A_913 = arith.constant 4 : i32
        %mul3A_914 = arith.muli %select_n3A_9, %mul3A_913 : i32
        %mul3A_915 = arith.constant 4 : i32
        %mul3A_916 = arith.muli %select_n3A_9, %mul3A_915 : i32
        %add3A_917 = arith.constant 16 : i32
        %add3A_918 = arith.addi %add3A_917, %mul3A_916 : i32
        %dma_wait3A_919 = arith.constant 1 : i32
        %dma_wait3A_920 = arith.constant 0 : i32
        %dma_wait3A_921 = arith.constant 0 : i32
        %dma_wait3A_922 = arith.constant 0 : i32
        %dma_wait3A_923 = arith.constant 0 : i32
        %dma_wait3A_924 = tpu.memref_slice %arg9[%dma_wait3A_919, %dma_wait3A_921, %dma_wait3A_920, %dma_wait3A_922, %dma_wait3A_923] : memref<2x8x2x4x64xf32, #tpu.memory_space<vmem>> -> memref<1x8x1x4x64xf32, #tpu.memory_space<vmem>>
        %dma_wait3A_925 = tpu.memref_squeeze %dma_wait3A_924 : memref<1x8x1x4x64xf32, #tpu.memory_space<vmem>> -> memref<8x4x64xf32, #tpu.memory_space<vmem>>
        %dma_wait3A_926 = arith.constant 0 : i32
        %dma_wait3A_927 = tpu.memref_slice %arg5[%select_n3A_871, %multiple_of3A_912, %mul3A_914, %dma_wait3A_926] : memref<16x64x32x64xf32, #tpu.memory_space<hbm>> -> memref<1x8x4x64xf32, #tpu.memory_space<hbm>>
        %dma_wait3A_928 = tpu.memref_squeeze %dma_wait3A_927 : memref<1x8x4x64xf32, #tpu.memory_space<hbm>> -> memref<8x4x64xf32, #tpu.memory_space<hbm>>
        %dma_wait3A_929 = arith.constant 0 : i32
        %dma_wait3A_930 = tpu.memref_slice %arg5[%select_n3A_871, %multiple_of3A_912, %mul3A_914, %dma_wait3A_929] : memref<16x64x32x64xf32, #tpu.memory_space<hbm>> -> memref<1x8x4x64xf32, #tpu.memory_space<hbm>>
        %dma_wait3A_931 = tpu.memref_squeeze %dma_wait3A_930 : memref<1x8x4x64xf32, #tpu.memory_space<hbm>> -> memref<8x4x64xf32, #tpu.memory_space<hbm>>
        %dma_wait3A_932 = arith.constant 0 : i32
        %dma_wait3A_933 = arith.constant 0 : i32
        %dma_wait3A_934 = arith.constant 0 : i32
        %dma_wait3A_935 = tpu.memref_slice %arg9[%dma_wait3A_919, %dma_wait3A_932, %dma_wait3A_920, %dma_wait3A_933, %dma_wait3A_934] : memref<2x8x2x4x64xf32, #tpu.memory_space<vmem>> -> memref<1x8x1x4x64xf32, #tpu.memory_space<vmem>>
        %dma_wait3A_936 = tpu.memref_squeeze %dma_wait3A_935 : memref<1x8x1x4x64xf32, #tpu.memory_space<vmem>> -> memref<8x4x64xf32, #tpu.memory_space<vmem>>
        tpu.wait_dma2 semaphore(%arg11 : memref<!tpu.dma_semaphore, #tpu.memory_space<semaphore_mem>>) src(%dma_wait3A_936 : memref<8x4x64xf32, #tpu.memory_space<vmem>>) dst(%dma_wait3A_931 : memref<8x4x64xf32, #tpu.memory_space<hbm>>)
        %dma_wait3A_937 = arith.constant 1 : i32
        %dma_wait3A_938 = arith.constant 1 : i32
        %dma_wait3A_939 = arith.constant 0 : i32
        %dma_wait3A_940 = arith.constant 0 : i32
        %dma_wait3A_941 = arith.constant 0 : i32
        %dma_wait3A_942 = tpu.memref_slice %arg9[%dma_wait3A_937, %dma_wait3A_939, %dma_wait3A_938, %dma_wait3A_940, %dma_wait3A_941] : memref<2x8x2x4x64xf32, #tpu.memory_space<vmem>> -> memref<1x8x1x4x64xf32, #tpu.memory_space<vmem>>
        %dma_wait3A_943 = tpu.memref_squeeze %dma_wait3A_942 : memref<1x8x1x4x64xf32, #tpu.memory_space<vmem>> -> memref<8x4x64xf32, #tpu.memory_space<vmem>>
        %dma_wait3A_944 = arith.constant 0 : i32
        %dma_wait3A_945 = tpu.memref_slice %arg5[%select_n3A_871, %multiple_of3A_912, %add3A_918, %dma_wait3A_944] : memref<16x64x32x64xf32, #tpu.memory_space<hbm>> -> memref<1x8x4x64xf32, #tpu.memory_space<hbm>>
        %dma_wait3A_946 = tpu.memref_squeeze %dma_wait3A_945 : memref<1x8x4x64xf32, #tpu.memory_space<hbm>> -> memref<8x4x64xf32, #tpu.memory_space<hbm>>
        %dma_wait3A_947 = arith.constant 0 : i32
        %dma_wait3A_948 = tpu.memref_slice %arg5[%select_n3A_871, %multiple_of3A_912, %add3A_918, %dma_wait3A_947] : memref<16x64x32x64xf32, #tpu.memory_space<hbm>> -> memref<1x8x4x64xf32, #tpu.memory_space<hbm>>
        %dma_wait3A_949 = tpu.memref_squeeze %dma_wait3A_948 : memref<1x8x4x64xf32, #tpu.memory_space<hbm>> -> memref<8x4x64xf32, #tpu.memory_space<hbm>>
        %dma_wait3A_950 = arith.constant 0 : i32
        %dma_wait3A_951 = arith.constant 0 : i32
        %dma_wait3A_952 = arith.constant 0 : i32
        %dma_wait3A_953 = tpu.memref_slice %arg9[%dma_wait3A_937, %dma_wait3A_950, %dma_wait3A_938, %dma_wait3A_951, %dma_wait3A_952] : memref<2x8x2x4x64xf32, #tpu.memory_space<vmem>> -> memref<1x8x1x4x64xf32, #tpu.memory_space<vmem>>
        %dma_wait3A_954 = tpu.memref_squeeze %dma_wait3A_953 : memref<1x8x1x4x64xf32, #tpu.memory_space<vmem>> -> memref<8x4x64xf32, #tpu.memory_space<vmem>>
        tpu.wait_dma2 semaphore(%arg11 : memref<!tpu.dma_semaphore, #tpu.memory_space<semaphore_mem>>) src(%dma_wait3A_954 : memref<8x4x64xf32, #tpu.memory_space<vmem>>) dst(%dma_wait3A_949 : memref<8x4x64xf32, #tpu.memory_space<hbm>>)
      } else {
      }
      %scan3A_724 = arith.constant 0 : i32
      %scan3A_725 = arith.constant 32 : i32
      %scan3A_726 = arith.addi %scan3A_724, %scan3A_725 : i32
      %scan3A_727 = arith.constant 1 : i32
      scf.for %scan3A_841 = %scan3A_724 to %scan3A_726 step %scan3A_727  : i32 {
        %mul3A_842 = arith.constant 1 : i32
        %mul3A_843 = arith.muli %scan3A_841, %mul3A_842 : i32
        %add3A_844 = arith.constant 0 : i32
        %add3A_845 = arith.addi %add3A_844, %mul3A_843 : i32
        %jit3A_846 = arith.constant 4 : i32
        %div3A_847 = arith.divsi %add3A_845, %jit3A_846 : i32
        %sign3A_848 = arith.constant 0 : i32
        %sign3A_849 = arith.cmpi sgt, %add3A_845, %sign3A_848 : i32
        %sign3A_850 = arith.extui %sign3A_849 : i1 to i32
        %sign3A_851 = arith.constant 0 : i32
        %sign3A_852 = arith.cmpi slt, %add3A_845, %sign3A_851 : i32
        %sign3A_853 = arith.extui %sign3A_852 : i1 to i32
        %sign3A_854 = arith.subi %sign3A_850, %sign3A_853 : i32
        %sign3A_855 = arith.constant 0 : i32
        %sign3A_856 = arith.cmpi sgt, %jit3A_846, %sign3A_855 : i32
        %sign3A_857 = arith.extui %sign3A_856 : i1 to i32
        %sign3A_858 = arith.constant 0 : i32
        %sign3A_859 = arith.cmpi slt, %jit3A_846, %sign3A_858 : i32
        %sign3A_860 = arith.extui %sign3A_859 : i1 to i32
        %sign3A_861 = arith.subi %sign3A_857, %sign3A_860 : i32
        %ne3A_862 = arith.cmpi ne, %sign3A_854, %sign3A_861 : i32
        %rem3A_863 = arith.remsi %add3A_845, %jit3A_846 : i32
        %ne3A_864 = arith.constant 0 : i32
        %ne3A_865 = arith.cmpi ne, %rem3A_863, %ne3A_864 : i32
        %and3A_866 = arith.andi %ne3A_862, %ne3A_865 : i1
        %sub3A_867 = arith.constant 1 : i32
        %sub3A_868 = arith.subi %div3A_847, %sub3A_867 : i32
        %select_n3A_869 = arith.select %and3A_866, %sub3A_868, %div3A_847 : i32
        %jit3A_870 = arith.constant 4 : i32
        %eq3A_871 = arith.constant 0 : i32
        %eq3A_872 = arith.cmpi eq, %jit3A_870, %eq3A_871 : i32
        %jit3A_873 = arith.constant 1 : i32
        %select_n3A_874 = arith.select %eq3A_872, %jit3A_873, %jit3A_870 : i32
        %rem3A_875 = arith.remsi %add3A_845, %select_n3A_874 : i32
        %ne3A_876 = arith.constant 0 : i32
        %ne3A_877 = arith.cmpi ne, %rem3A_875, %ne3A_876 : i32
        %lt3A_878 = arith.constant 0 : i32
        %lt3A_879 = arith.cmpi slt, %rem3A_875, %lt3A_878 : i32
        %lt3A_880 = arith.constant 0 : i32
        %lt3A_881 = arith.cmpi slt, %select_n3A_874, %lt3A_880 : i32
        %ne3A_882 = arith.xori %lt3A_879, %lt3A_881 : i1
        %and3A_883 = arith.andi %ne3A_882, %ne3A_877 : i1
        %add3A_884 = arith.addi %rem3A_875, %select_n3A_874 : i32
        %select_n3A_885 = arith.select %and3A_883, %add3A_884, %rem3A_875 : i32
        %mul3A_886 = arith.constant 16 : i32
        %mul3A_887 = arith.muli %select_n3A_885, %mul3A_886 : i32
        %get3A = arith.constant 1 : i32
        %get3A_888 = arith.index_cast %get3A : i32 to index
        %get3A_889 = arith.index_cast %select_n3A_869 : i32 to index
        %get3A_890 = arith.index_cast %mul3A_887 : i32 to index
        %get3A_891 = tpu.vector_load %arg8[%get3A_888, %get3A_889, %get3A_890] {strides = array<i32>} : memref<2x8x64xi32, #tpu.memory_space<vmem>>, vector<16xi32>,
        %sub3A_892 = arith.constant 1 : i32
        %sub3A_893 = vector.broadcast %sub3A_892 : i32 to vector<16xi32>
        %sub3A_894 = arith.subi %get3A_891, %sub3A_893 : vector<16xi32>
        %max3A = arith.constant 1 : i32
        %max3A_895 = vector.broadcast %max3A : i32 to vector<16xi32>
        %max3A_896 = arith.maxsi %sub3A_894, %max3A_895 : vector<16xi32>
        %min3A = arith.constant 5 : i32
        %min3A_897 = vector.broadcast %min3A : i32 to vector<16xi32>
        %min3A_898 = arith.minsi %max3A_896, %min3A_897 : vector<16xi32>
        %convert_element_type3A_899 = arith.sitofp %min3A_898 : vector<16xi32> to vector<16xf32>
        %div3A_900 = arith.constant 0.333333343 : f32
        %div3A_901 = vector.broadcast %div3A_900 : f32 to vector<16xf32>
        %div3A_902 = arith.divf %div3A_901, %convert_element_type3A_899 : vector<16xf32>
        %pack3A = tpu.pack_subelements %div3A_902, %div3A_902 {pack_format = #tpu.pack_format<interleaved>, positions = array<i32: 0, 1>} : vector<16xf32>, vector<16xf32> -> vector<32xbf16>
        %get3A_903 = arith.constant 1 : i32
        %get3A_904 = arith.constant 0 : i32
        %get3A_905 = arith.constant 0 : i32
        %get3A_906 = arith.index_cast %get3A_903 : i32 to index
        %get3A_907 = arith.index_cast %get3A_904 : i32 to index
        %get3A_908 = arith.index_cast %get3A_905 : i32 to index
        %get3A_909 = arith.index_cast %select_n3A_869 : i32 to index
        %get3A_910 = arith.index_cast %mul3A_887 : i32 to index
        %get3A_911 = tpu.vector_load %arg7[%get3A_906, %get3A_907, %get3A_908, %get3A_909, %get3A_910] {strides = array<i32>} : memref<2x5x3x8x64xi32, #tpu.memory_space<vmem>>, vector<16xi32>,
        %gather3A = arith.constant 0 : i32
        %gather3A_912 = tpu.memref_slice %arg6[%gather3A] : memref<37056xi32, #tpu.memory_space<vmem>> -> memref<1544xi32, #tpu.memory_space<vmem>>
        %gather3A_913 = tpu.vector_load_idx %gather3A_912[%get3A_911] : memref<1544xi32, #tpu.memory_space<vmem>>[vector<16xi32>], vector<16xi32>,
        %bitcast3A = vector.bitcast %gather3A_913 : vector<16xi32> to vector<32xbf16>
        %gather3A_914 = arith.constant 1544 : i32
        %gather3A_915 = tpu.memref_slice %arg6[%gather3A_914] : memref<37056xi32, #tpu.memory_space<vmem>> -> memref<1544xi32, #tpu.memory_space<vmem>>
        %gather3A_916 = tpu.vector_load_idx %gather3A_915[%get3A_911] : memref<1544xi32, #tpu.memory_space<vmem>>[vector<16xi32>], vector<16xi32>,
        %bitcast3A_917 = vector.bitcast %gather3A_916 : vector<16xi32> to vector<32xbf16>
        %gather3A_918 = arith.constant 3088 : i32
        %gather3A_919 = tpu.memref_slice %arg6[%gather3A_918] : memref<37056xi32, #tpu.memory_space<vmem>> -> memref<1544xi32, #tpu.memory_space<vmem>>
        %gather3A_920 = tpu.vector_load_idx %gather3A_919[%get3A_911] : memref<1544xi32, #tpu.memory_space<vmem>>[vector<16xi32>], vector<16xi32>,
        %bitcast3A_921 = vector.bitcast %gather3A_920 : vector<16xi32> to vector<32xbf16>
        %gather3A_922 = arith.constant 4632 : i32
        %gather3A_923 = tpu.memref_slice %arg6[%gather3A_922] : memref<37056xi32, #tpu.memory_space<vmem>> -> memref<1544xi32, #tpu.memory_space<vmem>>
        %gather3A_924 = tpu.vector_load_idx %gather3A_923[%get3A_911] : memref<1544xi32, #tpu.memory_space<vmem>>[vector<16xi32>], vector<16xi32>,
        %bitcast3A_925 = vector.bitcast %gather3A_924 : vector<16xi32> to vector<32xbf16>
        %get3A_926 = arith.constant 1 : i32
        %get3A_927 = arith.constant 0 : i32
        %get3A_928 = arith.constant 1 : i32
        %get3A_929 = arith.index_cast %get3A_926 : i32 to index
        %get3A_930 = arith.index_cast %get3A_927 : i32 to index
        %get3A_931 = arith.index_cast %get3A_928 : i32 to index
        %get3A_932 = arith.index_cast %select_n3A_869 : i32 to index
        %get3A_933 = arith.index_cast %mul3A_887 : i32 to index
        %get3A_934 = tpu.vector_load %arg7[%get3A_929, %get3A_930, %get3A_931, %get3A_932, %get3A_933] {strides = array<i32>} : memref<2x5x3x8x64xi32, #tpu.memory_space<vmem>>, vector<16xi32>,
        %gather3A_935 = arith.constant 0 : i32
        %gather3A_936 = tpu.memref_slice %arg6[%gather3A_935] : memref<37056xi32, #tpu.memory_space<vmem>> -> memref<1544xi32, #tpu.memory_space<vmem>>
        %gather3A_937 = tpu.vector_load_idx %gather3A_936[%get3A_934] : memref<1544xi32, #tpu.memory_space<vmem>>[vector<16xi32>], vector<16xi32>,
        %bitcast3A_938 = vector.bitcast %gather3A_937 : vector<16xi32> to vector<32xbf16>
        %add3A_939 = arith.addf %bitcast3A, %bitcast3A_938 : vector<32xbf16>
        %gather3A_940 = arith.constant 1544 : i32
        %gather3A_941 = tpu.memref_slice %arg6[%gather3A_940] : memref<37056xi32, #tpu.memory_space<vmem>> -> memref<1544xi32, #tpu.memory_space<vmem>>
        %gather3A_942 = tpu.vector_load_idx %gather3A_941[%get3A_934] : memref<1544xi32, #tpu.memory_space<vmem>>[vector<16xi32>], vector<16xi32>,
        %bitcast3A_943 = vector.bitcast %gather3A_942 : vector<16xi32> to vector<32xbf16>
        %add3A_944 = arith.addf %bitcast3A_917, %bitcast3A_943 : vector<32xbf16>
        %gather3A_945 = arith.constant 3088 : i32
        %gather3A_946 = tpu.memref_slice %arg6[%gather3A_945] : memref<37056xi32, #tpu.memory_space<vmem>> -> memref<1544xi32, #tpu.memory_space<vmem>>
        %gather3A_947 = tpu.vector_load_idx %gather3A_946[%get3A_934] : memref<1544xi32, #tpu.memory_space<vmem>>[vector<16xi32>], vector<16xi32>,
        %bitcast3A_948 = vector.bitcast %gather3A_947 : vector<16xi32> to vector<32xbf16>
        %add3A_949 = arith.addf %bitcast3A_921, %bitcast3A_948 : vector<32xbf16>
        %gather3A_950 = arith.constant 4632 : i32
        %gather3A_951 = tpu.memref_slice %arg6[%gather3A_950] : memref<37056xi32, #tpu.memory_space<vmem>> -> memref<1544xi32, #tpu.memory_space<vmem>>
        %gather3A_952 = tpu.vector_load_idx %gather3A_951[%get3A_934] : memref<1544xi32, #tpu.memory_space<vmem>>[vector<16xi32>], vector<16xi32>,
        %bitcast3A_953 = vector.bitcast %gather3A_952 : vector<16xi32> to vector<32xbf16>
        %add3A_954 = arith.addf %bitcast3A_925, %bitcast3A_953 : vector<32xbf16>
        %get3A_955 = arith.constant 1 : i32
        %get3A_956 = arith.constant 0 : i32
        %get3A_957 = arith.constant 2 : i32
        %get3A_958 = arith.index_cast %get3A_955 : i32 to index
        %get3A_959 = arith.index_cast %get3A_956 : i32 to index
        %get3A_960 = arith.index_cast %get3A_957 : i32 to index
        %get3A_961 = arith.index_cast %select_n3A_869 : i32 to index
        %get3A_962 = arith.index_cast %mul3A_887 : i32 to index
        %get3A_963 = tpu.vector_load %arg7[%get3A_958, %get3A_959, %get3A_960, %get3A_961, %get3A_962] {strides = array<i32>} : memref<2x5x3x8x64xi32, #tpu.memory_space<vmem>>, vector<16xi32>,
        %gather3A_964 = arith.constant 0 : i32
        %gather3A_965 = tpu.memref_slice %arg6[%gather3A_964] : memref<37056xi32, #tpu.memory_space<vmem>> -> memref<1544xi32, #tpu.memory_space<vmem>>
        %gather3A_966 = tpu.vector_load_idx %gather3A_965[%get3A_963] : memref<1544xi32, #tpu.memory_space<vmem>>[vector<16xi32>], vector<16xi32>,
        %bitcast3A_967 = vector.bitcast %gather3A_966 : vector<16xi32> to vector<32xbf16>
        %add3A_968 = arith.addf %add3A_939, %bitcast3A_967 : vector<32xbf16>
        %gather3A_969 = arith.constant 1544 : i32
        %gather3A_970 = tpu.memref_slice %arg6[%gather3A_969] : memref<37056xi32, #tpu.memory_space<vmem>> -> memref<1544xi32, #tpu.memory_space<vmem>>
        %gather3A_971 = tpu.vector_load_idx %gather3A_970[%get3A_963] : memref<1544xi32, #tpu.memory_space<vmem>>[vector<16xi32>], vector<16xi32>,
        %bitcast3A_972 = vector.bitcast %gather3A_971 : vector<16xi32> to vector<32xbf16>
        %add3A_973 = arith.addf %add3A_944, %bitcast3A_972 : vector<32xbf16>
        %gather3A_974 = arith.constant 3088 : i32
        %gather3A_975 = tpu.memref_slice %arg6[%gather3A_974] : memref<37056xi32, #tpu.memory_space<vmem>> -> memref<1544xi32, #tpu.memory_space<vmem>>
        %gather3A_976 = tpu.vector_load_idx %gather3A_975[%get3A_963] : memref<1544xi32, #tpu.memory_space<vmem>>[vector<16xi32>], vector<16xi32>,
        %bitcast3A_977 = vector.bitcast %gather3A_976 : vector<16xi32> to vector<32xbf16>
        %add3A_978 = arith.addf %add3A_949, %bitcast3A_977 : vector<32xbf16>
        %gather3A_979 = arith.constant 4632 : i32
        %gather3A_980 = tpu.memref_slice %arg6[%gather3A_979] : memref<37056xi32, #tpu.memory_space<vmem>> -> memref<1544xi32, #tpu.memory_space<vmem>>
        %gather3A_981 = tpu.vector_load_idx %gather3A_980[%get3A_963] : memref<1544xi32, #tpu.memory_space<vmem>>[vector<16xi32>], vector<16xi32>,
        %bitcast3A_982 = vector.bitcast %gather3A_981 : vector<16xi32> to vector<32xbf16>
        %add3A_983 = arith.addf %add3A_954, %bitcast3A_982 : vector<32xbf16>
        %get3A_984 = arith.constant 1 : i32
        %get3A_985 = arith.constant 1 : i32
        %get3A_986 = arith.constant 0 : i32
        %get3A_987 = arith.index_cast %get3A_984 : i32 to index
        %get3A_988 = arith.index_cast %get3A_985 : i32 to index
        %get3A_989 = arith.index_cast %get3A_986 : i32 to index
        %get3A_990 = arith.index_cast %select_n3A_869 : i32 to index
        %get3A_991 = arith.index_cast %mul3A_887 : i32 to index
        %get3A_992 = tpu.vector_load %arg7[%get3A_987, %get3A_988, %get3A_989, %get3A_990, %get3A_991] {strides = array<i32>} : memref<2x5x3x8x64xi32, #tpu.memory_space<vmem>>, vector<16xi32>,
        %gather3A_993 = arith.constant 6176 : i32
        %gather3A_994 = tpu.memref_slice %arg6[%gather3A_993] : memref<37056xi32, #tpu.memory_space<vmem>> -> memref<1544xi32, #tpu.memory_space<vmem>>
        %gather3A_995 = tpu.vector_load_idx %gather3A_994[%get3A_992] : memref<1544xi32, #tpu.memory_space<vmem>>[vector<16xi32>], vector<16xi32>,
        %bitcast3A_996 = vector.bitcast %gather3A_995 : vector<16xi32> to vector<32xbf16>
        %add3A_997 = arith.addf %add3A_968, %bitcast3A_996 : vector<32xbf16>
        %gather3A_998 = arith.constant 7720 : i32
        %gather3A_999 = tpu.memref_slice %arg6[%gather3A_998] : memref<37056xi32, #tpu.memory_space<vmem>> -> memref<1544xi32, #tpu.memory_space<vmem>>
        %gather3A_1000 = tpu.vector_load_idx %gather3A_999[%get3A_992] : memref<1544xi32, #tpu.memory_space<vmem>>[vector<16xi32>], vector<16xi32>,
        %bitcast3A_1001 = vector.bitcast %gather3A_1000 : vector<16xi32> to vector<32xbf16>
        %add3A_1002 = arith.addf %add3A_973, %bitcast3A_1001 : vector<32xbf16>
        %gather3A_1003 = arith.constant 9264 : i32
        %gather3A_1004 = tpu.memref_slice %arg6[%gather3A_1003] : memref<37056xi32, #tpu.memory_space<vmem>> -> memref<1544xi32, #tpu.memory_space<vmem>>
        %gather3A_1005 = tpu.vector_load_idx %gather3A_1004[%get3A_992] : memref<1544xi32, #tpu.memory_space<vmem>>[vector<16xi32>], vector<16xi32>,
        %bitcast3A_1006 = vector.bitcast %gather3A_1005 : vector<16xi32> to vector<32xbf16>
        %add3A_1007 = arith.addf %add3A_978, %bitcast3A_1006 : vector<32xbf16>
        %gather3A_1008 = arith.constant 10808 : i32
        %gather3A_1009 = tpu.memref_slice %arg6[%gather3A_1008] : memref<37056xi32, #tpu.memory_space<vmem>> -> memref<1544xi32, #tpu.memory_space<vmem>>
        %gather3A_1010 = tpu.vector_load_idx %gather3A_1009[%get3A_992] : memref<1544xi32, #tpu.memory_space<vmem>>[vector<16xi32>], vector<16xi32>,
        %bitcast3A_1011 = vector.bitcast %gather3A_1010 : vector<16xi32> to vector<32xbf16>
        %add3A_1012 = arith.addf %add3A_983, %bitcast3A_1011 : vector<32xbf16>
        %get3A_1013 = arith.constant 1 : i32
        %get3A_1014 = arith.constant 1 : i32
        %get3A_1015 = arith.constant 1 : i32
        %get3A_1016 = arith.index_cast %get3A_1013 : i32 to index
        %get3A_1017 = arith.index_cast %get3A_1014 : i32 to index
        %get3A_1018 = arith.index_cast %get3A_1015 : i32 to index
        %get3A_1019 = arith.index_cast %select_n3A_869 : i32 to index
        %get3A_1020 = arith.index_cast %mul3A_887 : i32 to index
        %get3A_1021 = tpu.vector_load %arg7[%get3A_1016, %get3A_1017, %get3A_1018, %get3A_1019, %get3A_1020] {strides = array<i32>} : memref<2x5x3x8x64xi32, #tpu.memory_space<vmem>>, vector<16xi32>,
        %gather3A_1022 = arith.constant 6176 : i32
        %gather3A_1023 = tpu.memref_slice %arg6[%gather3A_1022] : memref<37056xi32, #tpu.memory_space<vmem>> -> memref<1544xi32, #tpu.memory_space<vmem>>
        %gather3A_1024 = tpu.vector_load_idx %gather3A_1023[%get3A_1021] : memref<1544xi32, #tpu.memory_space<vmem>>[vector<16xi32>], vector<16xi32>,
        %bitcast3A_1025 = vector.bitcast %gather3A_1024 : vector<16xi32> to vector<32xbf16>
        %add3A_1026 = arith.addf %add3A_997, %bitcast3A_1025 : vector<32xbf16>
        %gather3A_1027 = arith.constant 7720 : i32
        %gather3A_1028 = tpu.memref_slice %arg6[%gather3A_1027] : memref<37056xi32, #tpu.memory_space<vmem>> -> memref<1544xi32, #tpu.memory_space<vmem>>
        %gather3A_1029 = tpu.vector_load_idx %gather3A_1028[%get3A_1021] : memref<1544xi32, #tpu.memory_space<vmem>>[vector<16xi32>], vector<16xi32>,
        %bitcast3A_1030 = vector.bitcast %gather3A_1029 : vector<16xi32> to vector<32xbf16>
        %add3A_1031 = arith.addf %add3A_1002, %bitcast3A_1030 : vector<32xbf16>
        %gather3A_1032 = arith.constant 9264 : i32
        %gather3A_1033 = tpu.memref_slice %arg6[%gather3A_1032] : memref<37056xi32, #tpu.memory_space<vmem>> -> memref<1544xi32, #tpu.memory_space<vmem>>
        %gather3A_1034 = tpu.vector_load_idx %gather3A_1033[%get3A_1021] : memref<1544xi32, #tpu.memory_space<vmem>>[vector<16xi32>], vector<16xi32>,
        %bitcast3A_1035 = vector.bitcast %gather3A_1034 : vector<16xi32> to vector<32xbf16>
        %add3A_1036 = arith.addf %add3A_1007, %bitcast3A_1035 : vector<32xbf16>
        %gather3A_1037 = arith.constant 10808 : i32
        %gather3A_1038 = tpu.memref_slice %arg6[%gather3A_1037] : memref<37056xi32, #tpu.memory_space<vmem>> -> memref<1544xi32, #tpu.memory_space<vmem>>
        %gather3A_1039 = tpu.vector_load_idx %gather3A_1038[%get3A_1021] : memref<1544xi32, #tpu.memory_space<vmem>>[vector<16xi32>], vector<16xi32>,
        %bitcast3A_1040 = vector.bitcast %gather3A_1039 : vector<16xi32> to vector<32xbf16>
        %add3A_1041 = arith.addf %add3A_1012, %bitcast3A_1040 : vector<32xbf16>
        %get3A_1042 = arith.constant 1 : i32
        %get3A_1043 = arith.constant 1 : i32
        %get3A_1044 = arith.constant 2 : i32
        %get3A_1045 = arith.index_cast %get3A_1042 : i32 to index
        %get3A_1046 = arith.index_cast %get3A_1043 : i32 to index
        %get3A_1047 = arith.index_cast %get3A_1044 : i32 to index
        %get3A_1048 = arith.index_cast %select_n3A_869 : i32 to index
        %get3A_1049 = arith.index_cast %mul3A_887 : i32 to index
        %get3A_1050 = tpu.vector_load %arg7[%get3A_1045, %get3A_1046, %get3A_1047, %get3A_1048, %get3A_1049] {strides = array<i32>} : memref<2x5x3x8x64xi32, #tpu.memory_space<vmem>>, vector<16xi32>,
        %gather3A_1051 = arith.constant 6176 : i32
        %gather3A_1052 = tpu.memref_slice %arg6[%gather3A_1051] : memref<37056xi32, #tpu.memory_space<vmem>> -> memref<1544xi32, #tpu.memory_space<vmem>>
        %gather3A_1053 = tpu.vector_load_idx %gather3A_1052[%get3A_1050] : memref<1544xi32, #tpu.memory_space<vmem>>[vector<16xi32>], vector<16xi32>,
        %bitcast3A_1054 = vector.bitcast %gather3A_1053 : vector<16xi32> to vector<32xbf16>
        %add3A_1055 = arith.addf %add3A_1026, %bitcast3A_1054 : vector<32xbf16>
        %gather3A_1056 = arith.constant 7720 : i32
        %gather3A_1057 = tpu.memref_slice %arg6[%gather3A_1056] : memref<37056xi32, #tpu.memory_space<vmem>> -> memref<1544xi32, #tpu.memory_space<vmem>>
        %gather3A_1058 = tpu.vector_load_idx %gather3A_1057[%get3A_1050] : memref<1544xi32, #tpu.memory_space<vmem>>[vector<16xi32>], vector<16xi32>,
        %bitcast3A_1059 = vector.bitcast %gather3A_1058 : vector<16xi32> to vector<32xbf16>
        %add3A_1060 = arith.addf %add3A_1031, %bitcast3A_1059 : vector<32xbf16>
        %gather3A_1061 = arith.constant 9264 : i32
        %gather3A_1062 = tpu.memref_slice %arg6[%gather3A_1061] : memref<37056xi32, #tpu.memory_space<vmem>> -> memref<1544xi32, #tpu.memory_space<vmem>>
        %gather3A_1063 = tpu.vector_load_idx %gather3A_1062[%get3A_1050] : memref<1544xi32, #tpu.memory_space<vmem>>[vector<16xi32>], vector<16xi32>,
        %bitcast3A_1064 = vector.bitcast %gather3A_1063 : vector<16xi32> to vector<32xbf16>
        %add3A_1065 = arith.addf %add3A_1036, %bitcast3A_1064 : vector<32xbf16>
        %gather3A_1066 = arith.constant 10808 : i32
        %gather3A_1067 = tpu.memref_slice %arg6[%gather3A_1066] : memref<37056xi32, #tpu.memory_space<vmem>> -> memref<1544xi32, #tpu.memory_space<vmem>>
        %gather3A_1068 = tpu.vector_load_idx %gather3A_1067[%get3A_1050] : memref<1544xi32, #tpu.memory_space<vmem>>[vector<16xi32>], vector<16xi32>,
        %bitcast3A_1069 = vector.bitcast %gather3A_1068 : vector<16xi32> to vector<32xbf16>
        %add3A_1070 = arith.addf %add3A_1041, %bitcast3A_1069 : vector<32xbf16>
        %get3A_1071 = arith.constant 1 : i32
        %get3A_1072 = arith.constant 2 : i32
        %get3A_1073 = arith.constant 0 : i32
        %get3A_1074 = arith.index_cast %get3A_1071 : i32 to index
        %get3A_1075 = arith.index_cast %get3A_1072 : i32 to index
        %get3A_1076 = arith.index_cast %get3A_1073 : i32 to index
        %get3A_1077 = arith.index_cast %select_n3A_869 : i32 to index
        %get3A_1078 = arith.index_cast %mul3A_887 : i32 to index
        %get3A_1079 = tpu.vector_load %arg7[%get3A_1074, %get3A_1075, %get3A_1076, %get3A_1077, %get3A_1078] {strides = array<i32>} : memref<2x5x3x8x64xi32, #tpu.memory_space<vmem>>, vector<16xi32>,
        %gather3A_1080 = arith.constant 12352 : i32
        %gather3A_1081 = tpu.memref_slice %arg6[%gather3A_1080] : memref<37056xi32, #tpu.memory_space<vmem>> -> memref<1544xi32, #tpu.memory_space<vmem>>
        %gather3A_1082 = tpu.vector_load_idx %gather3A_1081[%get3A_1079] : memref<1544xi32, #tpu.memory_space<vmem>>[vector<16xi32>], vector<16xi32>,
        %bitcast3A_1083 = vector.bitcast %gather3A_1082 : vector<16xi32> to vector<32xbf16>
        %add3A_1084 = arith.addf %add3A_1055, %bitcast3A_1083 : vector<32xbf16>
        %gather3A_1085 = arith.constant 13896 : i32
        %gather3A_1086 = tpu.memref_slice %arg6[%gather3A_1085] : memref<37056xi32, #tpu.memory_space<vmem>> -> memref<1544xi32, #tpu.memory_space<vmem>>
        %gather3A_1087 = tpu.vector_load_idx %gather3A_1086[%get3A_1079] : memref<1544xi32, #tpu.memory_space<vmem>>[vector<16xi32>], vector<16xi32>,
        %bitcast3A_1088 = vector.bitcast %gather3A_1087 : vector<16xi32> to vector<32xbf16>
        %add3A_1089 = arith.addf %add3A_1060, %bitcast3A_1088 : vector<32xbf16>
        %gather3A_1090 = arith.constant 15440 : i32
        %gather3A_1091 = tpu.memref_slice %arg6[%gather3A_1090] : memref<37056xi32, #tpu.memory_space<vmem>> -> memref<1544xi32, #tpu.memory_space<vmem>>
        %gather3A_1092 = tpu.vector_load_idx %gather3A_1091[%get3A_1079] : memref<1544xi32, #tpu.memory_space<vmem>>[vector<16xi32>], vector<16xi32>,
        %bitcast3A_1093 = vector.bitcast %gather3A_1092 : vector<16xi32> to vector<32xbf16>
        %add3A_1094 = arith.addf %add3A_1065, %bitcast3A_1093 : vector<32xbf16>
        %gather3A_1095 = arith.constant 16984 : i32
        %gather3A_1096 = tpu.memref_slice %arg6[%gather3A_1095] : memref<37056xi32, #tpu.memory_space<vmem>> -> memref<1544xi32, #tpu.memory_space<vmem>>
        %gather3A_1097 = tpu.vector_load_idx %gather3A_1096[%get3A_1079] : memref<1544xi32, #tpu.memory_space<vmem>>[vector<16xi32>], vector<16xi32>,
        %bitcast3A_1098 = vector.bitcast %gather3A_1097 : vector<16xi32> to vector<32xbf16>
        %add3A_1099 = arith.addf %add3A_1070, %bitcast3A_1098 : vector<32xbf16>
        %get3A_1100 = arith.constant 1 : i32
        %get3A_1101 = arith.constant 2 : i32
        %get3A_1102 = arith.constant 1 : i32
        %get3A_1103 = arith.index_cast %get3A_1100 : i32 to index
        %get3A_1104 = arith.index_cast %get3A_1101 : i32 to index
        %get3A_1105 = arith.index_cast %get3A_1102 : i32 to index
        %get3A_1106 = arith.index_cast %select_n3A_869 : i32 to index
        %get3A_1107 = arith.index_cast %mul3A_887 : i32 to index
        %get3A_1108 = tpu.vector_load %arg7[%get3A_1103, %get3A_1104, %get3A_1105, %get3A_1106, %get3A_1107] {strides = array<i32>} : memref<2x5x3x8x64xi32, #tpu.memory_space<vmem>>, vector<16xi32>,
        %gather3A_1109 = arith.constant 12352 : i32
        %gather3A_1110 = tpu.memref_slice %arg6[%gather3A_1109] : memref<37056xi32, #tpu.memory_space<vmem>> -> memref<1544xi32, #tpu.memory_space<vmem>>
        %gather3A_1111 = tpu.vector_load_idx %gather3A_1110[%get3A_1108] : memref<1544xi32, #tpu.memory_space<vmem>>[vector<16xi32>], vector<16xi32>,
        %bitcast3A_1112 = vector.bitcast %gather3A_1111 : vector<16xi32> to vector<32xbf16>
        %add3A_1113 = arith.addf %add3A_1084, %bitcast3A_1112 : vector<32xbf16>
        %gather3A_1114 = arith.constant 13896 : i32
        %gather3A_1115 = tpu.memref_slice %arg6[%gather3A_1114] : memref<37056xi32, #tpu.memory_space<vmem>> -> memref<1544xi32, #tpu.memory_space<vmem>>
        %gather3A_1116 = tpu.vector_load_idx %gather3A_1115[%get3A_1108] : memref<1544xi32, #tpu.memory_space<vmem>>[vector<16xi32>], vector<16xi32>,
        %bitcast3A_1117 = vector.bitcast %gather3A_1116 : vector<16xi32> to vector<32xbf16>
        %add3A_1118 = arith.addf %add3A_1089, %bitcast3A_1117 : vector<32xbf16>
        %gather3A_1119 = arith.constant 15440 : i32
        %gather3A_1120 = tpu.memref_slice %arg6[%gather3A_1119] : memref<37056xi32, #tpu.memory_space<vmem>> -> memref<1544xi32, #tpu.memory_space<vmem>>
        %gather3A_1121 = tpu.vector_load_idx %gather3A_1120[%get3A_1108] : memref<1544xi32, #tpu.memory_space<vmem>>[vector<16xi32>], vector<16xi32>,
        %bitcast3A_1122 = vector.bitcast %gather3A_1121 : vector<16xi32> to vector<32xbf16>
        %add3A_1123 = arith.addf %add3A_1094, %bitcast3A_1122 : vector<32xbf16>
        %gather3A_1124 = arith.constant 16984 : i32
        %gather3A_1125 = tpu.memref_slice %arg6[%gather3A_1124] : memref<37056xi32, #tpu.memory_space<vmem>> -> memref<1544xi32, #tpu.memory_space<vmem>>
        %gather3A_1126 = tpu.vector_load_idx %gather3A_1125[%get3A_1108] : memref<1544xi32, #tpu.memory_space<vmem>>[vector<16xi32>], vector<16xi32>,
        %bitcast3A_1127 = vector.bitcast %gather3A_1126 : vector<16xi32> to vector<32xbf16>
        %add3A_1128 = arith.addf %add3A_1099, %bitcast3A_1127 : vector<32xbf16>
        %get3A_1129 = arith.constant 1 : i32
        %get3A_1130 = arith.constant 2 : i32
        %get3A_1131 = arith.constant 2 : i32
        %get3A_1132 = arith.index_cast %get3A_1129 : i32 to index
        %get3A_1133 = arith.index_cast %get3A_1130 : i32 to index
        %get3A_1134 = arith.index_cast %get3A_1131 : i32 to index
        %get3A_1135 = arith.index_cast %select_n3A_869 : i32 to index
        %get3A_1136 = arith.index_cast %mul3A_887 : i32 to index
        %get3A_1137 = tpu.vector_load %arg7[%get3A_1132, %get3A_1133, %get3A_1134, %get3A_1135, %get3A_1136] {strides = array<i32>} : memref<2x5x3x8x64xi32, #tpu.memory_space<vmem>>, vector<16xi32>,
        %gather3A_1138 = arith.constant 12352 : i32
        %gather3A_1139 = tpu.memref_slice %arg6[%gather3A_1138] : memref<37056xi32, #tpu.memory_space<vmem>> -> memref<1544xi32, #tpu.memory_space<vmem>>
        %gather3A_1140 = tpu.vector_load_idx %gather3A_1139[%get3A_1137] : memref<1544xi32, #tpu.memory_space<vmem>>[vector<16xi32>], vector<16xi32>,
        %bitcast3A_1141 = vector.bitcast %gather3A_1140 : vector<16xi32> to vector<32xbf16>
        %add3A_1142 = arith.addf %add3A_1113, %bitcast3A_1141 : vector<32xbf16>
        %gather3A_1143 = arith.constant 13896 : i32
        %gather3A_1144 = tpu.memref_slice %arg6[%gather3A_1143] : memref<37056xi32, #tpu.memory_space<vmem>> -> memref<1544xi32, #tpu.memory_space<vmem>>
        %gather3A_1145 = tpu.vector_load_idx %gather3A_1144[%get3A_1137] : memref<1544xi32, #tpu.memory_space<vmem>>[vector<16xi32>], vector<16xi32>,
        %bitcast3A_1146 = vector.bitcast %gather3A_1145 : vector<16xi32> to vector<32xbf16>
        %add3A_1147 = arith.addf %add3A_1118, %bitcast3A_1146 : vector<32xbf16>
        %gather3A_1148 = arith.constant 15440 : i32
        %gather3A_1149 = tpu.memref_slice %arg6[%gather3A_1148] : memref<37056xi32, #tpu.memory_space<vmem>> -> memref<1544xi32, #tpu.memory_space<vmem>>
        %gather3A_1150 = tpu.vector_load_idx %gather3A_1149[%get3A_1137] : memref<1544xi32, #tpu.memory_space<vmem>>[vector<16xi32>], vector<16xi32>,
        %bitcast3A_1151 = vector.bitcast %gather3A_1150 : vector<16xi32> to vector<32xbf16>
        %add3A_1152 = arith.addf %add3A_1123, %bitcast3A_1151 : vector<32xbf16>
        %gather3A_1153 = arith.constant 16984 : i32
        %gather3A_1154 = tpu.memref_slice %arg6[%gather3A_1153] : memref<37056xi32, #tpu.memory_space<vmem>> -> memref<1544xi32, #tpu.memory_space<vmem>>
        %gather3A_1155 = tpu.vector_load_idx %gather3A_1154[%get3A_1137] : memref<1544xi32, #tpu.memory_space<vmem>>[vector<16xi32>], vector<16xi32>,
        %bitcast3A_1156 = vector.bitcast %gather3A_1155 : vector<16xi32> to vector<32xbf16>
        %add3A_1157 = arith.addf %add3A_1128, %bitcast3A_1156 : vector<32xbf16>
        %get3A_1158 = arith.constant 1 : i32
        %get3A_1159 = arith.constant 3 : i32
        %get3A_1160 = arith.constant 0 : i32
        %get3A_1161 = arith.index_cast %get3A_1158 : i32 to index
        %get3A_1162 = arith.index_cast %get3A_1159 : i32 to index
        %get3A_1163 = arith.index_cast %get3A_1160 : i32 to index
        %get3A_1164 = arith.index_cast %select_n3A_869 : i32 to index
        %get3A_1165 = arith.index_cast %mul3A_887 : i32 to index
        %get3A_1166 = tpu.vector_load %arg7[%get3A_1161, %get3A_1162, %get3A_1163, %get3A_1164, %get3A_1165] {strides = array<i32>} : memref<2x5x3x8x64xi32, #tpu.memory_space<vmem>>, vector<16xi32>,
        %gather3A_1167 = arith.constant 18528 : i32
        %gather3A_1168 = tpu.memref_slice %arg6[%gather3A_1167] : memref<37056xi32, #tpu.memory_space<vmem>> -> memref<1544xi32, #tpu.memory_space<vmem>>
        %gather3A_1169 = tpu.vector_load_idx %gather3A_1168[%get3A_1166] : memref<1544xi32, #tpu.memory_space<vmem>>[vector<16xi32>], vector<16xi32>,
        %bitcast3A_1170 = vector.bitcast %gather3A_1169 : vector<16xi32> to vector<32xbf16>
        %add3A_1171 = arith.addf %add3A_1142, %bitcast3A_1170 : vector<32xbf16>
        %gather3A_1172 = arith.constant 20072 : i32
        %gather3A_1173 = tpu.memref_slice %arg6[%gather3A_1172] : memref<37056xi32, #tpu.memory_space<vmem>> -> memref<1544xi32, #tpu.memory_space<vmem>>
        %gather3A_1174 = tpu.vector_load_idx %gather3A_1173[%get3A_1166] : memref<1544xi32, #tpu.memory_space<vmem>>[vector<16xi32>], vector<16xi32>,
        %bitcast3A_1175 = vector.bitcast %gather3A_1174 : vector<16xi32> to vector<32xbf16>
        %add3A_1176 = arith.addf %add3A_1147, %bitcast3A_1175 : vector<32xbf16>
        %gather3A_1177 = arith.constant 21616 : i32
        %gather3A_1178 = tpu.memref_slice %arg6[%gather3A_1177] : memref<37056xi32, #tpu.memory_space<vmem>> -> memref<1544xi32, #tpu.memory_space<vmem>>
        %gather3A_1179 = tpu.vector_load_idx %gather3A_1178[%get3A_1166] : memref<1544xi32, #tpu.memory_space<vmem>>[vector<16xi32>], vector<16xi32>,
        %bitcast3A_1180 = vector.bitcast %gather3A_1179 : vector<16xi32> to vector<32xbf16>
        %add3A_1181 = arith.addf %add3A_1152, %bitcast3A_1180 : vector<32xbf16>
        %gather3A_1182 = arith.constant 23160 : i32
        %gather3A_1183 = tpu.memref_slice %arg6[%gather3A_1182] : memref<37056xi32, #tpu.memory_space<vmem>> -> memref<1544xi32, #tpu.memory_space<vmem>>
        %gather3A_1184 = tpu.vector_load_idx %gather3A_1183[%get3A_1166] : memref<1544xi32, #tpu.memory_space<vmem>>[vector<16xi32>], vector<16xi32>,
        %bitcast3A_1185 = vector.bitcast %gather3A_1184 : vector<16xi32> to vector<32xbf16>
        %add3A_1186 = arith.addf %add3A_1157, %bitcast3A_1185 : vector<32xbf16>
        %get3A_1187 = arith.constant 1 : i32
        %get3A_1188 = arith.constant 3 : i32
        %get3A_1189 = arith.constant 1 : i32
        %get3A_1190 = arith.index_cast %get3A_1187 : i32 to index
        %get3A_1191 = arith.index_cast %get3A_1188 : i32 to index
        %get3A_1192 = arith.index_cast %get3A_1189 : i32 to index
        %get3A_1193 = arith.index_cast %select_n3A_869 : i32 to index
        %get3A_1194 = arith.index_cast %mul3A_887 : i32 to index
        %get3A_1195 = tpu.vector_load %arg7[%get3A_1190, %get3A_1191, %get3A_1192, %get3A_1193, %get3A_1194] {strides = array<i32>} : memref<2x5x3x8x64xi32, #tpu.memory_space<vmem>>, vector<16xi32>,
        %gather3A_1196 = arith.constant 18528 : i32
        %gather3A_1197 = tpu.memref_slice %arg6[%gather3A_1196] : memref<37056xi32, #tpu.memory_space<vmem>> -> memref<1544xi32, #tpu.memory_space<vmem>>
        %gather3A_1198 = tpu.vector_load_idx %gather3A_1197[%get3A_1195] : memref<1544xi32, #tpu.memory_space<vmem>>[vector<16xi32>], vector<16xi32>,
        %bitcast3A_1199 = vector.bitcast %gather3A_1198 : vector<16xi32> to vector<32xbf16>
        %add3A_1200 = arith.addf %add3A_1171, %bitcast3A_1199 : vector<32xbf16>
        %gather3A_1201 = arith.constant 20072 : i32
        %gather3A_1202 = tpu.memref_slice %arg6[%gather3A_1201] : memref<37056xi32, #tpu.memory_space<vmem>> -> memref<1544xi32, #tpu.memory_space<vmem>>
        %gather3A_1203 = tpu.vector_load_idx %gather3A_1202[%get3A_1195] : memref<1544xi32, #tpu.memory_space<vmem>>[vector<16xi32>], vector<16xi32>,
        %bitcast3A_1204 = vector.bitcast %gather3A_1203 : vector<16xi32> to vector<32xbf16>
        %add3A_1205 = arith.addf %add3A_1176, %bitcast3A_1204 : vector<32xbf16>
        %gather3A_1206 = arith.constant 21616 : i32
        %gather3A_1207 = tpu.memref_slice %arg6[%gather3A_1206] : memref<37056xi32, #tpu.memory_space<vmem>> -> memref<1544xi32, #tpu.memory_space<vmem>>
        %gather3A_1208 = tpu.vector_load_idx %gather3A_1207[%get3A_1195] : memref<1544xi32, #tpu.memory_space<vmem>>[vector<16xi32>], vector<16xi32>,
        %bitcast3A_1209 = vector.bitcast %gather3A_1208 : vector<16xi32> to vector<32xbf16>
        %add3A_1210 = arith.addf %add3A_1181, %bitcast3A_1209 : vector<32xbf16>
        %gather3A_1211 = arith.constant 23160 : i32
        %gather3A_1212 = tpu.memref_slice %arg6[%gather3A_1211] : memref<37056xi32, #tpu.memory_space<vmem>> -> memref<1544xi32, #tpu.memory_space<vmem>>
        %gather3A_1213 = tpu.vector_load_idx %gather3A_1212[%get3A_1195] : memref<1544xi32, #tpu.memory_space<vmem>>[vector<16xi32>], vector<16xi32>,
        %bitcast3A_1214 = vector.bitcast %gather3A_1213 : vector<16xi32> to vector<32xbf16>
        %add3A_1215 = arith.addf %add3A_1186, %bitcast3A_1214 : vector<32xbf16>
        %get3A_1216 = arith.constant 1 : i32
        %get3A_1217 = arith.constant 3 : i32
        %get3A_1218 = arith.constant 2 : i32
        %get3A_1219 = arith.index_cast %get3A_1216 : i32 to index
        %get3A_1220 = arith.index_cast %get3A_1217 : i32 to index
        %get3A_1221 = arith.index_cast %get3A_1218 : i32 to index
        %get3A_1222 = arith.index_cast %select_n3A_869 : i32 to index
        %get3A_1223 = arith.index_cast %mul3A_887 : i32 to index
        %get3A_1224 = tpu.vector_load %arg7[%get3A_1219, %get3A_1220, %get3A_1221, %get3A_1222, %get3A_1223] {strides = array<i32>} : memref<2x5x3x8x64xi32, #tpu.memory_space<vmem>>, vector<16xi32>,
        %gather3A_1225 = arith.constant 18528 : i32
        %gather3A_1226 = tpu.memref_slice %arg6[%gather3A_1225] : memref<37056xi32, #tpu.memory_space<vmem>> -> memref<1544xi32, #tpu.memory_space<vmem>>
        %gather3A_1227 = tpu.vector_load_idx %gather3A_1226[%get3A_1224] : memref<1544xi32, #tpu.memory_space<vmem>>[vector<16xi32>], vector<16xi32>,
        %bitcast3A_1228 = vector.bitcast %gather3A_1227 : vector<16xi32> to vector<32xbf16>
        %add3A_1229 = arith.addf %add3A_1200, %bitcast3A_1228 : vector<32xbf16>
        %gather3A_1230 = arith.constant 20072 : i32
        %gather3A_1231 = tpu.memref_slice %arg6[%gather3A_1230] : memref<37056xi32, #tpu.memory_space<vmem>> -> memref<1544xi32, #tpu.memory_space<vmem>>
        %gather3A_1232 = tpu.vector_load_idx %gather3A_1231[%get3A_1224] : memref<1544xi32, #tpu.memory_space<vmem>>[vector<16xi32>], vector<16xi32>,
        %bitcast3A_1233 = vector.bitcast %gather3A_1232 : vector<16xi32> to vector<32xbf16>
        %add3A_1234 = arith.addf %add3A_1205, %bitcast3A_1233 : vector<32xbf16>
        %gather3A_1235 = arith.constant 21616 : i32
        %gather3A_1236 = tpu.memref_slice %arg6[%gather3A_1235] : memref<37056xi32, #tpu.memory_space<vmem>> -> memref<1544xi32, #tpu.memory_space<vmem>>
        %gather3A_1237 = tpu.vector_load_idx %gather3A_1236[%get3A_1224] : memref<1544xi32, #tpu.memory_space<vmem>>[vector<16xi32>], vector<16xi32>,
        %bitcast3A_1238 = vector.bitcast %gather3A_1237 : vector<16xi32> to vector<32xbf16>
        %add3A_1239 = arith.addf %add3A_1210, %bitcast3A_1238 : vector<32xbf16>
        %gather3A_1240 = arith.constant 23160 : i32
        %gather3A_1241 = tpu.memref_slice %arg6[%gather3A_1240] : memref<37056xi32, #tpu.memory_space<vmem>> -> memref<1544xi32, #tpu.memory_space<vmem>>
        %gather3A_1242 = tpu.vector_load_idx %gather3A_1241[%get3A_1224] : memref<1544xi32, #tpu.memory_space<vmem>>[vector<16xi32>], vector<16xi32>,
        %bitcast3A_1243 = vector.bitcast %gather3A_1242 : vector<16xi32> to vector<32xbf16>
        %add3A_1244 = arith.addf %add3A_1215, %bitcast3A_1243 : vector<32xbf16>
        %get3A_1245 = arith.constant 1 : i32
        %get3A_1246 = arith.constant 4 : i32
        %get3A_1247 = arith.constant 0 : i32
        %get3A_1248 = arith.index_cast %get3A_1245 : i32 to index
        %get3A_1249 = arith.index_cast %get3A_1246 : i32 to index
        %get3A_1250 = arith.index_cast %get3A_1247 : i32 to index
        %get3A_1251 = arith.index_cast %select_n3A_869 : i32 to index
        %get3A_1252 = arith.index_cast %mul3A_887 : i32 to index
        %get3A_1253 = tpu.vector_load %arg7[%get3A_1248, %get3A_1249, %get3A_1250, %get3A_1251, %get3A_1252] {strides = array<i32>} : memref<2x5x3x8x64xi32, #tpu.memory_space<vmem>>, vector<16xi32>,
        %gather3A_1254 = arith.constant 24704 : i32
        %gather3A_1255 = tpu.memref_slice %arg6[%gather3A_1254] : memref<37056xi32, #tpu.memory_space<vmem>> -> memref<1544xi32, #tpu.memory_space<vmem>>
        %gather3A_1256 = tpu.vector_load_idx %gather3A_1255[%get3A_1253] : memref<1544xi32, #tpu.memory_space<vmem>>[vector<16xi32>], vector<16xi32>,
        %bitcast3A_1257 = vector.bitcast %gather3A_1256 : vector<16xi32> to vector<32xbf16>
        %add3A_1258 = arith.addf %add3A_1229, %bitcast3A_1257 : vector<32xbf16>
        %gather3A_1259 = arith.constant 26248 : i32
        %gather3A_1260 = tpu.memref_slice %arg6[%gather3A_1259] : memref<37056xi32, #tpu.memory_space<vmem>> -> memref<1544xi32, #tpu.memory_space<vmem>>
        %gather3A_1261 = tpu.vector_load_idx %gather3A_1260[%get3A_1253] : memref<1544xi32, #tpu.memory_space<vmem>>[vector<16xi32>], vector<16xi32>,
        %bitcast3A_1262 = vector.bitcast %gather3A_1261 : vector<16xi32> to vector<32xbf16>
        %add3A_1263 = arith.addf %add3A_1234, %bitcast3A_1262 : vector<32xbf16>
        %gather3A_1264 = arith.constant 27792 : i32
        %gather3A_1265 = tpu.memref_slice %arg6[%gather3A_1264] : memref<37056xi32, #tpu.memory_space<vmem>> -> memref<1544xi32, #tpu.memory_space<vmem>>
        %gather3A_1266 = tpu.vector_load_idx %gather3A_1265[%get3A_1253] : memref<1544xi32, #tpu.memory_space<vmem>>[vector<16xi32>], vector<16xi32>,
        %bitcast3A_1267 = vector.bitcast %gather3A_1266 : vector<16xi32> to vector<32xbf16>
        %add3A_1268 = arith.addf %add3A_1239, %bitcast3A_1267 : vector<32xbf16>
        %gather3A_1269 = arith.constant 29336 : i32
        %gather3A_1270 = tpu.memref_slice %arg6[%gather3A_1269] : memref<37056xi32, #tpu.memory_space<vmem>> -> memref<1544xi32, #tpu.memory_space<vmem>>
        %gather3A_1271 = tpu.vector_load_idx %gather3A_1270[%get3A_1253] : memref<1544xi32, #tpu.memory_space<vmem>>[vector<16xi32>], vector<16xi32>,
        %bitcast3A_1272 = vector.bitcast %gather3A_1271 : vector<16xi32> to vector<32xbf16>
        %add3A_1273 = arith.addf %add3A_1244, %bitcast3A_1272 : vector<32xbf16>
        %get3A_1274 = arith.constant 1 : i32
        %get3A_1275 = arith.constant 4 : i32
        %get3A_1276 = arith.constant 1 : i32
        %get3A_1277 = arith.index_cast %get3A_1274 : i32 to index
        %get3A_1278 = arith.index_cast %get3A_1275 : i32 to index
        %get3A_1279 = arith.index_cast %get3A_1276 : i32 to index
        %get3A_1280 = arith.index_cast %select_n3A_869 : i32 to index
        %get3A_1281 = arith.index_cast %mul3A_887 : i32 to index
        %get3A_1282 = tpu.vector_load %arg7[%get3A_1277, %get3A_1278, %get3A_1279, %get3A_1280, %get3A_1281] {strides = array<i32>} : memref<2x5x3x8x64xi32, #tpu.memory_space<vmem>>, vector<16xi32>,
        %gather3A_1283 = arith.constant 24704 : i32
        %gather3A_1284 = tpu.memref_slice %arg6[%gather3A_1283] : memref<37056xi32, #tpu.memory_space<vmem>> -> memref<1544xi32, #tpu.memory_space<vmem>>
        %gather3A_1285 = tpu.vector_load_idx %gather3A_1284[%get3A_1282] : memref<1544xi32, #tpu.memory_space<vmem>>[vector<16xi32>], vector<16xi32>,
        %bitcast3A_1286 = vector.bitcast %gather3A_1285 : vector<16xi32> to vector<32xbf16>
        %add3A_1287 = arith.addf %add3A_1258, %bitcast3A_1286 : vector<32xbf16>
        %gather3A_1288 = arith.constant 26248 : i32
        %gather3A_1289 = tpu.memref_slice %arg6[%gather3A_1288] : memref<37056xi32, #tpu.memory_space<vmem>> -> memref<1544xi32, #tpu.memory_space<vmem>>
        %gather3A_1290 = tpu.vector_load_idx %gather3A_1289[%get3A_1282] : memref<1544xi32, #tpu.memory_space<vmem>>[vector<16xi32>], vector<16xi32>,
        %bitcast3A_1291 = vector.bitcast %gather3A_1290 : vector<16xi32> to vector<32xbf16>
        %add3A_1292 = arith.addf %add3A_1263, %bitcast3A_1291 : vector<32xbf16>
        %gather3A_1293 = arith.constant 27792 : i32
        %gather3A_1294 = tpu.memref_slice %arg6[%gather3A_1293] : memref<37056xi32, #tpu.memory_space<vmem>> -> memref<1544xi32, #tpu.memory_space<vmem>>
        %gather3A_1295 = tpu.vector_load_idx %gather3A_1294[%get3A_1282] : memref<1544xi32, #tpu.memory_space<vmem>>[vector<16xi32>], vector<16xi32>,
        %bitcast3A_1296 = vector.bitcast %gather3A_1295 : vector<16xi32> to vector<32xbf16>
        %add3A_1297 = arith.addf %add3A_1268, %bitcast3A_1296 : vector<32xbf16>
        %gather3A_1298 = arith.constant 29336 : i32
        %gather3A_1299 = tpu.memref_slice %arg6[%gather3A_1298] : memref<37056xi32, #tpu.memory_space<vmem>> -> memref<1544xi32, #tpu.memory_space<vmem>>
        %gather3A_1300 = tpu.vector_load_idx %gather3A_1299[%get3A_1282] : memref<1544xi32, #tpu.memory_space<vmem>>[vector<16xi32>], vector<16xi32>,
        %bitcast3A_1301 = vector.bitcast %gather3A_1300 : vector<16xi32> to vector<32xbf16>
        %add3A_1302 = arith.addf %add3A_1273, %bitcast3A_1301 : vector<32xbf16>
        %get3A_1303 = arith.constant 1 : i32
        %get3A_1304 = arith.constant 4 : i32
        %get3A_1305 = arith.constant 2 : i32
        %get3A_1306 = arith.index_cast %get3A_1303 : i32 to index
        %get3A_1307 = arith.index_cast %get3A_1304 : i32 to index
        %get3A_1308 = arith.index_cast %get3A_1305 : i32 to index
        %get3A_1309 = arith.index_cast %select_n3A_869 : i32 to index
        %get3A_1310 = arith.index_cast %mul3A_887 : i32 to index
        %get3A_1311 = tpu.vector_load %arg7[%get3A_1306, %get3A_1307, %get3A_1308, %get3A_1309, %get3A_1310] {strides = array<i32>} : memref<2x5x3x8x64xi32, #tpu.memory_space<vmem>>, vector<16xi32>,
        %gather3A_1312 = arith.constant 24704 : i32
        %gather3A_1313 = tpu.memref_slice %arg6[%gather3A_1312] : memref<37056xi32, #tpu.memory_space<vmem>> -> memref<1544xi32, #tpu.memory_space<vmem>>
        %gather3A_1314 = tpu.vector_load_idx %gather3A_1313[%get3A_1311] : memref<1544xi32, #tpu.memory_space<vmem>>[vector<16xi32>], vector<16xi32>,
        %bitcast3A_1315 = vector.bitcast %gather3A_1314 : vector<16xi32> to vector<32xbf16>
        %add3A_1316 = arith.addf %add3A_1287, %bitcast3A_1315 : vector<32xbf16>
        %gather3A_1317 = arith.constant 26248 : i32
        %gather3A_1318 = tpu.memref_slice %arg6[%gather3A_1317] : memref<37056xi32, #tpu.memory_space<vmem>> -> memref<1544xi32, #tpu.memory_space<vmem>>
        %gather3A_1319 = tpu.vector_load_idx %gather3A_1318[%get3A_1311] : memref<1544xi32, #tpu.memory_space<vmem>>[vector<16xi32>], vector<16xi32>,
        %bitcast3A_1320 = vector.bitcast %gather3A_1319 : vector<16xi32> to vector<32xbf16>
        %add3A_1321 = arith.addf %add3A_1292, %bitcast3A_1320 : vector<32xbf16>
        %gather3A_1322 = arith.constant 27792 : i32
        %gather3A_1323 = tpu.memref_slice %arg6[%gather3A_1322] : memref<37056xi32, #tpu.memory_space<vmem>> -> memref<1544xi32, #tpu.memory_space<vmem>>
        %gather3A_1324 = tpu.vector_load_idx %gather3A_1323[%get3A_1311] : memref<1544xi32, #tpu.memory_space<vmem>>[vector<16xi32>], vector<16xi32>,
        %bitcast3A_1325 = vector.bitcast %gather3A_1324 : vector<16xi32> to vector<32xbf16>
        %add3A_1326 = arith.addf %add3A_1297, %bitcast3A_1325 : vector<32xbf16>
        %gather3A_1327 = arith.constant 29336 : i32
        %gather3A_1328 = tpu.memref_slice %arg6[%gather3A_1327] : memref<37056xi32, #tpu.memory_space<vmem>> -> memref<1544xi32, #tpu.memory_space<vmem>>
        %gather3A_1329 = tpu.vector_load_idx %gather3A_1328[%get3A_1311] : memref<1544xi32, #tpu.memory_space<vmem>>[vector<16xi32>], vector<16xi32>,
        %bitcast3A_1330 = vector.bitcast %gather3A_1329 : vector<16xi32> to vector<32xbf16>
        %add3A_1331 = arith.addf %add3A_1302, %bitcast3A_1330 : vector<32xbf16>
        %gather3A_1332 = arith.constant 30880 : i32
        %gather3A_1333 = tpu.memref_slice %arg6[%gather3A_1332] : memref<37056xi32, #tpu.memory_space<vmem>> -> memref<1544xi32, #tpu.memory_space<vmem>>
        %gather3A_1334 = tpu.vector_load_idx %gather3A_1333[%get3A_891] : memref<1544xi32, #tpu.memory_space<vmem>>[vector<16xi32>], vector<16xi32>,
        %bitcast3A_1335 = vector.bitcast %gather3A_1334 : vector<16xi32> to vector<32xbf16>
        %mul3A_1336 = arith.mulf %add3A_1316, %pack3A : vector<32xbf16>
        %add3A_1337 = arith.addf %mul3A_1336, %bitcast3A_1335 : vector<32xbf16>
        %unpack3A = tpu.unpack_subelements %add3A_1337, 0 {pack_format = #tpu.pack_format<interleaved>} : vector<32xbf16> -> vector<16xf32>
        %unpack3A_1338 = tpu.unpack_subelements %add3A_1337, 1 {pack_format = #tpu.pack_format<interleaved>} : vector<32xbf16> -> vector<16xf32>
        %swap3A = arith.constant 1 : i32
        %swap3A_1339 = arith.constant 0 : i32
        %swap3A_1340 = arith.constant 0 : i32
        %swap3A_1341 = arith.index_cast %swap3A : i32 to index
        %swap3A_1342 = arith.index_cast %select_n3A_869 : i32 to index
        %swap3A_1343 = arith.index_cast %swap3A_1339 : i32 to index
        %swap3A_1344 = arith.index_cast %swap3A_1340 : i32 to index
        %swap3A_1345 = arith.index_cast %mul3A_887 : i32 to index
        %swap3A_1346 = tpu.vector_load %arg9[%swap3A_1341, %swap3A_1342, %swap3A_1343, %swap3A_1344, %swap3A_1345] {strides = array<i32>} : memref<2x8x2x4x64xf32, #tpu.memory_space<vmem>>, vector<16xf32>,
        tpu.vector_store %arg9[%swap3A_1341, %swap3A_1342, %swap3A_1343, %swap3A_1344, %swap3A_1345], %unpack3A {strides = array<i32>} : memref<2x8x2x4x64xf32, #tpu.memory_space<vmem>>, vector<16xf32>,
        %swap3A_1347 = arith.constant 1 : i32
        %swap3A_1348 = arith.constant 1 : i32
        %swap3A_1349 = arith.constant 0 : i32
        %swap3A_1350 = arith.index_cast %swap3A_1347 : i32 to index
        %swap3A_1351 = arith.index_cast %select_n3A_869 : i32 to index
        %swap3A_1352 = arith.index_cast %swap3A_1348 : i32 to index
        %swap3A_1353 = arith.index_cast %swap3A_1349 : i32 to index
        %swap3A_1354 = arith.index_cast %mul3A_887 : i32 to index
        %swap3A_1355 = tpu.vector_load %arg9[%swap3A_1350, %swap3A_1351, %swap3A_1352, %swap3A_1353, %swap3A_1354] {strides = array<i32>} : memref<2x8x2x4x64xf32, #tpu.memory_space<vmem>>, vector<16xf32>,
        tpu.vector_store %arg9[%swap3A_1350, %swap3A_1351, %swap3A_1352, %swap3A_1353, %swap3A_1354], %unpack3A_1338 {strides = array<i32>} : memref<2x8x2x4x64xf32, #tpu.memory_space<vmem>>, vector<16xf32>,
        %gather3A_1356 = arith.constant 32424 : i32
        %gather3A_1357 = tpu.memref_slice %arg6[%gather3A_1356] : memref<37056xi32, #tpu.memory_space<vmem>> -> memref<1544xi32, #tpu.memory_space<vmem>>
        %gather3A_1358 = tpu.vector_load_idx %gather3A_1357[%get3A_891] : memref<1544xi32, #tpu.memory_space<vmem>>[vector<16xi32>], vector<16xi32>,
        %bitcast3A_1359 = vector.bitcast %gather3A_1358 : vector<16xi32> to vector<32xbf16>
        %mul3A_1360 = arith.mulf %add3A_1321, %pack3A : vector<32xbf16>
        %add3A_1361 = arith.addf %mul3A_1360, %bitcast3A_1359 : vector<32xbf16>
        %unpack3A_1362 = tpu.unpack_subelements %add3A_1361, 0 {pack_format = #tpu.pack_format<interleaved>} : vector<32xbf16> -> vector<16xf32>
        %unpack3A_1363 = tpu.unpack_subelements %add3A_1361, 1 {pack_format = #tpu.pack_format<interleaved>} : vector<32xbf16> -> vector<16xf32>
        %swap3A_1364 = arith.constant 1 : i32
        %swap3A_1365 = arith.constant 0 : i32
        %swap3A_1366 = arith.constant 1 : i32
        %swap3A_1367 = arith.index_cast %swap3A_1364 : i32 to index
        %swap3A_1368 = arith.index_cast %select_n3A_869 : i32 to index
        %swap3A_1369 = arith.index_cast %swap3A_1365 : i32 to index
        %swap3A_1370 = arith.index_cast %swap3A_1366 : i32 to index
        %swap3A_1371 = arith.index_cast %mul3A_887 : i32 to index
        %swap3A_1372 = tpu.vector_load %arg9[%swap3A_1367, %swap3A_1368, %swap3A_1369, %swap3A_1370, %swap3A_1371] {strides = array<i32>} : memref<2x8x2x4x64xf32, #tpu.memory_space<vmem>>, vector<16xf32>,
        tpu.vector_store %arg9[%swap3A_1367, %swap3A_1368, %swap3A_1369, %swap3A_1370, %swap3A_1371], %unpack3A_1362 {strides = array<i32>} : memref<2x8x2x4x64xf32, #tpu.memory_space<vmem>>, vector<16xf32>,
        %swap3A_1373 = arith.constant 1 : i32
        %swap3A_1374 = arith.constant 1 : i32
        %swap3A_1375 = arith.constant 1 : i32
        %swap3A_1376 = arith.index_cast %swap3A_1373 : i32 to index
        %swap3A_1377 = arith.index_cast %select_n3A_869 : i32 to index
        %swap3A_1378 = arith.index_cast %swap3A_1374 : i32 to index
        %swap3A_1379 = arith.index_cast %swap3A_1375 : i32 to index
        %swap3A_1380 = arith.index_cast %mul3A_887 : i32 to index
        %swap3A_1381 = tpu.vector_load %arg9[%swap3A_1376, %swap3A_1377, %swap3A_1378, %swap3A_1379, %swap3A_1380] {strides = array<i32>} : memref<2x8x2x4x64xf32, #tpu.memory_space<vmem>>, vector<16xf32>,
        tpu.vector_store %arg9[%swap3A_1376, %swap3A_1377, %swap3A_1378, %swap3A_1379, %swap3A_1380], %unpack3A_1363 {strides = array<i32>} : memref<2x8x2x4x64xf32, #tpu.memory_space<vmem>>, vector<16xf32>,
        %gather3A_1382 = arith.constant 33968 : i32
        %gather3A_1383 = tpu.memref_slice %arg6[%gather3A_1382] : memref<37056xi32, #tpu.memory_space<vmem>> -> memref<1544xi32, #tpu.memory_space<vmem>>
        %gather3A_1384 = tpu.vector_load_idx %gather3A_1383[%get3A_891] : memref<1544xi32, #tpu.memory_space<vmem>>[vector<16xi32>], vector<16xi32>,
        %bitcast3A_1385 = vector.bitcast %gather3A_1384 : vector<16xi32> to vector<32xbf16>
        %mul3A_1386 = arith.mulf %add3A_1326, %pack3A : vector<32xbf16>
        %add3A_1387 = arith.addf %mul3A_1386, %bitcast3A_1385 : vector<32xbf16>
        %unpack3A_1388 = tpu.unpack_subelements %add3A_1387, 0 {pack_format = #tpu.pack_format<interleaved>} : vector<32xbf16> -> vector<16xf32>
        %unpack3A_1389 = tpu.unpack_subelements %add3A_1387, 1 {pack_format = #tpu.pack_format<interleaved>} : vector<32xbf16> -> vector<16xf32>
        %swap3A_1390 = arith.constant 1 : i32
        %swap3A_1391 = arith.constant 0 : i32
        %swap3A_1392 = arith.constant 2 : i32
        %swap3A_1393 = arith.index_cast %swap3A_1390 : i32 to index
        %swap3A_1394 = arith.index_cast %select_n3A_869 : i32 to index
        %swap3A_1395 = arith.index_cast %swap3A_1391 : i32 to index
        %swap3A_1396 = arith.index_cast %swap3A_1392 : i32 to index
        %swap3A_1397 = arith.index_cast %mul3A_887 : i32 to index
        %swap3A_1398 = tpu.vector_load %arg9[%swap3A_1393, %swap3A_1394, %swap3A_1395, %swap3A_1396, %swap3A_1397] {strides = array<i32>} : memref<2x8x2x4x64xf32, #tpu.memory_space<vmem>>, vector<16xf32>,
        tpu.vector_store %arg9[%swap3A_1393, %swap3A_1394, %swap3A_1395, %swap3A_1396, %swap3A_1397], %unpack3A_1388 {strides = array<i32>} : memref<2x8x2x4x64xf32, #tpu.memory_space<vmem>>, vector<16xf32>,
        %swap3A_1399 = arith.constant 1 : i32
        %swap3A_1400 = arith.constant 1 : i32
        %swap3A_1401 = arith.constant 2 : i32
        %swap3A_1402 = arith.index_cast %swap3A_1399 : i32 to index
        %swap3A_1403 = arith.index_cast %select_n3A_869 : i32 to index
        %swap3A_1404 = arith.index_cast %swap3A_1400 : i32 to index
        %swap3A_1405 = arith.index_cast %swap3A_1401 : i32 to index
        %swap3A_1406 = arith.index_cast %mul3A_887 : i32 to index
        %swap3A_1407 = tpu.vector_load %arg9[%swap3A_1402, %swap3A_1403, %swap3A_1404, %swap3A_1405, %swap3A_1406] {strides = array<i32>} : memref<2x8x2x4x64xf32, #tpu.memory_space<vmem>>, vector<16xf32>,
        tpu.vector_store %arg9[%swap3A_1402, %swap3A_1403, %swap3A_1404, %swap3A_1405, %swap3A_1406], %unpack3A_1389 {strides = array<i32>} : memref<2x8x2x4x64xf32, #tpu.memory_space<vmem>>, vector<16xf32>,
        %gather3A_1408 = arith.constant 35512 : i32
        %gather3A_1409 = tpu.memref_slice %arg6[%gather3A_1408] : memref<37056xi32, #tpu.memory_space<vmem>> -> memref<1544xi32, #tpu.memory_space<vmem>>
        %gather3A_1410 = tpu.vector_load_idx %gather3A_1409[%get3A_891] : memref<1544xi32, #tpu.memory_space<vmem>>[vector<16xi32>], vector<16xi32>,
        %bitcast3A_1411 = vector.bitcast %gather3A_1410 : vector<16xi32> to vector<32xbf16>
        %mul3A_1412 = arith.mulf %add3A_1331, %pack3A : vector<32xbf16>
        %add3A_1413 = arith.addf %mul3A_1412, %bitcast3A_1411 : vector<32xbf16>
        %unpack3A_1414 = tpu.unpack_subelements %add3A_1413, 0 {pack_format = #tpu.pack_format<interleaved>} : vector<32xbf16> -> vector<16xf32>
        %unpack3A_1415 = tpu.unpack_subelements %add3A_1413, 1 {pack_format = #tpu.pack_format<interleaved>} : vector<32xbf16> -> vector<16xf32>
        %swap3A_1416 = arith.constant 1 : i32
        %swap3A_1417 = arith.constant 0 : i32
        %swap3A_1418 = arith.constant 3 : i32
        %swap3A_1419 = arith.index_cast %swap3A_1416 : i32 to index
        %swap3A_1420 = arith.index_cast %select_n3A_869 : i32 to index
        %swap3A_1421 = arith.index_cast %swap3A_1417 : i32 to index
        %swap3A_1422 = arith.index_cast %swap3A_1418 : i32 to index
        %swap3A_1423 = arith.index_cast %mul3A_887 : i32 to index
        %swap3A_1424 = tpu.vector_load %arg9[%swap3A_1419, %swap3A_1420, %swap3A_1421, %swap3A_1422, %swap3A_1423] {strides = array<i32>} : memref<2x8x2x4x64xf32, #tpu.memory_space<vmem>>, vector<16xf32>,
        tpu.vector_store %arg9[%swap3A_1419, %swap3A_1420, %swap3A_1421, %swap3A_1422, %swap3A_1423], %unpack3A_1414 {strides = array<i32>} : memref<2x8x2x4x64xf32, #tpu.memory_space<vmem>>, vector<16xf32>,
        %swap3A_1425 = arith.constant 1 : i32
        %swap3A_1426 = arith.constant 1 : i32
        %swap3A_1427 = arith.constant 3 : i32
        %swap3A_1428 = arith.index_cast %swap3A_1425 : i32 to index
        %swap3A_1429 = arith.index_cast %select_n3A_869 : i32 to index
        %swap3A_1430 = arith.index_cast %swap3A_1426 : i32 to index
        %swap3A_1431 = arith.index_cast %swap3A_1427 : i32 to index
        %swap3A_1432 = arith.index_cast %mul3A_887 : i32 to index
        %swap3A_1433 = tpu.vector_load %arg9[%swap3A_1428, %swap3A_1429, %swap3A_1430, %swap3A_1431, %swap3A_1432] {strides = array<i32>} : memref<2x8x2x4x64xf32, #tpu.memory_space<vmem>>, vector<16xf32>,
        tpu.vector_store %arg9[%swap3A_1428, %swap3A_1429, %swap3A_1430, %swap3A_1431, %swap3A_1432], %unpack3A_1415 {strides = array<i32>} : memref<2x8x2x4x64xf32, #tpu.memory_space<vmem>>, vector<16xf32>,
      }
      %scan3A_728 = arith.constant 32 : i32
      %mul3A_729 = arith.constant 8192 : i32
      %mul3A_730 = arith.muli %select_n3A_30, %mul3A_729 : i32
      %mul3A_731 = arith.constant 512 : i32
      %mul3A_732 = arith.muli %add3A_603, %mul3A_731 : i32
      %add3A_733 = arith.addi %mul3A_730, %mul3A_732 : i32
      %jit3A_734 = arith.constant 4096 : i32
      %div3A_735 = arith.divsi %add3A_733, %jit3A_734 : i32
      %sign3A_736 = arith.constant 0 : i32
      %sign3A_737 = arith.cmpi sgt, %add3A_733, %sign3A_736 : i32
      %sign3A_738 = arith.extui %sign3A_737 : i1 to i32
      %sign3A_739 = arith.constant 0 : i32
      %sign3A_740 = arith.cmpi slt, %add3A_733, %sign3A_739 : i32
      %sign3A_741 = arith.extui %sign3A_740 : i1 to i32
      %sign3A_742 = arith.subi %sign3A_738, %sign3A_741 : i32
      %sign3A_743 = arith.constant 0 : i32
      %sign3A_744 = arith.cmpi sgt, %jit3A_734, %sign3A_743 : i32
      %sign3A_745 = arith.extui %sign3A_744 : i1 to i32
      %sign3A_746 = arith.constant 0 : i32
      %sign3A_747 = arith.cmpi slt, %jit3A_734, %sign3A_746 : i32
      %sign3A_748 = arith.extui %sign3A_747 : i1 to i32
      %sign3A_749 = arith.subi %sign3A_745, %sign3A_748 : i32
      %ne3A_750 = arith.cmpi ne, %sign3A_742, %sign3A_749 : i32
      %rem3A_751 = arith.remsi %add3A_733, %jit3A_734 : i32
      %ne3A_752 = arith.constant 0 : i32
      %ne3A_753 = arith.cmpi ne, %rem3A_751, %ne3A_752 : i32
      %and3A_754 = arith.andi %ne3A_750, %ne3A_753 : i1
      %sub3A_755 = arith.constant 1 : i32
      %sub3A_756 = arith.subi %div3A_735, %sub3A_755 : i32
      %select_n3A_757 = arith.select %and3A_754, %sub3A_756, %div3A_735 : i32
      %jit3A_758 = arith.constant 4096 : i32
      %eq3A_759 = arith.constant 0 : i32
      %eq3A_760 = arith.cmpi eq, %jit3A_758, %eq3A_759 : i32
      %jit3A_761 = arith.constant 1 : i32
      %select_n3A_762 = arith.select %eq3A_760, %jit3A_761, %jit3A_758 : i32
      %rem3A_763 = arith.remsi %add3A_733, %select_n3A_762 : i32
      %ne3A_764 = arith.constant 0 : i32
      %ne3A_765 = arith.cmpi ne, %rem3A_763, %ne3A_764 : i32
      %lt3A_766 = arith.constant 0 : i32
      %lt3A_767 = arith.cmpi slt, %rem3A_763, %lt3A_766 : i32
      %lt3A_768 = arith.constant 0 : i32
      %lt3A_769 = arith.cmpi slt, %select_n3A_762, %lt3A_768 : i32
      %ne3A_770 = arith.xori %lt3A_767, %lt3A_769 : i1
      %and3A_771 = arith.andi %ne3A_770, %ne3A_765 : i1
      %add3A_772 = arith.addi %rem3A_763, %select_n3A_762 : i32
      %select_n3A_773 = arith.select %and3A_771, %add3A_772, %rem3A_763 : i32
      %jit3A_774 = arith.constant 64 : i32
      %div3A_775 = arith.divsi %select_n3A_773, %jit3A_774 : i32
      %sign3A_776 = arith.constant 0 : i32
      %sign3A_777 = arith.cmpi sgt, %select_n3A_773, %sign3A_776 : i32
      %sign3A_778 = arith.extui %sign3A_777 : i1 to i32
      %sign3A_779 = arith.constant 0 : i32
      %sign3A_780 = arith.cmpi slt, %select_n3A_773, %sign3A_779 : i32
      %sign3A_781 = arith.extui %sign3A_780 : i1 to i32
      %sign3A_782 = arith.subi %sign3A_778, %sign3A_781 : i32
      %sign3A_783 = arith.constant 0 : i32
      %sign3A_784 = arith.cmpi sgt, %jit3A_774, %sign3A_783 : i32
      %sign3A_785 = arith.extui %sign3A_784 : i1 to i32
      %sign3A_786 = arith.constant 0 : i32
      %sign3A_787 = arith.cmpi slt, %jit3A_774, %sign3A_786 : i32
      %sign3A_788 = arith.extui %sign3A_787 : i1 to i32
      %sign3A_789 = arith.subi %sign3A_785, %sign3A_788 : i32
      %ne3A_790 = arith.cmpi ne, %sign3A_782, %sign3A_789 : i32
      %rem3A_791 = arith.remsi %select_n3A_773, %jit3A_774 : i32
      %ne3A_792 = arith.constant 0 : i32
      %ne3A_793 = arith.cmpi ne, %rem3A_791, %ne3A_792 : i32
      %and3A_794 = arith.andi %ne3A_790, %ne3A_793 : i1
      %sub3A_795 = arith.constant 1 : i32
      %sub3A_796 = arith.subi %div3A_775, %sub3A_795 : i32
      %select_n3A_797 = arith.select %and3A_794, %sub3A_796, %div3A_775 : i32
      %multiple_of3A_798 = tpu.assume_multiple %select_n3A_797, 8 : i32
      %mul3A_799 = arith.constant 4 : i32
      %mul3A_800 = arith.muli %select_n3A_9, %mul3A_799 : i32
      %mul3A_801 = arith.constant 4 : i32
      %mul3A_802 = arith.muli %select_n3A_9, %mul3A_801 : i32
      %add3A_803 = arith.constant 16 : i32
      %add3A_804 = arith.addi %add3A_803, %mul3A_802 : i32
      %dma_start3A_805 = arith.constant 1 : i32
      %dma_start3A_806 = arith.constant 0 : i32
      %dma_start3A_807 = arith.constant 0 : i32
      %dma_start3A_808 = arith.constant 0 : i32
      %dma_start3A_809 = arith.constant 0 : i32
      %dma_start3A_810 = tpu.memref_slice %arg9[%dma_start3A_805, %dma_start3A_807, %dma_start3A_806, %dma_start3A_808, %dma_start3A_809] : memref<2x8x2x4x64xf32, #tpu.memory_space<vmem>> -> memref<1x8x1x4x64xf32, #tpu.memory_space<vmem>>
      %dma_start3A_811 = tpu.memref_squeeze %dma_start3A_810 : memref<1x8x1x4x64xf32, #tpu.memory_space<vmem>> -> memref<8x4x64xf32, #tpu.memory_space<vmem>>
      %dma_start3A_812 = arith.constant 0 : i32
      %dma_start3A_813 = tpu.memref_slice %arg5[%select_n3A_757, %multiple_of3A_798, %mul3A_800, %dma_start3A_812] : memref<16x64x32x64xf32, #tpu.memory_space<hbm>> -> memref<1x8x4x64xf32, #tpu.memory_space<hbm>>
      %dma_start3A_814 = tpu.memref_squeeze %dma_start3A_813 : memref<1x8x4x64xf32, #tpu.memory_space<hbm>> -> memref<8x4x64xf32, #tpu.memory_space<hbm>>
      %dma_start3A_815 = arith.constant 0 : i32
      %dma_start3A_816 = tpu.memref_slice %arg5[%select_n3A_757, %multiple_of3A_798, %mul3A_800, %dma_start3A_815] : memref<16x64x32x64xf32, #tpu.memory_space<hbm>> -> memref<1x8x4x64xf32, #tpu.memory_space<hbm>>
      %dma_start3A_817 = tpu.memref_squeeze %dma_start3A_816 : memref<1x8x4x64xf32, #tpu.memory_space<hbm>> -> memref<8x4x64xf32, #tpu.memory_space<hbm>>
      %dma_start3A_818 = arith.constant 0 : i32
      %dma_start3A_819 = arith.constant 0 : i32
      %dma_start3A_820 = arith.constant 0 : i32
      %dma_start3A_821 = tpu.memref_slice %arg9[%dma_start3A_805, %dma_start3A_818, %dma_start3A_806, %dma_start3A_819, %dma_start3A_820] : memref<2x8x2x4x64xf32, #tpu.memory_space<vmem>> -> memref<1x8x1x4x64xf32, #tpu.memory_space<vmem>>
      %dma_start3A_822 = tpu.memref_squeeze %dma_start3A_821 : memref<1x8x1x4x64xf32, #tpu.memory_space<vmem>> -> memref<8x4x64xf32, #tpu.memory_space<vmem>>
      tpu.enqueue_dma source(%dma_start3A_822 : memref<8x4x64xf32, #tpu.memory_space<vmem>>) target(%dma_start3A_817 : memref<8x4x64xf32, #tpu.memory_space<hbm>>) target_semaphore(%arg11 : memref<!tpu.dma_semaphore, #tpu.memory_space<semaphore_mem>>)
      %dma_start3A_823 = arith.constant 1 : i32
      %dma_start3A_824 = arith.constant 1 : i32
      %dma_start3A_825 = arith.constant 0 : i32
      %dma_start3A_826 = arith.constant 0 : i32
      %dma_start3A_827 = arith.constant 0 : i32
      %dma_start3A_828 = tpu.memref_slice %arg9[%dma_start3A_823, %dma_start3A_825, %dma_start3A_824, %dma_start3A_826, %dma_start3A_827] : memref<2x8x2x4x64xf32, #tpu.memory_space<vmem>> -> memref<1x8x1x4x64xf32, #tpu.memory_space<vmem>>
      %dma_start3A_829 = tpu.memref_squeeze %dma_start3A_828 : memref<1x8x1x4x64xf32, #tpu.memory_space<vmem>> -> memref<8x4x64xf32, #tpu.memory_space<vmem>>
      %dma_start3A_830 = arith.constant 0 : i32
      %dma_start3A_831 = tpu.memref_slice %arg5[%select_n3A_757, %multiple_of3A_798, %add3A_804, %dma_start3A_830] : memref<16x64x32x64xf32, #tpu.memory_space<hbm>> -> memref<1x8x4x64xf32, #tpu.memory_space<hbm>>
      %dma_start3A_832 = tpu.memref_squeeze %dma_start3A_831 : memref<1x8x4x64xf32, #tpu.memory_space<hbm>> -> memref<8x4x64xf32, #tpu.memory_space<hbm>>
      %dma_start3A_833 = arith.constant 0 : i32
      %dma_start3A_834 = tpu.memref_slice %arg5[%select_n3A_757, %multiple_of3A_798, %add3A_804, %dma_start3A_833] : memref<16x64x32x64xf32, #tpu.memory_space<hbm>> -> memref<1x8x4x64xf32, #tpu.memory_space<hbm>>
      %dma_start3A_835 = tpu.memref_squeeze %dma_start3A_834 : memref<1x8x4x64xf32, #tpu.memory_space<hbm>> -> memref<8x4x64xf32, #tpu.memory_space<hbm>>
      %dma_start3A_836 = arith.constant 0 : i32
      %dma_start3A_837 = arith.constant 0 : i32
      %dma_start3A_838 = arith.constant 0 : i32
      %dma_start3A_839 = tpu.memref_slice %arg9[%dma_start3A_823, %dma_start3A_836, %dma_start3A_824, %dma_start3A_837, %dma_start3A_838] : memref<2x8x2x4x64xf32, #tpu.memory_space<vmem>> -> memref<1x8x1x4x64xf32, #tpu.memory_space<vmem>>
      %dma_start3A_840 = tpu.memref_squeeze %dma_start3A_839 : memref<1x8x1x4x64xf32, #tpu.memory_space<vmem>> -> memref<8x4x64xf32, #tpu.memory_space<vmem>>
      tpu.enqueue_dma source(%dma_start3A_840 : memref<8x4x64xf32, #tpu.memory_space<vmem>>) target(%dma_start3A_835 : memref<8x4x64xf32, #tpu.memory_space<hbm>>) target_semaphore(%arg11 : memref<!tpu.dma_semaphore, #tpu.memory_space<semaphore_mem>>)
    }
    %scan3A_139 = arith.constant 8 : i32
    %mul3A_140 = arith.constant 8192 : i32
    %mul3A_141 = arith.muli %select_n3A_30, %mul3A_140 : i32
    %add3A_142 = arith.constant 7168 : i32
    %add3A_143 = arith.addi %mul3A_141, %add3A_142 : i32
    %jit3A_144 = arith.constant 4096 : i32
    %div3A_145 = arith.divsi %add3A_143, %jit3A_144 : i32
    %sign3A_146 = arith.constant 0 : i32
    %sign3A_147 = arith.cmpi sgt, %add3A_143, %sign3A_146 : i32
    %sign3A_148 = arith.extui %sign3A_147 : i1 to i32
    %sign3A_149 = arith.constant 0 : i32
    %sign3A_150 = arith.cmpi slt, %add3A_143, %sign3A_149 : i32
    %sign3A_151 = arith.extui %sign3A_150 : i1 to i32
    %sign3A_152 = arith.subi %sign3A_148, %sign3A_151 : i32
    %sign3A_153 = arith.constant 0 : i32
    %sign3A_154 = arith.cmpi sgt, %jit3A_144, %sign3A_153 : i32
    %sign3A_155 = arith.extui %sign3A_154 : i1 to i32
    %sign3A_156 = arith.constant 0 : i32
    %sign3A_157 = arith.cmpi slt, %jit3A_144, %sign3A_156 : i32
    %sign3A_158 = arith.extui %sign3A_157 : i1 to i32
    %sign3A_159 = arith.subi %sign3A_155, %sign3A_158 : i32
    %ne3A_160 = arith.cmpi ne, %sign3A_152, %sign3A_159 : i32
    %rem3A_161 = arith.remsi %add3A_143, %jit3A_144 : i32
    %ne3A_162 = arith.constant 0 : i32
    %ne3A_163 = arith.cmpi ne, %rem3A_161, %ne3A_162 : i32
    %and3A_164 = arith.andi %ne3A_160, %ne3A_163 : i1
    %sub3A_165 = arith.constant 1 : i32
    %sub3A_166 = arith.subi %div3A_145, %sub3A_165 : i32
    %select_n3A_167 = arith.select %and3A_164, %sub3A_166, %div3A_145 : i32
    %jit3A_168 = arith.constant 4096 : i32
    %eq3A_169 = arith.constant 0 : i32
    %eq3A_170 = arith.cmpi eq, %jit3A_168, %eq3A_169 : i32
    %jit3A_171 = arith.constant 1 : i32
    %select_n3A_172 = arith.select %eq3A_170, %jit3A_171, %jit3A_168 : i32
    %rem3A_173 = arith.remsi %add3A_143, %select_n3A_172 : i32
    %ne3A_174 = arith.constant 0 : i32
    %ne3A_175 = arith.cmpi ne, %rem3A_173, %ne3A_174 : i32
    %lt3A_176 = arith.constant 0 : i32
    %lt3A_177 = arith.cmpi slt, %rem3A_173, %lt3A_176 : i32
    %lt3A_178 = arith.constant 0 : i32
    %lt3A_179 = arith.cmpi slt, %select_n3A_172, %lt3A_178 : i32
    %ne3A_180 = arith.xori %lt3A_177, %lt3A_179 : i1
    %and3A_181 = arith.andi %ne3A_180, %ne3A_175 : i1
    %add3A_182 = arith.addi %rem3A_173, %select_n3A_172 : i32
    %select_n3A_183 = arith.select %and3A_181, %add3A_182, %rem3A_173 : i32
    %jit3A_184 = arith.constant 64 : i32
    %div3A_185 = arith.divsi %select_n3A_183, %jit3A_184 : i32
    %sign3A_186 = arith.constant 0 : i32
    %sign3A_187 = arith.cmpi sgt, %select_n3A_183, %sign3A_186 : i32
    %sign3A_188 = arith.extui %sign3A_187 : i1 to i32
    %sign3A_189 = arith.constant 0 : i32
    %sign3A_190 = arith.cmpi slt, %select_n3A_183, %sign3A_189 : i32
    %sign3A_191 = arith.extui %sign3A_190 : i1 to i32
    %sign3A_192 = arith.subi %sign3A_188, %sign3A_191 : i32
    %sign3A_193 = arith.constant 0 : i32
    %sign3A_194 = arith.cmpi sgt, %jit3A_184, %sign3A_193 : i32
    %sign3A_195 = arith.extui %sign3A_194 : i1 to i32
    %sign3A_196 = arith.constant 0 : i32
    %sign3A_197 = arith.cmpi slt, %jit3A_184, %sign3A_196 : i32
    %sign3A_198 = arith.extui %sign3A_197 : i1 to i32
    %sign3A_199 = arith.subi %sign3A_195, %sign3A_198 : i32
    %ne3A_200 = arith.cmpi ne, %sign3A_192, %sign3A_199 : i32
    %rem3A_201 = arith.remsi %select_n3A_183, %jit3A_184 : i32
    %ne3A_202 = arith.constant 0 : i32
    %ne3A_203 = arith.cmpi ne, %rem3A_201, %ne3A_202 : i32
    %and3A_204 = arith.andi %ne3A_200, %ne3A_203 : i1
    %sub3A_205 = arith.constant 1 : i32
    %sub3A_206 = arith.subi %div3A_185, %sub3A_205 : i32
    %select_n3A_207 = arith.select %and3A_204, %sub3A_206, %div3A_185 : i32
    %multiple_of3A_208 = tpu.assume_multiple %select_n3A_207, 8 : i32
    %mul3A_209 = arith.constant 4 : i32
    %mul3A_210 = arith.muli %select_n3A_9, %mul3A_209 : i32
    %mul3A_211 = arith.constant 4 : i32
    %mul3A_212 = arith.muli %select_n3A_9, %mul3A_211 : i32
    %add3A_213 = arith.constant 16 : i32
    %add3A_214 = arith.addi %add3A_213, %mul3A_212 : i32
    %dma_wait3A = arith.constant 0 : i32
    %dma_wait3A_215 = arith.constant 0 : i32
    %dma_wait3A_216 = arith.constant 0 : i32
    %dma_wait3A_217 = arith.constant 0 : i32
    %dma_wait3A_218 = arith.constant 0 : i32
    %dma_wait3A_219 = tpu.memref_slice %arg9[%dma_wait3A, %dma_wait3A_216, %dma_wait3A_215, %dma_wait3A_217, %dma_wait3A_218] : memref<2x8x2x4x64xf32, #tpu.memory_space<vmem>> -> memref<1x8x1x4x64xf32, #tpu.memory_space<vmem>>
    %dma_wait3A_220 = tpu.memref_squeeze %dma_wait3A_219 : memref<1x8x1x4x64xf32, #tpu.memory_space<vmem>> -> memref<8x4x64xf32, #tpu.memory_space<vmem>>
    %dma_wait3A_221 = arith.constant 0 : i32
    %dma_wait3A_222 = tpu.memref_slice %arg5[%select_n3A_167, %multiple_of3A_208, %mul3A_210, %dma_wait3A_221] : memref<16x64x32x64xf32, #tpu.memory_space<hbm>> -> memref<1x8x4x64xf32, #tpu.memory_space<hbm>>
    %dma_wait3A_223 = tpu.memref_squeeze %dma_wait3A_222 : memref<1x8x4x64xf32, #tpu.memory_space<hbm>> -> memref<8x4x64xf32, #tpu.memory_space<hbm>>
    %dma_wait3A_224 = arith.constant 0 : i32
    %dma_wait3A_225 = tpu.memref_slice %arg5[%select_n3A_167, %multiple_of3A_208, %mul3A_210, %dma_wait3A_224] : memref<16x64x32x64xf32, #tpu.memory_space<hbm>> -> memref<1x8x4x64xf32, #tpu.memory_space<hbm>>
    %dma_wait3A_226 = tpu.memref_squeeze %dma_wait3A_225 : memref<1x8x4x64xf32, #tpu.memory_space<hbm>> -> memref<8x4x64xf32, #tpu.memory_space<hbm>>
    %dma_wait3A_227 = arith.constant 0 : i32
    %dma_wait3A_228 = arith.constant 0 : i32
    %dma_wait3A_229 = arith.constant 0 : i32
    %dma_wait3A_230 = tpu.memref_slice %arg9[%dma_wait3A, %dma_wait3A_227, %dma_wait3A_215, %dma_wait3A_228, %dma_wait3A_229] : memref<2x8x2x4x64xf32, #tpu.memory_space<vmem>> -> memref<1x8x1x4x64xf32, #tpu.memory_space<vmem>>
    %dma_wait3A_231 = tpu.memref_squeeze %dma_wait3A_230 : memref<1x8x1x4x64xf32, #tpu.memory_space<vmem>> -> memref<8x4x64xf32, #tpu.memory_space<vmem>>
    tpu.wait_dma2 semaphore(%arg11 : memref<!tpu.dma_semaphore, #tpu.memory_space<semaphore_mem>>) src(%dma_wait3A_231 : memref<8x4x64xf32, #tpu.memory_space<vmem>>) dst(%dma_wait3A_226 : memref<8x4x64xf32, #tpu.memory_space<hbm>>)
    %dma_wait3A_232 = arith.constant 0 : i32
    %dma_wait3A_233 = arith.constant 1 : i32
    %dma_wait3A_234 = arith.constant 0 : i32
    %dma_wait3A_235 = arith.constant 0 : i32
    %dma_wait3A_236 = arith.constant 0 : i32
    %dma_wait3A_237 = tpu.memref_slice %arg9[%dma_wait3A_232, %dma_wait3A_234, %dma_wait3A_233, %dma_wait3A_235, %dma_wait3A_236] : memref<2x8x2x4x64xf32, #tpu.memory_space<vmem>> -> memref<1x8x1x4x64xf32, #tpu.memory_space<vmem>>
    %dma_wait3A_238 = tpu.memref_squeeze %dma_wait3A_237 : memref<1x8x1x4x64xf32, #tpu.memory_space<vmem>> -> memref<8x4x64xf32, #tpu.memory_space<vmem>>
    %dma_wait3A_239 = arith.constant 0 : i32
    %dma_wait3A_240 = tpu.memref_slice %arg5[%select_n3A_167, %multiple_of3A_208, %add3A_214, %dma_wait3A_239] : memref<16x64x32x64xf32, #tpu.memory_space<hbm>> -> memref<1x8x4x64xf32, #tpu.memory_space<hbm>>
    %dma_wait3A_241 = tpu.memref_squeeze %dma_wait3A_240 : memref<1x8x4x64xf32, #tpu.memory_space<hbm>> -> memref<8x4x64xf32, #tpu.memory_space<hbm>>
    %dma_wait3A_242 = arith.constant 0 : i32
    %dma_wait3A_243 = tpu.memref_slice %arg5[%select_n3A_167, %multiple_of3A_208, %add3A_214, %dma_wait3A_242] : memref<16x64x32x64xf32, #tpu.memory_space<hbm>> -> memref<1x8x4x64xf32, #tpu.memory_space<hbm>>
    %dma_wait3A_244 = tpu.memref_squeeze %dma_wait3A_243 : memref<1x8x4x64xf32, #tpu.memory_space<hbm>> -> memref<8x4x64xf32, #tpu.memory_space<hbm>>
    %dma_wait3A_245 = arith.constant 0 : i32
    %dma_wait3A_246 = arith.constant 0 : i32
    %dma_wait3A_247 = arith.constant 0 : i32
    %dma_wait3A_248 = tpu.memref_slice %arg9[%dma_wait3A_232, %dma_wait3A_245, %dma_wait3A_233, %dma_wait3A_246, %dma_wait3A_247] : memref<2x8x2x4x64xf32, #tpu.memory_space<vmem>> -> memref<1x8x1x4x64xf32, #tpu.memory_space<vmem>>
    %dma_wait3A_249 = tpu.memref_squeeze %dma_wait3A_248 : memref<1x8x1x4x64xf32, #tpu.memory_space<vmem>> -> memref<8x4x64xf32, #tpu.memory_space<vmem>>
    tpu.wait_dma2 semaphore(%arg11 : memref<!tpu.dma_semaphore, #tpu.memory_space<semaphore_mem>>) src(%dma_wait3A_249 : memref<8x4x64xf32, #tpu.memory_space<vmem>>) dst(%dma_wait3A_244 : memref<8x4x64xf32, #tpu.memory_space<hbm>>)
    %mul3A_250 = arith.constant 8192 : i32
    %mul3A_251 = arith.muli %select_n3A_30, %mul3A_250 : i32
    %add3A_252 = arith.constant 7680 : i32
    %add3A_253 = arith.addi %mul3A_251, %add3A_252 : i32
    %jit3A_254 = arith.constant 4096 : i32
    %div3A_255 = arith.divsi %add3A_253, %jit3A_254 : i32
    %sign3A_256 = arith.constant 0 : i32
    %sign3A_257 = arith.cmpi sgt, %add3A_253, %sign3A_256 : i32
    %sign3A_258 = arith.extui %sign3A_257 : i1 to i32
    %sign3A_259 = arith.constant 0 : i32
    %sign3A_260 = arith.cmpi slt, %add3A_253, %sign3A_259 : i32
    %sign3A_261 = arith.extui %sign3A_260 : i1 to i32
    %sign3A_262 = arith.subi %sign3A_258, %sign3A_261 : i32
    %sign3A_263 = arith.constant 0 : i32
    %sign3A_264 = arith.cmpi sgt, %jit3A_254, %sign3A_263 : i32
    %sign3A_265 = arith.extui %sign3A_264 : i1 to i32
    %sign3A_266 = arith.constant 0 : i32
    %sign3A_267 = arith.cmpi slt, %jit3A_254, %sign3A_266 : i32
    %sign3A_268 = arith.extui %sign3A_267 : i1 to i32
    %sign3A_269 = arith.subi %sign3A_265, %sign3A_268 : i32
    %ne3A_270 = arith.cmpi ne, %sign3A_262, %sign3A_269 : i32
    %rem3A_271 = arith.remsi %add3A_253, %jit3A_254 : i32
    %ne3A_272 = arith.constant 0 : i32
    %ne3A_273 = arith.cmpi ne, %rem3A_271, %ne3A_272 : i32
    %and3A_274 = arith.andi %ne3A_270, %ne3A_273 : i1
    %sub3A_275 = arith.constant 1 : i32
    %sub3A_276 = arith.subi %div3A_255, %sub3A_275 : i32
    %select_n3A_277 = arith.select %and3A_274, %sub3A_276, %div3A_255 : i32
    %jit3A_278 = arith.constant 4096 : i32
    %eq3A_279 = arith.constant 0 : i32
    %eq3A_280 = arith.cmpi eq, %jit3A_278, %eq3A_279 : i32
    %jit3A_281 = arith.constant 1 : i32
    %select_n3A_282 = arith.select %eq3A_280, %jit3A_281, %jit3A_278 : i32
    %rem3A_283 = arith.remsi %add3A_253, %select_n3A_282 : i32
    %ne3A_284 = arith.constant 0 : i32
    %ne3A_285 = arith.cmpi ne, %rem3A_283, %ne3A_284 : i32
    %lt3A_286 = arith.constant 0 : i32
    %lt3A_287 = arith.cmpi slt, %rem3A_283, %lt3A_286 : i32
    %lt3A_288 = arith.constant 0 : i32
    %lt3A_289 = arith.cmpi slt, %select_n3A_282, %lt3A_288 : i32
    %ne3A_290 = arith.xori %lt3A_287, %lt3A_289 : i1
    %and3A_291 = arith.andi %ne3A_290, %ne3A_285 : i1
    %add3A_292 = arith.addi %rem3A_283, %select_n3A_282 : i32
    %select_n3A_293 = arith.select %and3A_291, %add3A_292, %rem3A_283 : i32
    %jit3A_294 = arith.constant 64 : i32
    %div3A_295 = arith.divsi %select_n3A_293, %jit3A_294 : i32
    %sign3A_296 = arith.constant 0 : i32
    %sign3A_297 = arith.cmpi sgt, %select_n3A_293, %sign3A_296 : i32
    %sign3A_298 = arith.extui %sign3A_297 : i1 to i32
    %sign3A_299 = arith.constant 0 : i32
    %sign3A_300 = arith.cmpi slt, %select_n3A_293, %sign3A_299 : i32
    %sign3A_301 = arith.extui %sign3A_300 : i1 to i32
    %sign3A_302 = arith.subi %sign3A_298, %sign3A_301 : i32
    %sign3A_303 = arith.constant 0 : i32
    %sign3A_304 = arith.cmpi sgt, %jit3A_294, %sign3A_303 : i32
    %sign3A_305 = arith.extui %sign3A_304 : i1 to i32
    %sign3A_306 = arith.constant 0 : i32
    %sign3A_307 = arith.cmpi slt, %jit3A_294, %sign3A_306 : i32
    %sign3A_308 = arith.extui %sign3A_307 : i1 to i32
    %sign3A_309 = arith.subi %sign3A_305, %sign3A_308 : i32
    %ne3A_310 = arith.cmpi ne, %sign3A_302, %sign3A_309 : i32
    %rem3A_311 = arith.remsi %select_n3A_293, %jit3A_294 : i32
    %ne3A_312 = arith.constant 0 : i32
    %ne3A_313 = arith.cmpi ne, %rem3A_311, %ne3A_312 : i32
    %and3A_314 = arith.andi %ne3A_310, %ne3A_313 : i1
    %sub3A_315 = arith.constant 1 : i32
    %sub3A_316 = arith.subi %div3A_295, %sub3A_315 : i32
    %select_n3A_317 = arith.select %and3A_314, %sub3A_316, %div3A_295 : i32
    %multiple_of3A_318 = tpu.assume_multiple %select_n3A_317, 8 : i32
    %mul3A_319 = arith.constant 4 : i32
    %mul3A_320 = arith.muli %select_n3A_9, %mul3A_319 : i32
    %mul3A_321 = arith.constant 4 : i32
    %mul3A_322 = arith.muli %select_n3A_9, %mul3A_321 : i32
    %add3A_323 = arith.constant 16 : i32
    %add3A_324 = arith.addi %add3A_323, %mul3A_322 : i32
    %dma_wait3A_325 = arith.constant 1 : i32
    %dma_wait3A_326 = arith.constant 0 : i32
    %dma_wait3A_327 = arith.constant 0 : i32
    %dma_wait3A_328 = arith.constant 0 : i32
    %dma_wait3A_329 = arith.constant 0 : i32
    %dma_wait3A_330 = tpu.memref_slice %arg9[%dma_wait3A_325, %dma_wait3A_327, %dma_wait3A_326, %dma_wait3A_328, %dma_wait3A_329] : memref<2x8x2x4x64xf32, #tpu.memory_space<vmem>> -> memref<1x8x1x4x64xf32, #tpu.memory_space<vmem>>
    %dma_wait3A_331 = tpu.memref_squeeze %dma_wait3A_330 : memref<1x8x1x4x64xf32, #tpu.memory_space<vmem>> -> memref<8x4x64xf32, #tpu.memory_space<vmem>>
    %dma_wait3A_332 = arith.constant 0 : i32
    %dma_wait3A_333 = tpu.memref_slice %arg5[%select_n3A_277, %multiple_of3A_318, %mul3A_320, %dma_wait3A_332] : memref<16x64x32x64xf32, #tpu.memory_space<hbm>> -> memref<1x8x4x64xf32, #tpu.memory_space<hbm>>
    %dma_wait3A_334 = tpu.memref_squeeze %dma_wait3A_333 : memref<1x8x4x64xf32, #tpu.memory_space<hbm>> -> memref<8x4x64xf32, #tpu.memory_space<hbm>>
    %dma_wait3A_335 = arith.constant 0 : i32
    %dma_wait3A_336 = tpu.memref_slice %arg5[%select_n3A_277, %multiple_of3A_318, %mul3A_320, %dma_wait3A_335] : memref<16x64x32x64xf32, #tpu.memory_space<hbm>> -> memref<1x8x4x64xf32, #tpu.memory_space<hbm>>
    %dma_wait3A_337 = tpu.memref_squeeze %dma_wait3A_336 : memref<1x8x4x64xf32, #tpu.memory_space<hbm>> -> memref<8x4x64xf32, #tpu.memory_space<hbm>>
    %dma_wait3A_338 = arith.constant 0 : i32
    %dma_wait3A_339 = arith.constant 0 : i32
    %dma_wait3A_340 = arith.constant 0 : i32
    %dma_wait3A_341 = tpu.memref_slice %arg9[%dma_wait3A_325, %dma_wait3A_338, %dma_wait3A_326, %dma_wait3A_339, %dma_wait3A_340] : memref<2x8x2x4x64xf32, #tpu.memory_space<vmem>> -> memref<1x8x1x4x64xf32, #tpu.memory_space<vmem>>
    %dma_wait3A_342 = tpu.memref_squeeze %dma_wait3A_341 : memref<1x8x1x4x64xf32, #tpu.memory_space<vmem>> -> memref<8x4x64xf32, #tpu.memory_space<vmem>>
    tpu.wait_dma2 semaphore(%arg11 : memref<!tpu.dma_semaphore, #tpu.memory_space<semaphore_mem>>) src(%dma_wait3A_342 : memref<8x4x64xf32, #tpu.memory_space<vmem>>) dst(%dma_wait3A_337 : memref<8x4x64xf32, #tpu.memory_space<hbm>>)
    %dma_wait3A_343 = arith.constant 1 : i32
    %dma_wait3A_344 = arith.constant 1 : i32
    %dma_wait3A_345 = arith.constant 0 : i32
    %dma_wait3A_346 = arith.constant 0 : i32
    %dma_wait3A_347 = arith.constant 0 : i32
    %dma_wait3A_348 = tpu.memref_slice %arg9[%dma_wait3A_343, %dma_wait3A_345, %dma_wait3A_344, %dma_wait3A_346, %dma_wait3A_347] : memref<2x8x2x4x64xf32, #tpu.memory_space<vmem>> -> memref<1x8x1x4x64xf32, #tpu.memory_space<vmem>>
    %dma_wait3A_349 = tpu.memref_squeeze %dma_wait3A_348 : memref<1x8x1x4x64xf32, #tpu.memory_space<vmem>> -> memref<8x4x64xf32, #tpu.memory_space<vmem>>
    %dma_wait3A_350 = arith.constant 0 : i32
    %dma_wait3A_351 = tpu.memref_slice %arg5[%select_n3A_277, %multiple_of3A_318, %add3A_324, %dma_wait3A_350] : memref<16x64x32x64xf32, #tpu.memory_space<hbm>> -> memref<1x8x4x64xf32, #tpu.memory_space<hbm>>
    %dma_wait3A_352 = tpu.memref_squeeze %dma_wait3A_351 : memref<1x8x4x64xf32, #tpu.memory_space<hbm>> -> memref<8x4x64xf32, #tpu.memory_space<hbm>>
    %dma_wait3A_353 = arith.constant 0 : i32
    %dma_wait3A_354 = tpu.memref_slice %arg5[%select_n3A_277, %multiple_of3A_318, %add3A_324, %dma_wait3A_353] : memref<16x64x32x64xf32, #tpu.memory_space<hbm>> -> memref<1x8x4x64xf32, #tpu.memory_space<hbm>>
    %dma_wait3A_355 = tpu.memref_squeeze %dma_wait3A_354 : memref<1x8x4x64xf32, #tpu.memory_space<hbm>> -> memref<8x4x64xf32, #tpu.memory_space<hbm>>
    %dma_wait3A_356 = arith.constant 0 : i32
    %dma_wait3A_357 = arith.constant 0 : i32
    %dma_wait3A_358 = arith.constant 0 : i32
    %dma_wait3A_359 = tpu.memref_slice %arg9[%dma_wait3A_343, %dma_wait3A_356, %dma_wait3A_344, %dma_wait3A_357, %dma_wait3A_358] : memref<2x8x2x4x64xf32, #tpu.memory_space<vmem>> -> memref<1x8x1x4x64xf32, #tpu.memory_space<vmem>>
    %dma_wait3A_360 = tpu.memref_squeeze %dma_wait3A_359 : memref<1x8x1x4x64xf32, #tpu.memory_space<vmem>> -> memref<8x4x64xf32, #tpu.memory_space<vmem>>
    tpu.wait_dma2 semaphore(%arg11 : memref<!tpu.dma_semaphore, #tpu.memory_space<semaphore_mem>>) src(%dma_wait3A_360 : memref<8x4x64xf32, #tpu.memory_space<vmem>>) dst(%dma_wait3A_355 : memref<8x4x64xf32, #tpu.memory_space<hbm>>)
    return
  }
}

module attributes {stable_mosaic.version = 14 : i64} {
  func.func @_prep_body(%arg0: memref<1537x32xf32, #tpu.memory_space<vmem>>, %arg1: memref<5x32x32xf32, #tpu.memory_space<vmem>>, %arg2: memref<32x512xf32, #tpu.memory_space<vmem>>, %arg3: memref<6x16x1544xi32, #tpu.memory_space<vmem>>) attributes {dimension_semantics = [], scalar_prefetch = 0 : i64, scratch_operands = 0 : i64, tpu.core_type = #tpu.core_type<tc>} {
    %get3A = arith.constant 0 : index
    %get3A_0 = arith.constant 0 : index
    %get3A_1 = arith.constant 0 : index
    %get3A_2 = vector.load %arg1[%get3A, %get3A_0, %get3A_1] : memref<5x32x32xf32, #tpu.memory_space<vmem>>, vector<1x32x32xf32>
    %get3A_3 = vector.shape_cast %get3A_2 : vector<1x32x32xf32> to vector<32x32xf32>
    %get3A_4 = arith.constant 0 : index
    %get3A_5 = arith.constant 0 : index
    %get3A_6 = vector.load %arg0[%get3A_4, %get3A_5] : memref<1537x32xf32, #tpu.memory_space<vmem>>, vector<1537x32xf32>
    %dot_general3A = arith.constant dense<0.000000e+00> : vector<32x1537xf32>
    %dot_general3A_7 = tpu.matmul %get3A_3, %get3A_6, %dot_general3A {dimension_numbers = #tpu.dot_dimension_numbers<[0], [1], [1], [0], [0, 1, 1, 0], [], []>, transpose_lhs_hint = false} : vector<32x32xf32>, vector<1537x32xf32>, vector<32x1537xf32> -> vector<32x1537xf32>
    %convert_element_type3A = arith.truncf %dot_general3A_7 : vector<32x1537xf32> to vector<32x1537xbf16>
    %bitcast_convert_type3A = tpu.bitcast %convert_element_type3A : vector<32x1537xbf16> -> vector<32x1537xi16>
    %convert_element_type3A_8 = arith.extui %bitcast_convert_type3A : vector<32x1537xi16> to vector<32x1537xi32>
    %slice3A = vector.extract_strided_slice %convert_element_type3A_8 {offsets = [0, 0], sizes = [16, 1537], strides = [1, 1]} : vector<32x1537xi32> to vector<16x1537xi32>
    %slice3A_9 = vector.extract_strided_slice %convert_element_type3A_8 {offsets = [16, 0], sizes = [16, 1537], strides = [1, 1]} : vector<32x1537xi32> to vector<16x1537xi32>
    %shift_left3A = arith.constant 16 : i32
    %shift_left3A_10 = vector.broadcast %shift_left3A : i32 to vector<16x1537xi32>
    %shift_left3A_11 = arith.shli %slice3A_9, %shift_left3A_10 : vector<16x1537xi32>
    %or3A = arith.ori %slice3A, %shift_left3A_11 : vector<16x1537xi32>
    %bitcast_convert_type3A_12 = tpu.bitcast %or3A : vector<16x1537xi32> -> vector<16x1537xi32>
    %swap3A = arith.constant 0 : index
    %swap3A_13 = arith.constant 0 : index
    %swap3A_14 = arith.constant 0 : index
    %swap3A_15 = vector.load %arg3[%swap3A, %swap3A_13, %swap3A_14] : memref<6x16x1544xi32, #tpu.memory_space<vmem>>, vector<1x16x1537xi32>
    %swap3A_16 = vector.shape_cast %swap3A_15 : vector<1x16x1537xi32> to vector<16x1537xi32>
    %swap3A_17 = vector.shape_cast %bitcast_convert_type3A_12 : vector<16x1537xi32> to vector<1x16x1537xi32>
    tpu.vector_store %arg3[%swap3A, %swap3A_13, %swap3A_14], %swap3A_17 {strides = array<i32>} : memref<6x16x1544xi32, #tpu.memory_space<vmem>>, vector<1x16x1537xi32>,
    %get3A_18 = arith.constant 1 : index
    %get3A_19 = arith.constant 0 : index
    %get3A_20 = arith.constant 0 : index
    %get3A_21 = vector.load %arg1[%get3A_18, %get3A_19, %get3A_20] : memref<5x32x32xf32, #tpu.memory_space<vmem>>, vector<1x32x32xf32>
    %get3A_22 = vector.shape_cast %get3A_21 : vector<1x32x32xf32> to vector<32x32xf32>
    %get3A_23 = arith.constant 0 : index
    %get3A_24 = arith.constant 0 : index
    %get3A_25 = vector.load %arg0[%get3A_23, %get3A_24] : memref<1537x32xf32, #tpu.memory_space<vmem>>, vector<1537x32xf32>
    %dot_general3A_26 = arith.constant dense<0.000000e+00> : vector<32x1537xf32>
    %dot_general3A_27 = tpu.matmul %get3A_22, %get3A_25, %dot_general3A_26 {dimension_numbers = #tpu.dot_dimension_numbers<[0], [1], [1], [0], [0, 1, 1, 0], [], []>, transpose_lhs_hint = false} : vector<32x32xf32>, vector<1537x32xf32>, vector<32x1537xf32> -> vector<32x1537xf32>
    %convert_element_type3A_28 = arith.truncf %dot_general3A_27 : vector<32x1537xf32> to vector<32x1537xbf16>
    %bitcast_convert_type3A_29 = tpu.bitcast %convert_element_type3A_28 : vector<32x1537xbf16> -> vector<32x1537xi16>
    %convert_element_type3A_30 = arith.extui %bitcast_convert_type3A_29 : vector<32x1537xi16> to vector<32x1537xi32>
    %slice3A_31 = vector.extract_strided_slice %convert_element_type3A_30 {offsets = [0, 0], sizes = [16, 1537], strides = [1, 1]} : vector<32x1537xi32> to vector<16x1537xi32>
    %slice3A_32 = vector.extract_strided_slice %convert_element_type3A_30 {offsets = [16, 0], sizes = [16, 1537], strides = [1, 1]} : vector<32x1537xi32> to vector<16x1537xi32>
    %shift_left3A_33 = arith.constant 16 : i32
    %shift_left3A_34 = vector.broadcast %shift_left3A_33 : i32 to vector<16x1537xi32>
    %shift_left3A_35 = arith.shli %slice3A_32, %shift_left3A_34 : vector<16x1537xi32>
    %or3A_36 = arith.ori %slice3A_31, %shift_left3A_35 : vector<16x1537xi32>
    %bitcast_convert_type3A_37 = tpu.bitcast %or3A_36 : vector<16x1537xi32> -> vector<16x1537xi32>
    %swap3A_38 = arith.constant 1 : index
    %swap3A_39 = arith.constant 0 : index
    %swap3A_40 = arith.constant 0 : index
    %swap3A_41 = vector.load %arg3[%swap3A_38, %swap3A_39, %swap3A_40] : memref<6x16x1544xi32, #tpu.memory_space<vmem>>, vector<1x16x1537xi32>
    %swap3A_42 = vector.shape_cast %swap3A_41 : vector<1x16x1537xi32> to vector<16x1537xi32>
    %swap3A_43 = vector.shape_cast %bitcast_convert_type3A_37 : vector<16x1537xi32> to vector<1x16x1537xi32>
    tpu.vector_store %arg3[%swap3A_38, %swap3A_39, %swap3A_40], %swap3A_43 {strides = array<i32>} : memref<6x16x1544xi32, #tpu.memory_space<vmem>>, vector<1x16x1537xi32>,
    %get3A_44 = arith.constant 2 : index
    %get3A_45 = arith.constant 0 : index
    %get3A_46 = arith.constant 0 : index
    %get3A_47 = vector.load %arg1[%get3A_44, %get3A_45, %get3A_46] : memref<5x32x32xf32, #tpu.memory_space<vmem>>, vector<1x32x32xf32>
    %get3A_48 = vector.shape_cast %get3A_47 : vector<1x32x32xf32> to vector<32x32xf32>
    %get3A_49 = arith.constant 0 : index
    %get3A_50 = arith.constant 0 : index
    %get3A_51 = vector.load %arg0[%get3A_49, %get3A_50] : memref<1537x32xf32, #tpu.memory_space<vmem>>, vector<1537x32xf32>
    %dot_general3A_52 = arith.constant dense<0.000000e+00> : vector<32x1537xf32>
    %dot_general3A_53 = tpu.matmul %get3A_48, %get3A_51, %dot_general3A_52 {dimension_numbers = #tpu.dot_dimension_numbers<[0], [1], [1], [0], [0, 1, 1, 0], [], []>, transpose_lhs_hint = false} : vector<32x32xf32>, vector<1537x32xf32>, vector<32x1537xf32> -> vector<32x1537xf32>
    %convert_element_type3A_54 = arith.truncf %dot_general3A_53 : vector<32x1537xf32> to vector<32x1537xbf16>
    %bitcast_convert_type3A_55 = tpu.bitcast %convert_element_type3A_54 : vector<32x1537xbf16> -> vector<32x1537xi16>
    %convert_element_type3A_56 = arith.extui %bitcast_convert_type3A_55 : vector<32x1537xi16> to vector<32x1537xi32>
    %slice3A_57 = vector.extract_strided_slice %convert_element_type3A_56 {offsets = [0, 0], sizes = [16, 1537], strides = [1, 1]} : vector<32x1537xi32> to vector<16x1537xi32>
    %slice3A_58 = vector.extract_strided_slice %convert_element_type3A_56 {offsets = [16, 0], sizes = [16, 1537], strides = [1, 1]} : vector<32x1537xi32> to vector<16x1537xi32>
    %shift_left3A_59 = arith.constant 16 : i32
    %shift_left3A_60 = vector.broadcast %shift_left3A_59 : i32 to vector<16x1537xi32>
    %shift_left3A_61 = arith.shli %slice3A_58, %shift_left3A_60 : vector<16x1537xi32>
    %or3A_62 = arith.ori %slice3A_57, %shift_left3A_61 : vector<16x1537xi32>
    %bitcast_convert_type3A_63 = tpu.bitcast %or3A_62 : vector<16x1537xi32> -> vector<16x1537xi32>
    %swap3A_64 = arith.constant 2 : index
    %swap3A_65 = arith.constant 0 : index
    %swap3A_66 = arith.constant 0 : index
    %swap3A_67 = vector.load %arg3[%swap3A_64, %swap3A_65, %swap3A_66] : memref<6x16x1544xi32, #tpu.memory_space<vmem>>, vector<1x16x1537xi32>
    %swap3A_68 = vector.shape_cast %swap3A_67 : vector<1x16x1537xi32> to vector<16x1537xi32>
    %swap3A_69 = vector.shape_cast %bitcast_convert_type3A_63 : vector<16x1537xi32> to vector<1x16x1537xi32>
    tpu.vector_store %arg3[%swap3A_64, %swap3A_65, %swap3A_66], %swap3A_69 {strides = array<i32>} : memref<6x16x1544xi32, #tpu.memory_space<vmem>>, vector<1x16x1537xi32>,
    %get3A_70 = arith.constant 3 : index
    %get3A_71 = arith.constant 0 : index
    %get3A_72 = arith.constant 0 : index
    %get3A_73 = vector.load %arg1[%get3A_70, %get3A_71, %get3A_72] : memref<5x32x32xf32, #tpu.memory_space<vmem>>, vector<1x32x32xf32>
    %get3A_74 = vector.shape_cast %get3A_73 : vector<1x32x32xf32> to vector<32x32xf32>
    %get3A_75 = arith.constant 0 : index
    %get3A_76 = arith.constant 0 : index
    %get3A_77 = vector.load %arg0[%get3A_75, %get3A_76] : memref<1537x32xf32, #tpu.memory_space<vmem>>, vector<1537x32xf32>
    %dot_general3A_78 = arith.constant dense<0.000000e+00> : vector<32x1537xf32>
    %dot_general3A_79 = tpu.matmul %get3A_74, %get3A_77, %dot_general3A_78 {dimension_numbers = #tpu.dot_dimension_numbers<[0], [1], [1], [0], [0, 1, 1, 0], [], []>, transpose_lhs_hint = false} : vector<32x32xf32>, vector<1537x32xf32>, vector<32x1537xf32> -> vector<32x1537xf32>
    %convert_element_type3A_80 = arith.truncf %dot_general3A_79 : vector<32x1537xf32> to vector<32x1537xbf16>
    %bitcast_convert_type3A_81 = tpu.bitcast %convert_element_type3A_80 : vector<32x1537xbf16> -> vector<32x1537xi16>
    %convert_element_type3A_82 = arith.extui %bitcast_convert_type3A_81 : vector<32x1537xi16> to vector<32x1537xi32>
    %slice3A_83 = vector.extract_strided_slice %convert_element_type3A_82 {offsets = [0, 0], sizes = [16, 1537], strides = [1, 1]} : vector<32x1537xi32> to vector<16x1537xi32>
    %slice3A_84 = vector.extract_strided_slice %convert_element_type3A_82 {offsets = [16, 0], sizes = [16, 1537], strides = [1, 1]} : vector<32x1537xi32> to vector<16x1537xi32>
    %shift_left3A_85 = arith.constant 16 : i32
    %shift_left3A_86 = vector.broadcast %shift_left3A_85 : i32 to vector<16x1537xi32>
    %shift_left3A_87 = arith.shli %slice3A_84, %shift_left3A_86 : vector<16x1537xi32>
    %or3A_88 = arith.ori %slice3A_83, %shift_left3A_87 : vector<16x1537xi32>
    %bitcast_convert_type3A_89 = tpu.bitcast %or3A_88 : vector<16x1537xi32> -> vector<16x1537xi32>
    %swap3A_90 = arith.constant 3 : index
    %swap3A_91 = arith.constant 0 : index
    %swap3A_92 = arith.constant 0 : index
    %swap3A_93 = vector.load %arg3[%swap3A_90, %swap3A_91, %swap3A_92] : memref<6x16x1544xi32, #tpu.memory_space<vmem>>, vector<1x16x1537xi32>
    %swap3A_94 = vector.shape_cast %swap3A_93 : vector<1x16x1537xi32> to vector<16x1537xi32>
    %swap3A_95 = vector.shape_cast %bitcast_convert_type3A_89 : vector<16x1537xi32> to vector<1x16x1537xi32>
    tpu.vector_store %arg3[%swap3A_90, %swap3A_91, %swap3A_92], %swap3A_95 {strides = array<i32>} : memref<6x16x1544xi32, #tpu.memory_space<vmem>>, vector<1x16x1537xi32>,
    %get3A_96 = arith.constant 4 : index
    %get3A_97 = arith.constant 0 : index
    %get3A_98 = arith.constant 0 : index
    %get3A_99 = vector.load %arg1[%get3A_96, %get3A_97, %get3A_98] : memref<5x32x32xf32, #tpu.memory_space<vmem>>, vector<1x32x32xf32>
    %get3A_100 = vector.shape_cast %get3A_99 : vector<1x32x32xf32> to vector<32x32xf32>
    %get3A_101 = arith.constant 0 : index
    %get3A_102 = arith.constant 0 : index
    %get3A_103 = vector.load %arg0[%get3A_101, %get3A_102] : memref<1537x32xf32, #tpu.memory_space<vmem>>, vector<1537x32xf32>
    %dot_general3A_104 = arith.constant dense<0.000000e+00> : vector<32x1537xf32>
    %dot_general3A_105 = tpu.matmul %get3A_100, %get3A_103, %dot_general3A_104 {dimension_numbers = #tpu.dot_dimension_numbers<[0], [1], [1], [0], [0, 1, 1, 0], [], []>, transpose_lhs_hint = false} : vector<32x32xf32>, vector<1537x32xf32>, vector<32x1537xf32> -> vector<32x1537xf32>
    %convert_element_type3A_106 = arith.truncf %dot_general3A_105 : vector<32x1537xf32> to vector<32x1537xbf16>
    %bitcast_convert_type3A_107 = tpu.bitcast %convert_element_type3A_106 : vector<32x1537xbf16> -> vector<32x1537xi16>
    %convert_element_type3A_108 = arith.extui %bitcast_convert_type3A_107 : vector<32x1537xi16> to vector<32x1537xi32>
    %slice3A_109 = vector.extract_strided_slice %convert_element_type3A_108 {offsets = [0, 0], sizes = [16, 1537], strides = [1, 1]} : vector<32x1537xi32> to vector<16x1537xi32>
    %slice3A_110 = vector.extract_strided_slice %convert_element_type3A_108 {offsets = [16, 0], sizes = [16, 1537], strides = [1, 1]} : vector<32x1537xi32> to vector<16x1537xi32>
    %shift_left3A_111 = arith.constant 16 : i32
    %shift_left3A_112 = vector.broadcast %shift_left3A_111 : i32 to vector<16x1537xi32>
    %shift_left3A_113 = arith.shli %slice3A_110, %shift_left3A_112 : vector<16x1537xi32>
    %or3A_114 = arith.ori %slice3A_109, %shift_left3A_113 : vector<16x1537xi32>
    %bitcast_convert_type3A_115 = tpu.bitcast %or3A_114 : vector<16x1537xi32> -> vector<16x1537xi32>
    %swap3A_116 = arith.constant 4 : index
    %swap3A_117 = arith.constant 0 : index
    %swap3A_118 = arith.constant 0 : index
    %swap3A_119 = vector.load %arg3[%swap3A_116, %swap3A_117, %swap3A_118] : memref<6x16x1544xi32, #tpu.memory_space<vmem>>, vector<1x16x1537xi32>
    %swap3A_120 = vector.shape_cast %swap3A_119 : vector<1x16x1537xi32> to vector<16x1537xi32>
    %swap3A_121 = vector.shape_cast %bitcast_convert_type3A_115 : vector<16x1537xi32> to vector<1x16x1537xi32>
    tpu.vector_store %arg3[%swap3A_116, %swap3A_117, %swap3A_118], %swap3A_121 {strides = array<i32>} : memref<6x16x1544xi32, #tpu.memory_space<vmem>>, vector<1x16x1537xi32>,
    %get3A_122 = arith.constant 0 : index
    %get3A_123 = arith.constant 0 : index
    %get3A_124 = vector.load %arg2[%get3A_122, %get3A_123] : memref<32x512xf32, #tpu.memory_space<vmem>>, vector<32x512xf32>
    %convert_element_type3A_125 = arith.truncf %get3A_124 : vector<32x512xf32> to vector<32x512xbf16>
    %bitcast_convert_type3A_126 = tpu.bitcast %convert_element_type3A_125 : vector<32x512xbf16> -> vector<32x512xi16>
    %convert_element_type3A_127 = arith.extui %bitcast_convert_type3A_126 : vector<32x512xi16> to vector<32x512xi32>
    %slice3A_128 = vector.extract_strided_slice %convert_element_type3A_127 {offsets = [0, 0], sizes = [16, 512], strides = [1, 1]} : vector<32x512xi32> to vector<16x512xi32>
    %slice3A_129 = vector.extract_strided_slice %convert_element_type3A_127 {offsets = [16, 0], sizes = [16, 512], strides = [1, 1]} : vector<32x512xi32> to vector<16x512xi32>
    %shift_left3A_130 = arith.constant 16 : i32
    %shift_left3A_131 = vector.broadcast %shift_left3A_130 : i32 to vector<16x512xi32>
    %shift_left3A_132 = arith.shli %slice3A_129, %shift_left3A_131 : vector<16x512xi32>
    %or3A_133 = arith.ori %slice3A_128, %shift_left3A_132 : vector<16x512xi32>
    %bitcast_convert_type3A_134 = tpu.bitcast %or3A_133 : vector<16x512xi32> -> vector<16x512xi32>
    %swap3A_135 = arith.constant 5 : index
    %swap3A_136 = arith.constant 0 : index
    %swap3A_137 = arith.constant 0 : index
    %swap3A_138 = vector.load %arg3[%swap3A_135, %swap3A_136, %swap3A_137] : memref<6x16x1544xi32, #tpu.memory_space<vmem>>, vector<1x16x512xi32>
    %swap3A_139 = vector.shape_cast %swap3A_138 : vector<1x16x512xi32> to vector<16x512xi32>
    %swap3A_140 = vector.shape_cast %bitcast_convert_type3A_134 : vector<16x512xi32> to vector<1x16x512xi32>
    tpu.vector_store %arg3[%swap3A_135, %swap3A_136, %swap3A_137], %swap3A_140 {strides = array<i32>} : memref<6x16x1544xi32, #tpu.memory_space<vmem>>, vector<1x16x512xi32>,
    return
  }
}

module attributes {stable_mosaic.version = 14 : i64} {
  func.func @_asm_body(%arg0: i32, %arg1: memref<2x65x65xf32, #tpu.memory_space<vmem>>, %arg2: memref<32x1xf32, #tpu.memory_space<vmem>>, %arg3: memref<2x64x32x64xf32, #tpu.memory_space<vmem>>, %arg4: memref<2x65x32x65xf32, #tpu.memory_space<vmem>>) attributes {dimension_semantics = [#tpu.dimension_semantics<arbitrary>], iteration_bounds = array<i64: 8>, scalar_prefetch = 0 : i64, scratch_operands = 0 : i64, tpu.core_type = #tpu.core_type<tc>, window_params = [{transform_indices = @transform_0, window_bounds = array<i64: 2, 65, 65>}, {pipeline_mode = #tpu.pipeline_mode<synchronous>, transform_indices = @transform_1, window_bounds = array<i64: 32, 1>}, {transform_indices = @transform_2, window_bounds = array<i64: 2, 64, 32, 64>}, {transform_indices = @transform_3, window_bounds = array<i64: 2, 65, 32, 65>}]} {
    %get3A = arith.constant 0 : index
    %get3A_0 = arith.constant 0 : index
    %get3A_1 = arith.constant 0 : index
    %get3A_2 = arith.constant 0 : index
    %get3A_3 = vector.load %arg3[%get3A, %get3A_0, %get3A_1, %get3A_2] : memref<2x64x32x64xf32, #tpu.memory_space<vmem>>, vector<2x64x32x64xf32>
    %get3A_4 = arith.constant 0 : index
    %get3A_5 = arith.constant 0 : index
    %get3A_6 = vector.load %arg2[%get3A_4, %get3A_5] : memref<32x1xf32, #tpu.memory_space<vmem>>, vector<32x1xf32>
    %broadcast_in_dim3A = vector.shape_cast %get3A_6 : vector<32x1xf32> to vector<1x1x32x1xf32>
    %broadcast_in_dim3A_7 = vector.shape_cast %broadcast_in_dim3A : vector<1x1x32x1xf32> to vector<1x1x32x1xf32>
    %broadcast_in_dim3A_8 = vector.broadcast %broadcast_in_dim3A_7 : vector<1x1x32x1xf32> to vector<2x64x32x1xf32>
    %concatenate3A = tpu.concatenate %broadcast_in_dim3A_8, %get3A_3 in 3 : vector<2x64x32x1xf32>, vector<2x64x32x64xf32> -> vector<2x64x32x65xf32>
    %broadcast_in_dim3A_9 = vector.shape_cast %get3A_6 : vector<32x1xf32> to vector<1x1x32x1xf32>
    %broadcast_in_dim3A_10 = vector.shape_cast %broadcast_in_dim3A_9 : vector<1x1x32x1xf32> to vector<1x1x32x1xf32>
    %broadcast_in_dim3A_11 = vector.broadcast %broadcast_in_dim3A_10 : vector<1x1x32x1xf32> to vector<2x1x32x65xf32>
    %concatenate3A_12 = tpu.concatenate %broadcast_in_dim3A_11, %concatenate3A in 1 : vector<2x1x32x65xf32>, vector<2x64x32x65xf32> -> vector<2x65x32x65xf32>
    %get3A_13 = arith.constant 0 : index
    %get3A_14 = arith.constant 0 : index
    %get3A_15 = arith.constant 0 : index
    %get3A_16 = vector.load %arg1[%get3A_13, %get3A_14, %get3A_15] : memref<2x65x65xf32, #tpu.memory_space<vmem>>, vector<2x65x65xf32>
    %mul3A = arith.constant 2.000000e+00 : f32
    %mul3A_17 = vector.broadcast %mul3A : f32 to vector<2x65x65xf32>
    %mul3A_18 = arith.mulf %get3A_16, %mul3A_17 : vector<2x65x65xf32>
    %broadcast_in_dim3A_19 = vector.shape_cast %mul3A_18 : vector<2x65x65xf32> to vector<2x65x1x65xf32>
    %add3A = vector.broadcast %broadcast_in_dim3A_19 : vector<2x65x1x65xf32> to vector<2x65x32x65xf32>
    %add3A_20 = arith.addf %add3A, %concatenate3A_12 : vector<2x65x32x65xf32>
    %swap3A = arith.constant 0 : index
    %swap3A_21 = arith.constant 0 : index
    %swap3A_22 = arith.constant 0 : index
    %swap3A_23 = arith.constant 0 : index
    %swap3A_24 = vector.load %arg4[%swap3A, %swap3A_21, %swap3A_22, %swap3A_23] : memref<2x65x32x65xf32, #tpu.memory_space<vmem>>, vector<2x65x32x65xf32>
    tpu.vector_store %arg4[%swap3A, %swap3A_21, %swap3A_22, %swap3A_23], %add3A_20 {strides = array<i32>} : memref<2x65x32x65xf32, #tpu.memory_space<vmem>>, vector<2x65x32x65xf32>,
    return
  }
  func.func @transform_0(%arg0: i32) -> (i32, i32, i32) {
    %c0_i32 = arith.constant 0 : i32
    %c0_i32_0 = arith.constant 0 : i32
    %c0_i32_1 = arith.constant 0 : i32
    return %arg0, %c0_i32, %c0_i32_0 : i32, i32, i32
  }
  func.func @transform_1(%arg0: i32) -> (i32, i32) {
    %c0_i32 = arith.constant 0 : i32
    %c0_i32_0 = arith.constant 0 : i32
    %c0_i32_1 = arith.constant 0 : i32
    return %c0_i32, %c0_i32_0 : i32, i32
  }
  func.func @transform_2(%arg0: i32) -> (i32, i32, i32, i32) {
    %c0_i32 = arith.constant 0 : i32
    %c0_i32_0 = arith.constant 0 : i32
    %c0_i32_1 = arith.constant 0 : i32
    %c0_i32_2 = arith.constant 0 : i32
    return %arg0, %c0_i32, %c0_i32_0, %c0_i32_1 : i32, i32, i32, i32
  }
  func.func @transform_3(%arg0: i32) -> (i32, i32, i32, i32) {
    %c0_i32 = arith.constant 0 : i32
    %c0_i32_0 = arith.constant 0 : i32
    %c0_i32_1 = arith.constant 0 : i32
    %c0_i32_2 = arith.constant 0 : i32
    return %arg0, %c0_i32, %c0_i32_0, %c0_i32_1 : i32, i32, i32, i32
  }
}

</mosaic_0001>

<sc_bundles>
// kernel: kernel.5.cloned.1.call-start
scs
__scs_entry_jumppad:
0x0: {  	(pc) =	sbr.rel $0x88, $3  }
0x1: {  	(tag) =	ssettag $0x0;
	lr =	simm.s32 $0x1  }
0x2: {  	[smem:$0x3F9A] =	sst lr;
	_ =	strace $0xD0000000  }
0x3: {  	_ = 	snop  }
0x4: {  	_ = 	snop  }
0x5: {  	_ = 	snop  }
0x6: {  	_ = 	snop  }
0x7: {  	_ = 	snop  }
__scs_overlays_trampoline_lowered:
0x8: {  	[smem:$0x3FA9] =	sst s0  }
0x9: {  	[smem:$0x3FAA] =	sst s1  }
0xa: {  	[smem:$0x3FAB] =	sst s2  }
0xb: {  	[smem:$0x3FAC] =	sst s3  }
0xc: {  	[smem:$0x3FAD] =	sst s4  }
0xd: {  	[smem:$0x3FAE] =	sst s5  }
0xe: {  	[smem:$0x3FAF] =	sst s6  }
0xf: {  	[smem:$0x3FB0] =	sst s7  }
0x10: {  	[smem:$0x3FB1] =	sst s8  }
0x11: {  	[smem:$0x3FB2] =	sst s9;
	s0 =	simm.s32 @!p0 $0x0  }
0x12: {  	s1 =	sld [smem:$0x3F98];
	s0 =	simm.s32 @p0 $0x1  }
0x13: {  	[smem:$0x3FB3] =	sst s0;
	s0 =	simm.s32 @!p1 $0x0  }
0x14: {  	s2 =	sld [smem:$0x3F97];
	s0 =	simm.s32 @p1 $0x1  }
0x15: {  	[smem:$0x3FB4] =	sst s0;
	s0 =	simm.s32 @!p2 $0x0  }
0x16: {  	s3 =	sld [smem:$0x3FDB];
	s0 =	simm.s32 @p2 $0x1  }
0x17: {  	s4 =	simm.s32 $0x1BF5;
	[smem:$0x3FB6] =	sst s0  }
0x18: {  	s0 =	sld [smem:$0x3F99];
	_ =	swait.ge [sflag:s4], $0x0  }
0x19: {  	s7 =	sld [smem:$0x3F9A]  }
0x1a: {  	s8 =	sadd.s32 $0xFFFFE003, lr  }
0x1b: {  	s9 =	sadd.s32 $0xFFFFFEF7, lr;
	s5 =	simm.s32 $0xFFFFFFFF;
	p2 =	slt.u32 s8, $0xFFFFF086  }
0x1c: {  	p1 =	slt.u32 s9, $0xF7A;
	s5 =	simm.s32 @!p2 $0x0  }
0x1d: {  	s5 =	simm.s32 @p1 $0x1;
	p0 =	seq.s32 s7, s2  }
0x1e: {  	s7 =	smul.u32 @!p0 $0xF7A, s2;
	p2 =	seq.s32 @!p0 s5, $0x0  }
0x1f: {  	s9 =	smul.u32 $0xF7A, s1;
	s8 =	simm.s32 @!p0 $0x1BF5;
	p2 =	por !p2, p0  }
0x20: {  	[sflag:s8] =	ssyncset.s32 @!p0 $0xFFFFF086;
	s6 =	sadd.s32 @!p0 s3, s7;
	s7 =	simm.s32 @!p0 $0x108  }
0x21: {  	s3 =	sadd.s32 s3, s9;
	s6 =	sadd.s32 @!p0 $0x88, s6;
	s7 =	simm.s32 @p2 $0x1082  }
0x22: {  	[simem:s7], [sflag:s8] =	dma.local @!p0 [hbm:s6], $0xF7A  }
0x23: {  	s9 =	sor.u32 $0xD0000000, s2;
	s6 =	simm.s32 $0x108;
	_ =	swait.ge @!p0 [sflag:s8], $0x0  }
0x24: {  	s3 =	sadd.s32 $0x88, s3;
	s6 =	simm.s32 @!p1 $0x1082;
	[sflag:s4] =	ssyncset.s32 $0xFFFFF086  }
0x25: {  	[simem:s6], [sflag:s4] =	dma.local [hbm:s3], $0xF7A  }
0x26: {  	[smem:$0x3F9A] =	sst s1;
	(tag) =	ssettag s2;
	_ =	strace s9  }
0x27: {  	s1 =	sld [smem:$0x3FAA]  }
0x28: {  	s2 =	sld [smem:$0x3FAB]  }
0x29: {  	s4 =	sld [smem:$0x3FAD]  }
0x2a: {  	p0 =	seq.s32 s5, $0x0;
	s5 =	sld [smem:$0x3FAE]  }
0x2b: {  	s6 =	sld [smem:$0x3FAF]  }
0x2c: {  	s7 =	sld [smem:$0x3FB0]  }
0x2d: {  	s3 =	simm.s32 $0x108;
	s8 =	sld [smem:$0x3FB1]  }
0x2e: {  	s3 =	simm.s32 @!p0 $0x1082;
	s9 =	sld [smem:$0x3FB2]  }
0x2f: {  	lr =	sadd.s32 s0, s3;
	s0 =	sld [smem:$0x3FA9]  }
0x30: {  	s3 =	sld [smem:$0x3FAC]  }
0x31: {  	[smem:$0x3FB5] =	sst s10  }
0x32: {  	s10 =	sld [smem:$0x3FB3];
	_ =	sdelay $0x3  }
0x33: {  	p0 =	seq.s32 s10, $0x1;
	s10 =	sld [smem:$0x3FB5];
	_ =	sdelay $0x3  }
0x34: {  	[smem:$0x3FB5] =	sst s10  }
0x35: {  	s10 =	sld [smem:$0x3FB4];
	_ =	sdelay $0x3  }
0x36: {  	p1 =	seq.s32 s10, $0x1;
	s10 =	sld [smem:$0x3FB5];
	_ =	sdelay $0x3  }
0x37: {  	[smem:$0x3FB5] =	sst s10  }
0x38: {  	s10 =	sld [smem:$0x3FB6]  }
0x39: {  	_ = 	snop;
	(pc) =	sbr.ind lr, $3  }
0x3a: {  	_ = 	snop  }
0x3b: {  	_ = 	snop  }
0x3c: {  	p2 =	seq.s32 s10, $0x1;
	s10 =	sld [smem:$0x3FB5]  }
0x3d: {  	_ =	shalt  }
0x3e: {  	_ =	shalt  }
0x3f: {  	_ =	shalt  }
0x40: {  	_ =	shalt  }
0x41: {  	_ =	shalt  }
0x42: {  	_ =	shalt  }
0x43: {  	_ =	shalt  }
0x44: {  	_ =	shalt  }
0x45: {  	_ =	shalt  }
0x46: {  	_ =	shalt  }
0x47: {  	_ =	shalt  }
0x48: {  	_ =	shalt  }
0x49: {  	_ =	shalt  }
0x4a: {  	_ =	shalt  }
0x4b: {  	_ =	shalt  }
0x4c: {  	_ =	shalt  }
0x4d: {  	_ =	shalt  }
0x4e: {  	_ =	shalt  }
0x4f: {  	_ =	shalt  }
0x50: {  	_ =	shalt  }
0x51: {  	_ =	shalt  }
0x52: {  	_ =	shalt  }
0x53: {  	_ =	shalt  }
0x54: {  	_ =	shalt  }
0x55: {  	_ =	shalt  }
0x56: {  	_ =	shalt  }
0x57: {  	_ =	shalt  }
0x58: {  	_ =	shalt  }
0x59: {  	_ =	shalt  }
0x5a: {  	_ =	shalt  }
0x5b: {  	_ =	shalt  }
0x5c: {  	_ =	shalt  }
0x5d: {  	_ =	shalt  }
0x5e: {  	_ =	shalt  }
0x5f: {  	_ =	shalt  }
0x60: {  	_ =	shalt  }
0x61: {  	_ =	shalt  }
0x62: {  	_ =	shalt  }
0x63: {  	_ =	shalt  }
0x64: {  	_ =	shalt  }
0x65: {  	_ =	shalt  }
0x66: {  	_ =	shalt  }
0x67: {  	_ =	shalt  }
0x68: {  	_ =	shalt  }
0x69: {  	_ =	shalt  }
0x6a: {  	_ =	shalt  }
0x6b: {  	_ =	shalt  }
0x6c: {  	_ =	shalt  }
0x6d: {  	_ =	shalt  }
0x6e: {  	_ =	shalt  }
0x6f: {  	_ =	shalt  }
0x70: {  	_ =	shalt  }
0x71: {  	_ =	shalt  }
0x72: {  	_ =	shalt  }
0x73: {  	_ =	shalt  }
0x74: {  	_ =	shalt  }
0x75: {  	_ =	shalt  }
0x76: {  	_ =	shalt  }
0x77: {  	_ =	shalt  }
0x78: {  	_ =	shalt  }
0x79: {  	_ =	shalt  }
0x7a: {  	_ =	shalt  }
0x7b: {  	_ =	shalt  }
0x7c: {  	_ =	shalt  }
0x7d: {  	_ =	shalt  }
0x7e: {  	_ =	shalt  }
0x7f: {  	_ =	shalt  }
0x80: {  	_ =	shalt  }
0x81: {  	_ =	shalt  }
0x82: {  	_ =	shalt  }
0x83: {  	_ =	shalt  }
0x84: {  	_ =	shalt  }
0x85: {  	_ =	shalt  }
0x86: {  	_ =	shalt  }
0x87: {  	_ =	shalt  }
.Lfunc_end0:
.L_simem_size_0:
called_computation_lowered:
.L_overlay_start_0:
0x88: {  	s2 =	sld [smem:$0x3FD9]  }
0x89: {  	s3 =	sld [smem:$0x3FFE];
	_ =	sdelay $0x1  }
0x8a: {  	s1 =	srdreg.scid  }
0x8b: {  	s0 =	sand.u32 $0x1, s1  }
0x8c: {  	s17 =	sshll.u32 s0, $0xA;
	s2 =	sadd.s32 s3, s2  }
0x8d: {  	s2 =	sadd.s32 s2, s17  }
0x8e: {  	[smem:$0x3FC1] =	sst s2  }
0x8f: {  	_ = 	snop  }
0x90: {  	s2 =	sld [smem:$0x3FC8]  }
0x91: {  	s18 =	sld [smem:$0x3FC7]  }
0x92: {  	s4 =	sld [smem:$0x3FD0];
	(tm) =	ssettm $0x1  }
0x93: {  	s5 =	sld [smem:$0x3FFB];
	_ =	sdelay $0x3  }
0x94: {  	_ =	strace s5  }
0x95: {  	s5 =	sld [smem:$0x3FFC];
	_ =	sdelay $0x3  }
0x96: {  	_ =	strace s5  }
0x97: {  	s5 =	sld [smem:$0x3FFD];
	_ =	sdelay $0x3  }
0x98: {  	_ =	strace s5  }
0x99: {  	_ =	strace $0x8FFFFFFF  }
0x9a: {  	s19 =	sld [smem:$0x3FDB];
	_ =	sdelay $0x1  }
0x9b: {  	s6 =	simm.s32 $_scs_section_size  }
0x9c: {  	s7 =	simm.s32 $_size__tile_overlayer_lowered;
	s8 =	simm.s32 $_tile_overlayer_lowered  }
0x9d: {  	s22 =	simm.s32 $0x1BFF;
	s21 =	sshll.u32 s8, $0x1;
	s5 =	sadd.s32 s6, s19  }
0x9e: {  	s9 =	simm.s32 $0x0;
	s20 =	sshll.u32 s7, $0x1;
	s7 =	sadd.s32 s21, s5  }
0x9f: {  	[timem:s9], [sflag:s22] =	dma.local [hbm:s7], s20  }
0xa0: {  	_ =	swait.ge [sflag:s22], s20  }
0xa1: {  	s6 =	ssub.s32 $0x0, s20;
	[sflag:s22] =	ssyncset.done $0x0  }
0xa2: {  	[sflag:s22] =	ssyncadd.s32 s6;
	_ =	sdelay $0x1  }
0xa3: {  	s23 =	simm.s32 $0x1B8B  }
0xa4: {  	_ =	swait.ge [sflag:s23], $0x1  }
0xa5: {  	[sflag:s23] =	ssyncset.done $0x0  }
0xa6: {  	s25 =	simm.s32 $0x1B8E;
	s24 =	sld [smem:$0x3FFE];
	[sflag:s23] =	ssyncadd.s32 $0xFFFFFFFF  }
0xa7: {  	s26 =	simm.s32 $execute0_lowered;
	[smem:$0x3FD2] =	sst s25  }
0xa8: {  	s7 =	sshll.u32 s26, $0x1;
	_ =	strace $0x80000046;
	[dreg:$0x1] =	wrdreg $0xFFFFFFFF  }
0xa9: {  	s28 =	simm.s32 $_size_execute0_lowered;
	s5 =	sadd.s32 s5, s7;
	[dreg:$0x0] =	wrdreg $0x0  }
0xaa: {  	s7 =	sshll.u32 s28, $0x1;
	[dreg:$0x2] =	wrdreg s5  }
0xab: {  	[dreg:$0x3] =	wrdreg s7  }
0xac: {  	[dreg:$0x4] =	wrdreg $0xC0  }
0xad: {  	_ =	task [dreg:s9], $0x5FFFF  }
0xae: {  	[dreg:$0x1] =	wrdreg $0xFFFFFFFF  }
0xaf: {  	[dreg:$0x0] =	wrdreg $0x60  }
0xb0: {  	[dreg:$0x2] =	wrdreg s24  }
0xb1: {  	[dreg:$0x3] =	wrdreg s18  }
0xb2: {  	[dreg:$0x4] =	wrdreg s2  }
0xb3: {  	[dreg:$0x5] =	wrdreg s4  }
0xb4: {  	[dreg:$0x6] =	wrdreg $0x9  }
0xb5: {  	_ =	task.clear_ibuf [dreg:s9], $0x7FFFF;
	_ =	strace $0x90000046  }
0xb6: {  	s29 =	simm.s32 $0x9;
	_ =	strace $0x80000048  }
0xb7: {  	_ =	swait.ge [sflag:s29], $0x1  }
0xb8: {  	[sflag:s29] =	ssyncadd.s32 $0xFFFFFFFF  }
0xb9: {  	_ =	strace $0x90000048  }
0xba: {  	_ =	sfence  }
0xbb: {  	s30 =	sld [smem:$0x0];
	_ =	sdelay $0x2  }
0xbc: {  	s31 =	sshll.u32 s1, $0xD;
	s1 =	sshrl.u32 s1, $0x2  }
0xbd: {  	s3 =	sand.u32 $0x4000, s31;
	s1 =	sadd.s32 s1, s30  }
0xbe: {  	s0 =	sor.u32 s3, s0;
	s1 =	sshll.u32 s1, $0x11  }
0xbf: {  	s0 =	sor.u32 s1, s0  }
0xc0: {  	s0 =	sadd.s32 $0x8F2B, s0  }
0xc1: {  	[sflag:s0] =	ssyncadd.remote.s32 $0x1  }
0xc2: {  	_ =	sfence.sel $0xFFFF  }
0xc3: {  	[dreg:$0x0] =	wrdreg $0xFFFFFFFF;
	(pc) =	sbr.abs _section_cstart, $3  }
0xc4: {  	[dreg:$0x1] =	wrdreg $0xFFFFFFFF  }
0xc5: {  	_ =	task.clear_ibuf [dreg:s9], $0x2FFFF;
	_ =	strace $0x9FFFFFFF  }
0xc6: {  	(tm) =	ssettm $0x7FFFFFFF  }
0xc7: {  	_ =	shalt  }
tec
execute0_lowered:
.L_overlay_start_1:
0x0: {  	(tag) =	ssettag $0x1  }
0x1: {  	s0 =	rddreg [dreg:$0x0]  }
0x2: {  	s7 =	rddreg [dreg:$0x1]  }
0x3: {  	s8 =	rddreg [dreg:$0x2]  }
0x4: {  	s6 =	stileid.u32;
	s1 =	srdreg.scid;
	s5 =	simm.s32 $0x0  }
0x5: {  	s28 =	simm.s32 $0x1820;
	s29 =	simm.s32 $0x1E28;
	s30 =	simm.s32 $0x2430  }
0x6: {  	s31 =	simm.s32 $0x2A38;
	s14 =	simm.s32 $0x3C50;
	s15 =	simm.s32 $0x4258  }
0x7: {  	s9 =	simm.s32 $0x5A78;
	s10 =	simm.s32 $0x6080;
	s13 =	simm.s32 $0x6688  }
0x8: {  	s16 =	simm.s32 $0x6C90;
	s2 =	sshll.u32 s6, $0x1;
	s1 =	sand.u32 $0x1, s1  }
0x9: {  	[smem:$0x7FF] =	sst s5;
	s18 =	sshrl.u32 s6, $0x1;
	s19 =	sshll.u32 s6, $0xA  }
0xa: {  	s6 =	simm.s32 $0x5470;
	s2 =	sand.u32 $0x2, s2;
	s3 =	ssub.s32 $0x2, s1  }
0xb: {  	_ =	strace $0x80000047;
	s20 =	smul.u32 $0x7800, s18;
	s21 =	sshll.u32 s18, $0xD  }
0xc: {  	s22 =	sshll.u32 s18, $0xB;
	s25 =	sshll.u32 s18, $0x13;
	s18 =	simm.s32 $0x84B0  }
0xd: {  	s2 =	sor.u32 s1, s2;
	s4 =	sshrl.u32 s3, $0x1;
	[dreg:$0x6] =	wrdreg s21  }
0xe: {  	s1 =	sshll.u32 s1, $0x9;
	s24 =	sadd.s32 s8, s22;
	[dreg:$0xb] =	wrdreg s25  }
0xf: {  	s25 =	simm.s32 $0xC10;
	s22 =	simm.s32 $0x7298;
	s2 =	sshll.u32 s2, $0x4  }
0x10: {  	s17 =	ssub.s32 s3, s4;
	s23 =	sadd.s32 s7, s20;
	[dreg:$0x9] =	wrdreg s24  }
0x11: {  	s24 =	simm.s32 $0x608;
	s20 =	simm.s32 $0x4E68;
	s7 =	simm.s32 $0x0  }
0x12: {  	s0 =	sadd.s32 s2, s0;
	[dreg:$0x8] =	wrdreg s23;
	s26 =	smax.u32 s17, $0x1  }
0x13: {  	s23 =	simm.s32 $0x78A0;
	s17 =	simm.s32 $0x7EA8;
	s0 =	sadd.s32 $0x800, s0  }
0x14: {  	s2 =	simm.s32 $0x8AB8;
	[dreg:$0x5] =	wrdreg s0;
	s0 =	sand.u32 $0x400, s19  }
0x15: {  	[dreg:$0xc] =	wrdreg s26;
	s26 =	simm.s32 $0x1218;
	s0 =	sor.u32 s1, s0  }
0x16: {  	s19 =	simm.s32 $0x4860;
	[dreg:$0x7] =	wrdreg s0;
	s0 =	sor.u32 $0x800, s0  }
0x17: {  	s1 =	simm.s32 $0x3040;
	[dreg:$0xa] =	wrdreg s0;
	s0 =	simm.s32 $0x3648  }
.LBB2_1:
0x18: {  	[dreg:$0xd] =	wrdreg s7  }
0x19: {  	s3 =	rddreg [dreg:$0x5]  }
0x1a: {  	s4 =	simm.s32 $0x80;
	s12 =	simm.s32 $0x200;
	s21 =	simm.s32 $0x3  }
0x1b: {  	[tilespmem:s5], [sflag:$0x3] =	stream.strided.gather [hbm4b:s3+s4], $0x9100, s12, s4, $0x38;
	[tilespmem:$0x15100] =	vst v63  }
0x1c: {  	_ =	swait.ge [sflag:s21], $0x9100  }
0x1d: {  	s7 =	simm.s32 $0x400;
	s11 =	simm.s32 $0x2000;
	[sflag:s21] =	ssyncset.done $0x0  }
0x1e: {  	s8 =	simm.s32 $0x9100;
	s4 =	rddreg [dreg:$0x8];
	[sflag:s21] =	ssyncadd.s32 $0xFFFF6F00  }
0x1f: {  	[tilespmem:s8], [sflag:$0x1] =	stream.strided.gather [hbm4b:s4+s7], $0x3C00, s11, s7, $0x38;
	[tilespmem:$0x15100] =	vst v63  }
0x20: {  	s12 =	rddreg [dreg:$0x9];
	s21 =	simm.s32 $0x10900  }
0x21: {  	[tilespmem:s21], [sflag:$0x1] =	stream.linear.gather [hbm4b:s12+s5], $0x400, $0x38;
	[tilespmem:$0x15100] =	vst v63  }
0x22: {  	s12 =	simm.s32 $0x0  }
.LBB2_2:
0x23: {  	s4 =	sshll.u32 s12, $0xA;
	s3 =	rddreg [dreg:$0x6]  }
0x24: {  	[dreg:$0xf] =	wrdreg s4;
	s3 =	sor.u32 s3, s4  }
0x25: {  	s7 =	simm.s32 $0x1;
	[dreg:$0x12] =	wrdreg s3  }
0x26: {  	_ =	swait.ge [sflag:s7], $0x3C00  }
0x27: {  	s21 =	sshllo.u32 s12, $0x1;
	[sflag:s7] =	ssyncset.done $0x0  }
0x28: {  	s11 =	sshrl.u32 s3, $0xC;
	[dreg:$0xe] =	wrdreg s21;
	[sflag:s7] =	ssyncadd.s32 $0xFFFFC400  }
0x29: {  	s8 =	sshll.u32 s21, $0xA;
	s3 =	smul.u32 $0x1E000, s11;
	_ =	swait.ge [sflag:s7], $0x400  }
0x2a: {  	s8 =	sand.u32 $0x1C00, s8;
	[sflag:s7] =	ssyncset.done $0x0  }
0x2b: {  	s4 =	smov.u32 s12;
	s3 =	sor.u32 s8, s3;
	[sflag:s7] =	ssyncadd.s32 $0xFFFFFC00  }
0x2c: {  	s12 =	simm.s32 $0xCD00;
	s3 =	sshrl.u32 s3, $0x3;
	s7 =	rddreg [dreg:$0x1]  }
0x2d: {  	s21 =	simm.s32 $0x2000;
	s3 =	sadd.s32 s7, s3;
	s7 =	simm.s32 $0x400  }
0x2e: {  	[tilespmem:s12], [sflag:$0x1] =	stream.strided.gather [hbm4b:s3+s7], $0x3C00, s21, s7, $0x38;
	[tilespmem:$0x15100] =	vst v63  }
0x2f: {  	s7 =	sshll.u32 s11, $0xD  }
0x30: {  	s3 =	sor.u32 s8, s7  }
0x31: {  	p0 =	seq.s32 s4, $0x0;
	s21 =	rddreg [dreg:$0x2];
	s3 =	sshrl.u32 s3, $0x3  }
0x32: {  	s8 =	simm.s32 $0x10D00;
	s3 =	sadd.s32 s21, s3;
	s21 =	simm.s32 @!p0 $0x2  }
0x33: {  	[tilespmem:s8], [sflag:$0x1] =	stream.linear.gather [hbm4b:s3+s5], $0x400, $0x38;
	[tilespmem:$0x15100] =	vst v63  }
0x34: {  	_ =	swait.ge @!p0 [sflag:s21], $0x1000  }
0x35: {  	[sflag:s21] =	ssyncset.done @!p0 $0x0  }
0x36: {  	[sflag:s21] =	ssyncadd.s32 @!p0 $0xFFFFF000  }
0x37: {  	s7 =	simm.s32 $0x0;
	s8 =	simm.s32 $0x0;
	_ =	swait.ge @!p0 [sflag:s21], $0x1000  }
0x38: {  	s7 =	sand.u32 $0xFFFFFF80, s7;
	s3 =	sand.u32 $0x30, s8;
	[sflag:s21] =	ssyncset.done @!p0 $0x0  }
0x39: {  	s7 =	sor.u32 s3, s7;
	[sflag:s21] =	ssyncadd.s32 @!p0 $0xFFFFF000  }
0x3a: {  	v29 =	vld [tilespmem:s7+$0x9500]  }
0x3b: {  	v3 =	vld [tilespmem:s7+$0xC900]  }
0x3c: {  	v30 =	vld [tilespmem:s7+$0x9100]  }
0x3d: {  	v31 =	vld [tilespmem:s7+$0x9900]  }
0x3e: {  	v8 =	vld [tilespmem:s7+$0xBD00]  }
0x3f: {  	v20 =	vld [tilespmem:s7+$0xC500]  }
0x40: {  	v12 =	vld [tilespmem:s7+$0xAD00]  }
0x41: {  	v32 =	vld [tilespmem:s7+$0xA100]  }
0x42: {  	v6 =	vld [tilespmem:s7+$0xB500]  }
0x43: {  	v18 =	vld [tilespmem:s7+$0xA900]  }
0x44: {  	v21 =	vld [tilespmem:s7+$0xA500]  }
0x45: {  	v9 =	vld [tilespmem:s7+$0xB100]  }
0x46: {  	v33 =	vld [tilespmem:s7+$0x9D00]  }
0x47: {  	v19 =	vld [tilespmem:s7+$0xB900]  }
0x48: {  	v14 =	vld [tilespmem:s7+$0xC100]  }
0x49: {  	v0 =	vld.idx.msk [tilespmem:v20+s22+$0x0], $0xffff  }
0x4a: {  	v1 =	vld.idx.msk [tilespmem:v20+s16+$0x0], $0xffff  }
0x4b: {  	v4 =	vld.idx.msk [tilespmem:v20+s13+$0x0], $0xffff  }
0x4c: {  	v10 =	vld.idx.msk [tilespmem:v6+s20+$0x0], $0xffff  }
0x4d: {  	v5 =	vld.idx.msk [tilespmem:v6+s9+$0x0], $0xffff  }
0x4e: {  	v34 =	vld.idx.msk [tilespmem:v21+s28+$0x0], $0xffff  }
0x4f: {  	v7 =	vld.idx.msk [tilespmem:v9+s15+$0x0], $0xffff  }
0x50: {  	v24 =	vld.idx.msk [tilespmem:v33+s30+$0x0], $0xffff  }
0x51: {  	v17 =	vld.idx.msk [tilespmem:v33+s31+$0x0], $0xffff  }
0x52: {  	v2 =	vld.idx.msk [tilespmem:v3+s22+$0x0], $0xffff  }
0x53: {  	v23 =	vld.idx.msk [tilespmem:v32+s30+$0x0], $0xffff  }
0x54: {  	v37 =	vld.idx.msk [tilespmem:v30+s25+$0x0], $0xffff  }
0x55: {  	v16 =	vld.idx.msk [tilespmem:v32+s31+$0x0], $0xffff  }
0x56: {  	v38 =	vld.idx.msk [tilespmem:v29+s25+$0x0], $0xffff  }
0x57: {  	v40 =	vld.idx.msk [tilespmem:v6+s19+$0x0], $0xffff  }
0x58: {  	v27 =	vld.idx.msk [tilespmem:v30+s5+$0x0], $0xffff  }
0x59: {  	v35 =	vld.idx.msk [tilespmem:v31+s5+$0x0], $0xffff  }
0x5a: {  	v22 =	vld.idx.msk [tilespmem:v18+s14+$0x0], $0xffff  }
0x5b: {  	v25 =	vld.idx.msk [tilespmem:v9+s0+$0x0], $0xffff  }
0x5c: {  	v36 =	vld.idx.msk [tilespmem:v9+s1+$0x0], $0xffff  }
0x5d: {  	v39 =	vld.idx.msk [tilespmem:v12+s1+$0x0], $0xffff  }
0x5e: {  	v15 =	vld.idx.msk [tilespmem:v9+s14+$0x0], $0xffff  }
0x5f: {  	v13 =	vld.idx.msk [tilespmem:v6+s6+$0x0], $0xffff  }
0x60: {  	v6 =	vld.idx.msk [tilespmem:v29+s5+$0x0], $0xffff  }
0x61: {  	v41 =	vld.idx.msk [tilespmem:v33+s28+$0x0], $0xffff  }
0x62: {  	v28 =	vld.idx.msk [tilespmem:v19+s19+$0x0], $0xffff  }
0x63: {  	v11 =	vld.idx.msk [tilespmem:v8+s6+$0x0], $0xffff  }
0x64: {  	v9 =	vld.idx.msk [tilespmem:v8+s9+$0x0], $0xffff  }
0x65: {  	v26 =	vld.idx.msk [tilespmem:v21+s31+$0x0], $0xffff  }
0x66: {  	v43 =	vld.idx.msk [tilespmem:v32+s28+$0x0], $0xffff;
	v42 =	vadd.bf16 v6, v27  }
0x67: {  	v58 =	vld.idx.msk [tilespmem:v30+s24+$0x0], $0xffff  }
0x68: {  	v6 =	vld [tilespmem:s7+$0x10900];
	v35 =	vadd.bf16 v35, v42  }
0x69: {  	v59 =	vld.idx.msk [tilespmem:v18+s1+$0x0], $0xffff  }
0x6a: {  	v44 =	vld.idx.msk [tilespmem:v29+s24+$0x0], $0xffff;
	v35 =	vadd.bf16 v41, v35  }
0x6b: {  	v33 =	vld.idx.msk [tilespmem:v33+s29+$0x0], $0xffff  }
0x6c: {  	v60 =	vld.idx.msk [tilespmem:v31+s24+$0x0], $0xffff;
	v35 =	vadd.bf16 v43, v35  }
0x6d: {  	v46 =	vld.idx.msk [tilespmem:v29+s26+$0x0], $0xffff;
	v29 =	vadd.s32 $0xFFFFFFFF, v6  }
0x6e: {  	v45 =	vld.idx.msk [tilespmem:v30+s26+$0x0], $0xffff;
	vm0 =	vgt.s32 v29, $0x1;
	v30 =	vadd.bf16 v34, v35  }
0x6f: {  	v27 =	vld.idx.msk [tilespmem:v14+s10+$0x0], $0xffff;
	v29 =	vnsel vm0, $0x1, v29  }
0x70: {  	s21 =	rddreg [dreg:$0x12];
	s7 =	sand.u32 $0x3, s4;
	v34 =	vld.idx.msk [tilespmem:v32+s29+$0x0], $0xffff;
	v29 =	vmin.u32 v29, $0x5;
	v35 =	vadd.bf16 v59, v30  }
0x71: {  	p6 =	seq.s32 s21, $0x0;
	p1 =	sne.s32 s7, $0x0;
	v62 =	vcvt.s32.f32 v29;
	v29 =	vadd.bf16 v38, v37;
	v37 =	vld.idx.msk [tilespmem:v18+s0+$0x0], $0xffff  }
0x72: {  	v61 =	vadd.bf16 v44, v58;
	p0 =	por !p1, !p6;
	v30 =	vld.idx.msk [tilespmem:v31+s26+$0x0], $0xffff;
	v39 =	vadd.bf16 v39, v35  }
0x73: {  	s7 =	simm.s32 $0x1;
	p0 =	por !p0, !p0;
	v31 =	vld.idx.msk [tilespmem:v31+s25+$0x0], $0xffff  }
0x74: {  	v42 =	vadd.bf16 v60, v61;
	s7 =	simm.s32 @!p0 $0x0;
	(erf) = vrcp.f32 v62;
	v35 =	vld.idx.msk [tilespmem:v21+s29+$0x0], $0xffff;
	v63 =	vadd.bf16 v36, v39  }
0x75: {  	s12 =	smov.u32 s4;
	s21 =	ssub.s32 s11, s7;
	v32 =	vadd.bf16 v46, v45;
	v36 =	vld.idx.msk [tilespmem:v8+s19+$0x0], $0xffff  }
0x76: {  	s4 =	simm.s32 $0x0;
	s11 =	simm.s32 $0x1;
	[dreg:$0x11] =	wrdreg s21;
	v39 =	vadd.bf16 v33, v42;
	v33 =	vld.idx.msk [tilespmem:v12+s0+$0x0], $0xffff;
	v38 =	vadd.bf16 v40, v63  }
.LBB2_3:
0x77: {  	p0 =	sne.s32 s11, $0x1F  }
0x78: {  	v30 =	vadd.bf16 v30, v32;
	v32 =	vadd.bf16 v34, v39;
	v20 =	vld.idx.msk [tilespmem:v20+s10+$0x0], $0xffff;
	s8 =	sadd.s32 $0x10, s8;
	s7 =	smov.u32 s11;
	s11 =	sadd.s32 $0x1, s11  }
0x79: {  	v29 =	vadd.bf16 v31, v29;
	v21 =	vld.idx.msk [tilespmem:v21+s30+$0x0], $0xffff;
	v28 =	vadd.bf16 v28, v38  }
0x7a: {  	v17 =	vadd.bf16 v17, v30;
	v30 =	vadd.bf16 v35, v32;
	v18 =	vld.idx.msk [tilespmem:v18+s15+$0x0], $0xffff  }
0x7b: {  	v24 =	vadd.bf16 v24, v29;
	v28 =	vadd.bf16 v36, v28;
	v29 =	vld.idx.msk [tilespmem:v3+s10+$0x0], $0xffff  }
0x7c: {  	v16 =	vadd.bf16 v16, v17;
	v17 =	vadd.bf16 v37, v30;
	v30 =	vld.idx.msk [tilespmem:v12+s15+$0x0], $0xffff  }
0x7d: {  	v23 =	vadd.bf16 v23, v24;
	v12 =	vld.idx.msk [tilespmem:v12+s14+$0x0], $0xffff;
	v24 =	vadd.bf16 v27, v28;
	v27 =	vpop (erf)  }
0x7e: {  	v27 =	vmul.f32 $3.333333430e-01, v27;
	v16 =	vadd.bf16 v26, v16;
	v17 =	vadd.bf16 v33, v17;
	v26 =	vld.idx.msk [tilespmem:v19+s20+$0x0], $0xffff  }
0x7f: {  	v21 =	vadd.bf16 v21, v23;
	v20 =	vadd.bf16 v20, v24;
	v23 =	vld.idx.msk [tilespmem:v6+s23+$0x0], $0xffff  }
0x80: {  	v16 =	vadd.bf16 v18, v16;
	v17 =	vadd.bf16 v25, v17;
	v8 =	vld.idx.msk [tilespmem:v8+s20+$0x0], $0xffff  }
0x81: {  	v18 =	vadd.bf16 v22, v21;
	v21 =	vld.idx.msk [tilespmem:v19+s9+$0x0], $0xffff;
	v20 =	vadd.bf16 v29, v20  }
0x82: {  	v22 =	vpack.i.f32.bf16 v27, v27;
	v16 =	vadd.bf16 v30, v16;
	v10 =	vadd.bf16 v10, v17;
	v17 =	vld.idx.msk [tilespmem:v14+s13+$0x0], $0xffff  }
0x83: {  	v12 =	vadd.bf16 v12, v18;
	v18 =	vld.idx.msk [tilespmem:v19+s6+$0x0], $0xffff;
	v19 =	vmul.bf16 v20, v22  }
0x84: {  	v7 =	vadd.bf16 v7, v16;
	v10 =	vadd.bf16 v26, v10;
	v16 =	vld.idx.msk [tilespmem:v3+s16+$0x0], $0xffff  }
0x85: {  	s21 =	sshll.u32 s4, $0x8;
	s4 =	smov.u32 s7;
	v12 =	vadd.bf16 v15, v12;
	v3 =	vld.idx.msk [tilespmem:v3+s13+$0x0], $0xffff;
	v15 =	vadd.bf16 v23, v19  }
0x86: {  	s7 =	sand.u32 $0x3FFFFC00, s21;
	v5 =	vadd.bf16 v5, v7;
	v7 =	vadd.bf16 v8, v10;
	v8 =	vld.idx.msk [tilespmem:v14+s22+$0x0], $0xffff  }
0x87: {  	s3 =	sor.u32 s3, s7;
	v10 =	vadd.bf16 v13, v12;
	v12 =	vld.idx.msk [tilespmem:v14+s16+$0x0], $0xffff;
	v13 =	vunpack.i.u.bf16.f32 v15;
	v14 =	vunpack.i.l.bf16.f32 v15  }
0x88: {  	v5 =	vadd.bf16 v21, v5;
	v7 =	vadd.bf16 v17, v7;
	[tilespmem:s3+$0x11100] =	vst v14  }
0x89: {  	v10 =	vadd.bf16 v18, v10;
	[tilespmem:s3+$0x11300] =	vst v13  }
0x8a: {  	v5 =	vadd.bf16 v9, v5;
	v4 =	vadd.bf16 v4, v7;
	v7 =	vld.idx.msk [tilespmem:v6+s17+$0x0], $0xffff  }
0x8b: {  	v9 =	vadd.bf16 v11, v10  }
0x8c: {  	v5 =	vadd.bf16 v8, v5;
	v3 =	vadd.bf16 v3, v4  }
0x8d: {  	v4 =	vadd.bf16 v12, v9  }
0x8e: {  	v0 =	vadd.bf16 v0, v5;
	v3 =	vmul.bf16 v3, v22  }
0x8f: {  	v1 =	vadd.bf16 v1, v4  }
0x90: {  	v0 =	vadd.bf16 v2, v0;
	v2 =	vadd.bf16 v7, v3  }
0x91: {  	v1 =	vadd.bf16 v16, v1  }
0x92: {  	s7 =	sadd.s32 $0x11100, s3;
	v3 =	vunpack.i.u.bf16.f32 v2;
	v2 =	vunpack.i.l.bf16.f32 v2;
	v0 =	vmul.bf16 v0, v22  }
0x93: {  	v1 =	vmul.bf16 v1, v22;
	[tilespmem:s7+$0x80] =	vst v2  }
0x94: {  	[tilespmem:s7+$0x280] =	vst v3  }
0x95: {  	v2 =	vld.idx.msk [tilespmem:v6+s18+$0x0], $0xffff;
	_ =	sdelay $0x2  }
0x96: {  	s21 =	sshll.u32 s4, $0x5  }
0x97: {  	s21 =	sand.u32 $0xFFFFFF80, s21;
	s3 =	sand.u32 $0x30, s8  }
0x98: {  	s21 =	sor.u32 s3, s21  }
0x99: {  	v1 =	vadd.bf16 v2, v1;
	_ =	sdelay $0x1  }
0x9a: {  	v2 =	vunpack.i.u.bf16.f32 v1;
	v1 =	vunpack.i.l.bf16.f32 v1  }
0x9b: {  	[tilespmem:s7+$0x100] =	vst v1  }
0x9c: {  	[tilespmem:s7+$0x300] =	vst v2  }
0x9d: {  	v1 =	vld.idx.msk [tilespmem:v6+s2+$0x0], $0xffff;
	_ =	sdelay $0x5  }
0x9e: {  	v0 =	vadd.bf16 v1, v0;
	_ =	sdelay $0x1  }
0x9f: {  	v1 =	vunpack.i.u.bf16.f32 v0;
	v0 =	vunpack.i.l.bf16.f32 v0  }
0xa0: {  	[tilespmem:s7+$0x180] =	vst v0  }
0xa1: {  	[tilespmem:s7+$0x380] =	vst v1  }
0xa2: {  	v30 =	vld [tilespmem:s21+$0x9500]  }
0xa3: {  	v3 =	vld [tilespmem:s21+$0xC900]  }
0xa4: {  	v31 =	vld [tilespmem:s21+$0x9100]  }
0xa5: {  	v32 =	vld [tilespmem:s21+$0x9900]  }
0xa6: {  	v8 =	vld [tilespmem:s21+$0xBD00]  }
0xa7: {  	v20 =	vld [tilespmem:s21+$0xC500]  }
0xa8: {  	v12 =	vld [tilespmem:s21+$0xAD00]  }
0xa9: {  	v33 =	vld [tilespmem:s21+$0xA100]  }
0xaa: {  	v6 =	vld [tilespmem:s21+$0xB500]  }
0xab: {  	v18 =	vld [tilespmem:s21+$0xA900]  }
0xac: {  	v21 =	vld [tilespmem:s21+$0xA500]  }
0xad: {  	v9 =	vld [tilespmem:s21+$0xB100]  }
0xae: {  	v34 =	vld [tilespmem:s21+$0x9D00]  }
0xaf: {  	v0 =	vld.idx.msk [tilespmem:v20+s22+$0x0], $0xffff  }
0xb0: {  	v1 =	vld.idx.msk [tilespmem:v20+s16+$0x0], $0xffff  }
0xb1: {  	v4 =	vld.idx.msk [tilespmem:v20+s13+$0x0], $0xffff  }
0xb2: {  	v10 =	vld.idx.msk [tilespmem:v6+s20+$0x0], $0xffff  }
0xb3: {  	v5 =	vld.idx.msk [tilespmem:v6+s9+$0x0], $0xffff  }
0xb4: {  	v35 =	vld.idx.msk [tilespmem:v21+s28+$0x0], $0xffff  }
0xb5: {  	v7 =	vld.idx.msk [tilespmem:v9+s15+$0x0], $0xffff  }
0xb6: {  	v24 =	vld.idx.msk [tilespmem:v34+s30+$0x0], $0xffff  }
0xb7: {  	v17 =	vld.idx.msk [tilespmem:v34+s31+$0x0], $0xffff  }
0xb8: {  	v2 =	vld.idx.msk [tilespmem:v3+s22+$0x0], $0xffff  }
0xb9: {  	v23 =	vld.idx.msk [tilespmem:v33+s30+$0x0], $0xffff  }
0xba: {  	v11 =	vld.idx.msk [tilespmem:v31+s25+$0x0], $0xffff  }
0xbb: {  	v16 =	vld.idx.msk [tilespmem:v33+s31+$0x0], $0xffff  }
0xbc: {  	v13 =	vld.idx.msk [tilespmem:v30+s25+$0x0], $0xffff  }
0xbd: {  	v38 =	vld.idx.msk [tilespmem:v6+s19+$0x0], $0xffff  }
0xbe: {  	v27 =	vld.idx.msk [tilespmem:v31+s5+$0x0], $0xffff  }
0xbf: {  	v36 =	vld.idx.msk [tilespmem:v32+s5+$0x0], $0xffff  }
0xc0: {  	v19 =	vld [tilespmem:s21+$0xB900]  }
0xc1: {  	v22 =	vld.idx.msk [tilespmem:v18+s14+$0x0], $0xffff  }
0xc2: {  	v29 =	vadd.bf16 v13, v11;
	v25 =	vld.idx.msk [tilespmem:v9+s0+$0x0], $0xffff  }
0xc3: {  	v37 =	vld.idx.msk [tilespmem:v9+s1+$0x0], $0xffff  }
0xc4: {  	v39 =	vld.idx.msk [tilespmem:v12+s1+$0x0], $0xffff  }
0xc5: {  	v15 =	vld.idx.msk [tilespmem:v9+s14+$0x0], $0xffff  }
0xc6: {  	v14 =	vld [tilespmem:s21+$0xC100]  }
0xc7: {  	v13 =	vld.idx.msk [tilespmem:v6+s6+$0x0], $0xffff  }
0xc8: {  	v6 =	vld.idx.msk [tilespmem:v30+s5+$0x0], $0xffff  }
0xc9: {  	v40 =	vld.idx.msk [tilespmem:v34+s28+$0x0], $0xffff  }
0xca: {  	v28 =	vld.idx.msk [tilespmem:v19+s19+$0x0], $0xffff  }
0xcb: {  	v11 =	vld.idx.msk [tilespmem:v8+s6+$0x0], $0xffff  }
0xcc: {  	v9 =	vld.idx.msk [tilespmem:v8+s9+$0x0], $0xffff  }
0xcd: {  	v26 =	vld.idx.msk [tilespmem:v21+s31+$0x0], $0xffff  }
0xce: {  	v41 =	vadd.bf16 v6, v27;
	v42 =	vld.idx.msk [tilespmem:v33+s28+$0x0], $0xffff  }
0xcf: {  	v27 =	vld.idx.msk [tilespmem:v14+s10+$0x0], $0xffff  }
0xd0: {  	v36 =	vadd.bf16 v36, v41;
	v6 =	vld [tilespmem:s21+$0x10900]  }
0xd1: {  	v41 =	vld.idx.msk [tilespmem:v31+s24+$0x0], $0xffff  }
0xd2: {  	v36 =	vadd.bf16 v40, v36;
	v40 =	vld.idx.msk [tilespmem:v18+s1+$0x0], $0xffff  }
0xd3: {  	v43 =	vld.idx.msk [tilespmem:v30+s24+$0x0], $0xffff  }
0xd4: {  	v44 =	vld.idx.msk [tilespmem:v34+s29+$0x0], $0xffff;
	v34 =	vadd.bf16 v42, v36  }
0xd5: {  	v36 =	vadd.s32 $0xFFFFFFFF, v6;
	v42 =	vld.idx.msk [tilespmem:v32+s24+$0x0], $0xffff  }
0xd6: {  	vm0 =	vgt.s32 v36, $0x1;
	v45 =	vld.idx.msk [tilespmem:v31+s26+$0x0], $0xffff;
	v31 =	vadd.bf16 v35, v34  }
0xd7: {  	v34 =	vnsel vm0, $0x1, v36;
	v46 =	vld.idx.msk [tilespmem:v30+s26+$0x0], $0xffff  }
0xd8: {  	v34 =	vmin.u32 v34, $0x5;
	v30 =	vld.idx.msk [tilespmem:v32+s26+$0x0], $0xffff;
	v35 =	vadd.bf16 v40, v31  }
0xd9: {  	v40 =	vadd.bf16 v43, v41;
	v36 =	vcvt.s32.f32 v34;
	v34 =	vld.idx.msk [tilespmem:v33+s29+$0x0], $0xffff  }
.Ltmp0:
0xda: {  	v31 =	vld.idx.msk [tilespmem:v32+s25+$0x0], $0xffff;
	v32 =	vadd.bf16 v39, v35;
	(pc) =	sbr.rel @p0 .LBB2_3-.Ltmp0, $4  }
0xdb: {  	v33 =	vadd.bf16 v42, v40;
	v35 =	vld.idx.msk [tilespmem:v21+s29+$0x0], $0xffff;
	(erf) = vrcp.f32 v36  }
0xdc: {  	v40 =	vadd.bf16 v37, v32;
	v36 =	vld.idx.msk [tilespmem:v8+s19+$0x0], $0xffff  }
0xdd: {  	v32 =	vadd.bf16 v46, v45;
	v39 =	vadd.bf16 v44, v33;
	v37 =	vld.idx.msk [tilespmem:v18+s0+$0x0], $0xffff  }
0xde: {  	v33 =	vld.idx.msk [tilespmem:v12+s0+$0x0], $0xffff;
	v38 =	vadd.bf16 v38, v40  }
0xdf: {  	_ =	sdelay $0x1  }
0xe0: {  	v34 =	vadd.bf16 v34, v39;
	_ =	sdelay $0x1  }
0xe1: {  	v20 =	vld.idx.msk [tilespmem:v20+s10+$0x0], $0xffff;
	v28 =	vadd.bf16 v28, v38;
	v34 =	vadd.bf16 v35, v34  }
0xe2: {  	v21 =	vld.idx.msk [tilespmem:v21+s30+$0x0], $0xffff  }
0xe3: {  	v18 =	vld.idx.msk [tilespmem:v18+s15+$0x0], $0xffff;
	v28 =	vadd.bf16 v36, v28;
	v34 =	vadd.bf16 v37, v34  }
0xe4: {  	v54 =	vld.idx.msk [tilespmem:v3+s10+$0x0], $0xffff;
	v29 =	vadd.bf16 v31, v29  }
0xe5: {  	v31 =	vld.idx.msk [tilespmem:v12+s15+$0x0], $0xffff;
	v27 =	vadd.bf16 v27, v28;
	v28 =	vadd.bf16 v33, v34  }
0xe6: {  	v24 =	vadd.bf16 v24, v29;
	v29 =	vld.idx.msk [tilespmem:v19+s20+$0x0], $0xffff  }
0xe7: {  	v8 =	vld.idx.msk [tilespmem:v8+s20+$0x0], $0xffff;
	v55 =	vpop (erf);
	v20 =	vadd.bf16 v20, v27;
	v25 =	vadd.bf16 v25, v28  }
0xe8: {  	v23 =	vadd.bf16 v23, v24;
	v24 =	vmul.f32 $3.333333430e-01, v55;
	v27 =	vld.idx.msk [tilespmem:v6+s23+$0x0], $0xffff  }
0xe9: {  	v12 =	vld.idx.msk [tilespmem:v12+s14+$0x0], $0xffff;
	v20 =	vadd.bf16 v54, v20;
	v10 =	vadd.bf16 v10, v25  }
0xea: {  	v21 =	vadd.bf16 v21, v23;
	v23 =	vpack.i.f32.bf16 v24, v24;
	v24 =	vld.idx.msk [tilespmem:v14+s13+$0x0], $0xffff  }
0xeb: {  	v28 =	vld.idx.msk [tilespmem:v19+s9+$0x0], $0xffff;
	v20 =	vmul.bf16 v20, v23;
	v10 =	vadd.bf16 v29, v10  }
0xec: {  	v19 =	vld.idx.msk [tilespmem:v19+s6+$0x0], $0xffff;
	v21 =	vadd.bf16 v22, v21  }
0xed: {  	s4 =	sshll.u32 s4, $0x8;
	v22 =	vld.idx.msk [tilespmem:v3+s16+$0x0], $0xffff;
	v20 =	vadd.bf16 v27, v20;
	v8 =	vadd.bf16 v8, v10  }
0xee: {  	s4 =	sand.u32 $0x3FFFFC00, s4;
	v3 =	vld.idx.msk [tilespmem:v3+s13+$0x0], $0xffff;
	v10 =	vadd.bf16 v30, v32  }
0xef: {  	s3 =	sor.u32 s3, s4;
	v25 =	vld.idx.msk [tilespmem:v14+s22+$0x0], $0xffff;
	v12 =	vadd.bf16 v12, v21;
	v21 =	vunpack.i.l.bf16.f32 v20;
	v8 =	vadd.bf16 v24, v8  }
0xf0: {  	v14 =	vld.idx.msk [tilespmem:v14+s16+$0x0], $0xffff;
	v10 =	vadd.bf16 v17, v10;
	v17 =	vunpack.i.u.bf16.f32 v20;
	[tilespmem:s3+$0x11100] =	vst v21  }
0xf1: {  	v12 =	vadd.bf16 v15, v12;
	[tilespmem:s3+$0x11300] =	vst v17;
	v4 =	vadd.bf16 v4, v8  }
0xf2: {  	v8 =	vadd.bf16 v16, v10;
	v10 =	vld.idx.msk [tilespmem:v6+s17+$0x0], $0xffff  }
0xf3: {  	v12 =	vadd.bf16 v13, v12;
	v3 =	vadd.bf16 v3, v4  }
0xf4: {  	v4 =	vadd.bf16 v26, v8  }
0xf5: {  	v8 =	vadd.bf16 v19, v12;
	v3 =	vmul.bf16 v3, v23  }
0xf6: {  	v4 =	vadd.bf16 v18, v4  }
0xf7: {  	v8 =	vadd.bf16 v11, v8;
	v3 =	vadd.bf16 v10, v3;
	_ =	sdelay $0x1  }
0xf8: {  	s3 =	sadd.s32 $0x11100, s3;
	v4 =	vadd.bf16 v31, v4;
	v8 =	vadd.bf16 v14, v8;
	v10 =	vunpack.i.l.bf16.f32 v3  }
0xf9: {  	v3 =	vunpack.i.u.bf16.f32 v3;
	[tilespmem:s3+$0x80] =	vst v10  }
0xfa: {  	v4 =	vadd.bf16 v7, v4;
	v1 =	vadd.bf16 v1, v8;
	[tilespmem:s3+$0x280] =	vst v3  }
0xfb: {  	v3 =	vld.idx.msk [tilespmem:v6+s18+$0x0], $0xffff  }
0xfc: {  	v4 =	vadd.bf16 v5, v4;
	v1 =	vadd.bf16 v22, v1;
	_ =	sdelay $0x1  }
0xfd: {  	v4 =	vadd.bf16 v28, v4;
	v1 =	vmul.bf16 v1, v23;
	_ =	sdelay $0x1  }
0xfe: {  	v4 =	vadd.bf16 v9, v4;
	v1 =	vadd.bf16 v3, v1;
	_ =	sdelay $0x1  }
0xff: {  	v3 =	vadd.bf16 v25, v4;
	v4 =	vunpack.i.l.bf16.f32 v1  }
0x100: {  	v1 =	vunpack.i.u.bf16.f32 v1;
	[tilespmem:s3+$0x100] =	vst v4  }
0x101: {  	v0 =	vadd.bf16 v0, v3;
	[tilespmem:s3+$0x300] =	vst v1  }
0x102: {  	v1 =	vld.idx.msk [tilespmem:v6+s2+$0x0], $0xffff  }
0x103: {  	v0 =	vadd.bf16 v2, v0;
	_ =	sdelay $0x1  }
0x104: {  	v0 =	vmul.bf16 v0, v23  }
0x105: {  	s7 =	sshll.u32 s12, $0x10;
	s21 =	rddreg [dreg:$0x11]  }
0x106: {  	[dreg:$0x10] =	wrdreg s7;
	s7 =	sand.u32 $0x30000, s7;
	s4 =	sshll.u32 s21, $0x12;
	v0 =	vadd.bf16 v1, v0  }
0x107: {  	s8 =	rddreg [dreg:$0x7];
	s4 =	sor.u32 s7, s4  }
0x108: {  	s7 =	sor.u32 s4, s8;
	v1 =	vunpack.i.l.bf16.f32 v0  }
0x109: {  	s8 =	rddreg [dreg:$0x3];
	s7 =	sshrl.u32 s7, $0x3;
	v0 =	vunpack.i.u.bf16.f32 v0;
	[tilespmem:s3+$0x180] =	vst v1  }
0x10a: {  	s11 =	simm.s32 $0x11100;
	[tilespmem:s3+$0x380] =	vst v0;
	s3 =	sadd.s32 s8, s7  }
0x10b: {  	[hbm4b:s3+s5] =	stream.linear.scatter [tilespmem:s11], [sflag:$0x2], $0x200, $0x38;
	[tilespmem:$0x15100] =	vst v63  }
0x10c: {  	s21 =	sadd.s32 $0x200, s3;
	s11 =	simm.s32 $0x11500  }
0x10d: {  	[hbm4b:s21+s5] =	stream.linear.scatter [tilespmem:s11], [sflag:$0x2], $0x200, $0x38;
	[tilespmem:$0x15100] =	vst v63  }
0x10e: {  	s11 =	sadd.s32 $0x400, s3;
	s21 =	simm.s32 $0x11900  }
0x10f: {  	[hbm4b:s11+s5] =	stream.linear.scatter [tilespmem:s21], [sflag:$0x2], $0x200, $0x38;
	[tilespmem:$0x15100] =	vst v63  }
0x110: {  	s11 =	sadd.s32 $0x600, s3;
	s21 =	simm.s32 $0x11D00  }
0x111: {  	[hbm4b:s11+s5] =	stream.linear.scatter [tilespmem:s21], [sflag:$0x2], $0x200, $0x38;
	[tilespmem:$0x15100] =	vst v63  }
0x112: {  	s11 =	sadd.s32 $0x800, s3;
	s21 =	simm.s32 $0x12100  }
0x113: {  	[hbm4b:s11+s5] =	stream.linear.scatter [tilespmem:s21], [sflag:$0x2], $0x200, $0x38;
	[tilespmem:$0x15100] =	vst v63  }
0x114: {  	s11 =	sadd.s32 $0xA00, s3;
	s21 =	simm.s32 $0x12500  }
0x115: {  	[hbm4b:s11+s5] =	stream.linear.scatter [tilespmem:s21], [sflag:$0x2], $0x200, $0x38;
	[tilespmem:$0x15100] =	vst v63  }
0x116: {  	s11 =	sadd.s32 $0xC00, s3;
	s21 =	simm.s32 $0x12900  }
0x117: {  	[hbm4b:s11+s5] =	stream.linear.scatter [tilespmem:s21], [sflag:$0x2], $0x200, $0x38;
	[tilespmem:$0x15100] =	vst v63  }
0x118: {  	s3 =	sadd.s32 $0xE00, s3;
	s21 =	simm.s32 $0x12D00;
	s11 =	rddreg [dreg:$0xa]  }
0x119: {  	[hbm4b:s3+s5] =	stream.linear.scatter [tilespmem:s21], [sflag:$0x2], $0x200, $0x38;
	[tilespmem:$0x15100] =	vst v63  }
0x11a: {  	s3 =	sor.u32 s4, s11  }
0x11b: {  	s3 =	sshrl.u32 s3, $0x3  }
0x11c: {  	s21 =	simm.s32 $0x11300;
	s3 =	sadd.s32 s8, s3  }
0x11d: {  	[hbm4b:s3+s5] =	stream.linear.scatter [tilespmem:s21], [sflag:$0x2], $0x200, $0x38;
	[tilespmem:$0x15100] =	vst v63  }
0x11e: {  	s8 =	simm.s32 $0x11700;
	s7 =	sadd.s32 $0x200, s3  }
0x11f: {  	[hbm4b:s7+s5] =	stream.linear.scatter [tilespmem:s8], [sflag:$0x2], $0x200, $0x38;
	[tilespmem:$0x15100] =	vst v63  }
0x120: {  	s11 =	sadd.s32 $0x400, s3;
	s21 =	simm.s32 $0x11B00  }
0x121: {  	[hbm4b:s11+s5] =	stream.linear.scatter [tilespmem:s21], [sflag:$0x2], $0x200, $0x38;
	[tilespmem:$0x15100] =	vst v63  }
0x122: {  	s7 =	sadd.s32 $0x600, s3;
	s8 =	simm.s32 $0x11F00  }
0x123: {  	[hbm4b:s7+s5] =	stream.linear.scatter [tilespmem:s8], [sflag:$0x2], $0x200, $0x38;
	[tilespmem:$0x15100] =	vst v63  }
0x124: {  	s11 =	sadd.s32 $0x800, s3;
	s21 =	simm.s32 $0x12300  }
0x125: {  	[hbm4b:s11+s5] =	stream.linear.scatter [tilespmem:s21], [sflag:$0x2], $0x200, $0x38;
	[tilespmem:$0x15100] =	vst v63  }
0x126: {  	s7 =	sadd.s32 $0xA00, s3;
	s8 =	simm.s32 $0x12700  }
0x127: {  	[hbm4b:s7+s5] =	stream.linear.scatter [tilespmem:s8], [sflag:$0x2], $0x200, $0x38;
	[tilespmem:$0x15100] =	vst v63  }
0x128: {  	s11 =	sadd.s32 $0xC00, s3;
	s21 =	simm.s32 $0x12B00  }
0x129: {  	[hbm4b:s11+s5] =	stream.linear.scatter [tilespmem:s21], [sflag:$0x2], $0x200, $0x38;
	[tilespmem:$0x15100] =	vst v63  }
0x12a: {  	s3 =	sadd.s32 $0xE00, s3;
	s8 =	simm.s32 $0x12F00  }
0x12b: {  	[hbm4b:s3+s5] =	stream.linear.scatter [tilespmem:s8], [sflag:$0x2], $0x200, $0x38;
	[tilespmem:$0x15100] =	vst v63  }
0x12c: {  	p0 =	seq.s32 s12, $0x7;
	s3 =	rddreg [dreg:$0xf]  }
0x12d: {  	s4 =	rddreg [dreg:$0x6];
	s11 =	simm.s32 $0x1;
	s3 =	sadd.s32 @!p0 $0x400, s3  }
0x12e: {  	_ =	swait.ge [sflag:s11], $0x3C00;
	s4 =	sadd.s32 @!p0 s4, s3  }
0x12f: {  	p1 =	seq.s32 @!p0 s12, $0x0;
	[sflag:s11] =	ssyncset.done $0x0;
	s4 =	sshrl.u32 @!p0 s4, $0xC  }
0x130: {  	s3 =	sshll.u32 @!p0 s3, $0x1;
	[sflag:s11] =	ssyncadd.s32 $0xFFFFC400;
	s7 =	smul.u32 @!p0 $0x1E000, s4  }
0x131: {  	s21 =	simm.s32 @!p0 $0x9100;
	s3 =	sand.u32 @!p0 $0x1800, s3;
	_ =	swait.ge [sflag:s11], $0x400  }
0x132: {  	s4 =	sshll.u32 @!p0 s4, $0xD;
	[sflag:s11] =	ssyncset.done $0x0;
	s7 =	sor.u32 @!p0 s3, s7  }
0x133: {  	[sflag:s11] =	ssyncadd.s32 $0xFFFFFC00;
	s11 =	simm.s32 @!p0 $0x2000;
	s3 =	sor.u32 @!p0 s3, s4  }
0x134: {  	s7 =	sshrl.u32 @!p0 s7, $0x3;
	s8 =	rddreg [dreg:$0x1];
	s3 =	sshrl.u32 @!p0 s3, $0x3  }
0x135: {  	s4 =	rddreg [dreg:$0x2];
	s7 =	sadd.s32 @!p0 s8, s7;
	s8 =	simm.s32 @!p0 $0x400  }
0x136: {  	[tilespmem:s21], [sflag:$0x1] =	stream.strided.gather @!p0 [hbm4b:s7+s8], $0x3C00, s11, s8, $0x38;
	[tilespmem:$0x15100] =	vst v63  }
0x137: {  	s3 =	sadd.s32 @!p0 s4, s3;
	s4 =	simm.s32 @!p0 $0x0;
	s7 =	simm.s32 @!p0 $0x10900  }
0x138: {  	[tilespmem:s7], [sflag:$0x1] =	stream.linear.gather @!p0 [hbm4b:s3+s4], $0x400, $0x38;
	[tilespmem:$0x15100] =	vst v63  }
0x139: {  	p0 =	por p0, !p1  }
0x13a: {  	s3 =	simm.s32 @p0 $0x2  }
0x13b: {  	_ =	swait.ge @p0 [sflag:s3], $0x1000  }
0x13c: {  	[sflag:s3] =	ssyncset.done @p0 $0x0  }
0x13d: {  	[sflag:s3] =	ssyncadd.s32 @p0 $0xFFFFF000  }
0x13e: {  	_ =	swait.ge @p0 [sflag:s3], $0x1000  }
0x13f: {  	[sflag:s3] =	ssyncset.done @p0 $0x0  }
0x140: {  	s21 =	simm.s32 $0x0;
	[sflag:s3] =	ssyncadd.s32 @p0 $0xFFFFF000;
	s3 =	simm.s32 $0x0  }
0x141: {  	s4 =	sand.u32 $0xFFFFFF80, s21;
	s7 =	sand.u32 $0x30, s3  }
0x142: {  	s21 =	sor.u32 s7, s4  }
0x143: {  	v7 =	vld [tilespmem:s21+$0xD500]  }
0x144: {  	v13 =	vld [tilespmem:s21+$0xF900]  }
0x145: {  	v0 =	vld [tilespmem:s21+$0xE500]  }
0x146: {  	v25 =	vld [tilespmem:s21+$0xF100]  }
0x147: {  	v11 =	vld [tilespmem:s21+$0xCD00]  }
0x148: {  	v12 =	vld [tilespmem:s21+$0xD100]  }
0x149: {  	v20 =	vld [tilespmem:s21+$0x10100]  }
0x14a: {  	v24 =	vld [tilespmem:s21+$0xF500]  }
0x14b: {  	v10 =	vld [tilespmem:s21+$0xED00]  }
0x14c: {  	v9 =	vld [tilespmem:s21+$0xD900]  }
0x14d: {  	v16 =	vld [tilespmem:s21+$0xE900]  }
0x14e: {  	v15 =	vld [tilespmem:s21+$0xE100]  }
0x14f: {  	v14 =	vld [tilespmem:s21+$0xDD00]  }
0x150: {  	v33 =	vld [tilespmem:s21+$0xFD00]  }
0x151: {  	v2 =	vld.idx.msk [tilespmem:v0+s15+$0x0], $0xffff  }
0x152: {  	v8 =	vld.idx.msk [tilespmem:v0+s14+$0x0], $0xffff  }
0x153: {  	v18 =	vld.idx.msk [tilespmem:v0+s0+$0x0], $0xffff  }
0x154: {  	v5 =	vld.idx.msk [tilespmem:v25+s6+$0x0], $0xffff  }
0x155: {  	v28 =	vld.idx.msk [tilespmem:v0+s1+$0x0], $0xffff  }
0x156: {  	v22 =	vld.idx.msk [tilespmem:v25+s19+$0x0], $0xffff  }
0x157: {  	v1 =	vld.idx.msk [tilespmem:v25+s9+$0x0], $0xffff  }
0x158: {  	v0 =	vld.idx.msk [tilespmem:v24+s9+$0x0], $0xffff  }
0x159: {  	v6 =	vld.idx.msk [tilespmem:v24+s6+$0x0], $0xffff  }
0x15a: {  	v23 =	vld.idx.msk [tilespmem:v24+s19+$0x0], $0xffff  }
0x15b: {  	v3 =	vld.idx.msk [tilespmem:v10+s15+$0x0], $0xffff  }
0x15c: {  	v27 =	vld.idx.msk [tilespmem:v10+s1+$0x0], $0xffff  }
0x15d: {  	v4 =	vld.idx.msk [tilespmem:v20+s16+$0x0], $0xffff  }
0x15e: {  	v21 =	vld.idx.msk [tilespmem:v20+s10+$0x0], $0xffff  }
0x15f: {  	v29 =	vld.idx.msk [tilespmem:v12+s5+$0x0], $0xffff  }
0x160: {  	v31 =	vld.idx.msk [tilespmem:v11+s5+$0x0], $0xffff  }
0x161: {  	v56 =	vld.idx.msk [tilespmem:v12+s24+$0x0], $0xffff  }
0x162: {  	v57 =	vld.idx.msk [tilespmem:v7+s5+$0x0], $0xffff  }
0x163: {  	v58 =	vld.idx.msk [tilespmem:v11+s24+$0x0], $0xffff  }
0x164: {  	v59 =	vld.idx.msk [tilespmem:v12+s25+$0x0], $0xffff  }
0x165: {  	v60 =	vld.idx.msk [tilespmem:v7+s24+$0x0], $0xffff  }
0x166: {  	v19 =	vld.idx.msk [tilespmem:v15+s30+$0x0], $0xffff  }
0x167: {  	v61 =	vld.idx.msk [tilespmem:v7+s25+$0x0], $0xffff  }
0x168: {  	v30 =	vld.idx.msk [tilespmem:v15+s29+$0x0], $0xffff  }
0x169: {  	v62 =	vld.idx.msk [tilespmem:v14+s29+$0x0], $0xffff  }
0x16a: {  	v40 =	vld.idx.msk [tilespmem:v11+s25+$0x0], $0xffff  }
0x16b: {  	v41 =	vld.idx.msk [tilespmem:v9+s29+$0x0], $0xffff  }
0x16c: {  	v26 =	vld.idx.msk [tilespmem:v9+s30+$0x0], $0xffff  }
0x16d: {  	v17 =	vld.idx.msk [tilespmem:v10+s14+$0x0], $0xffff;
	v32 =	vadd.bf16 v56, v58  }
0x16e: {  	v42 =	vld.idx.msk [tilespmem:v9+s28+$0x0], $0xffff  }
0x16f: {  	v35 =	vld.idx.msk [tilespmem:v14+s28+$0x0], $0xffff;
	v31 =	vadd.bf16 v29, v31;
	v34 =	vadd.bf16 v60, v32  }
0x170: {  	v29 =	vld.idx.msk [tilespmem:v10+s0+$0x0], $0xffff;
	v10 =	vadd.bf16 v59, v40  }
0x171: {  	v36 =	vld.idx.msk [tilespmem:v15+s28+$0x0], $0xffff;
	v63 =	vadd.bf16 v57, v31;
	v34 =	vadd.bf16 v41, v34  }
0x172: {  	v32 =	vld.idx.msk [tilespmem:v16+s0+$0x0], $0xffff;
	v31 =	vadd.bf16 v61, v10  }
0x173: {  	s11 =	simm.s32 $0x0;
	s4 =	simm.s32 $0x1;
	v10 =	vld [tilespmem:s21+$0x10D00];
	v37 =	vadd.bf16 v42, v63;
	v34 =	vadd.bf16 v62, v34  }
.LBB2_5:
0x174: {  	p0 =	sne.s32 s4, $0x1F  }
0x175: {  	v25 =	vld.idx.msk [tilespmem:v25+s20+$0x0], $0xffff;
	s3 =	sadd.s32 $0x10, s3;
	s8 =	smov.u32 s4;
	s4 =	sadd.s32 $0x1, s4  }
0x176: {  	v35 =	vadd.bf16 v35, v37;
	v37 =	vld.idx.msk [tilespmem:v16+s1+$0x0], $0xffff  }
0x177: {  	v38 =	vld [tilespmem:s21+$0x10500]  }
0x178: {  	v35 =	vadd.bf16 v36, v35;
	v36 =	vld.idx.msk [tilespmem:v24+s20+$0x0], $0xffff  }
0x179: {  	v39 =	vadd.s32 $0xFFFFFFFF, v10;
	v24 =	vld.idx.msk [tilespmem:v20+s22+$0x0], $0xffff  }
0x17a: {  	vm0 =	vgt.s32 v39, $0x1;
	v28 =	vadd.bf16 v28, v35;
	v35 =	vld.idx.msk [tilespmem:v13+s20+$0x0], $0xffff  }
0x17b: {  	v39 =	vnsel vm0, $0x1, v39;
	v40 =	vld.idx.msk [tilespmem:v33+s10+$0x0], $0xffff  }
0x17c: {  	v39 =	vmin.u32 v39, $0x5;
	v28 =	vadd.bf16 v37, v28;
	v37 =	vld.idx.msk [tilespmem:v33+s13+$0x0], $0xffff  }
0x17d: {  	v39 =	vcvt.s32.f32 v39;
	v41 =	vld.idx.msk [tilespmem:v20+s13+$0x0], $0xffff  }
0x17e: {  	v20 =	vadd.bf16 v27, v28;
	v27 =	vld.idx.msk [tilespmem:v13+s19+$0x0], $0xffff  }
0x17f: {  	v28 =	vld.idx.msk [tilespmem:v38+s13+$0x0], $0xffff;
	(erf) = vrcp.f32 v39  }
0x180: {  	v22 =	vadd.bf16 v22, v20;
	v20 =	vld.idx.msk [tilespmem:v38+s22+$0x0], $0xffff  }
0x181: {  	v39 =	vld.idx.msk [tilespmem:v33+s22+$0x0], $0xffff  }
0x182: {  	v22 =	vadd.bf16 v23, v22;
	v23 =	vld.idx.msk [tilespmem:v38+s16+$0x0], $0xffff  }
0x183: {  	v30 =	vadd.bf16 v30, v34;
	v34 =	vld.idx.msk [tilespmem:v38+s10+$0x0], $0xffff  }
0x184: {  	v22 =	vadd.bf16 v27, v22;
	v27 =	vld.idx.msk [tilespmem:v13+s9+$0x0], $0xffff  }
0x185: {  	v18 =	vadd.bf16 v18, v30;
	v30 =	vld.idx.msk [tilespmem:v33+s16+$0x0], $0xffff  }
0x186: {  	v33 =	vld.idx.msk [tilespmem:v14+s30+$0x0], $0xffff;
	v38 =	vadd.bf16 v40, v22  }
0x187: {  	v18 =	vadd.bf16 v32, v18;
	v32 =	vld.idx.msk [tilespmem:v10+s23+$0x0], $0xffff  }
0x188: {  	v13 =	vld.idx.msk [tilespmem:v13+s6+$0x0], $0xffff;
	v21 =	vadd.bf16 v21, v38;
	v22 =	vpop (erf)  }
0x189: {  	v18 =	vadd.bf16 v29, v18;
	v22 =	vmul.f32 $3.333333430e-01, v22;
	v38 =	vld.idx.msk [tilespmem:v16+s15+$0x0], $0xffff  }
0x18a: {  	v26 =	vadd.bf16 v26, v31;
	v12 =	vld.idx.msk [tilespmem:v12+s26+$0x0], $0xffff;
	v21 =	vadd.bf16 v34, v21  }
0x18b: {  	v18 =	vadd.bf16 v25, v18;
	v22 =	vpack.i.f32.bf16 v22, v22;
	v11 =	vld.idx.msk [tilespmem:v11+s26+$0x0], $0xffff  }
0x18c: {  	v25 =	vadd.bf16 v33, v26;
	v16 =	vld.idx.msk [tilespmem:v16+s14+$0x0], $0xffff;
	v21 =	vmul.bf16 v21, v22  }
0x18d: {  	v18 =	vadd.bf16 v36, v18;
	v7 =	vld.idx.msk [tilespmem:v7+s26+$0x0], $0xffff  }
0x18e: {  	s21 =	sshll.u32 s11, $0x8;
	s11 =	smov.u32 s8;
	v19 =	vadd.bf16 v19, v25;
	v15 =	vld.idx.msk [tilespmem:v15+s31+$0x0], $0xffff;
	v21 =	vadd.bf16 v32, v21  }
0x18f: {  	s8 =	sand.u32 $0x3FFFFC00, s21;
	v18 =	vadd.bf16 v35, v18;
	v9 =	vld.idx.msk [tilespmem:v9+s31+$0x0], $0xffff  }
0x190: {  	s8 =	sor.u32 s7, s8;
	v8 =	vadd.bf16 v8, v19;
	v14 =	vld.idx.msk [tilespmem:v14+s31+$0x0], $0xffff;
	v19 =	vunpack.i.u.bf16.f32 v21;
	v21 =	vunpack.i.l.bf16.f32 v21  }
0x191: {  	v11 =	vadd.bf16 v12, v11;
	v12 =	vadd.bf16 v37, v18;
	[tilespmem:s8+$0x13100] =	vst v21  }
0x192: {  	v8 =	vadd.bf16 v16, v8;
	[tilespmem:s8+$0x13300] =	vst v19  }
0x193: {  	v7 =	vadd.bf16 v7, v11;
	v11 =	vadd.bf16 v41, v12;
	v12 =	vld.idx.msk [tilespmem:v10+s17+$0x0], $0xffff  }
0x194: {  	v8 =	vadd.bf16 v17, v8  }
0x195: {  	v7 =	vadd.bf16 v9, v7;
	v9 =	vadd.bf16 v28, v11  }
0x196: {  	s21 =	sshll.u32 s11, $0x5;
	v5 =	vadd.bf16 v5, v8  }
0x197: {  	s7 =	sand.u32 $0x30, s3;
	s21 =	sand.u32 $0xFFFFFF80, s21;
	v7 =	vadd.bf16 v14, v7;
	v8 =	vmul.bf16 v9, v22  }
0x198: {  	s21 =	sor.u32 s7, s21;
	v5 =	vadd.bf16 v6, v5  }
0x199: {  	v6 =	vadd.bf16 v15, v7;
	v7 =	vadd.bf16 v12, v8  }
0x19a: {  	v5 =	vadd.bf16 v13, v5  }
0x19b: {  	v2 =	vadd.bf16 v2, v6;
	v6 =	vunpack.i.u.bf16.f32 v7;
	v7 =	vunpack.i.l.bf16.f32 v7  }
0x19c: {  	v5 =	vadd.bf16 v30, v5;
	[tilespmem:s8+$0x13180] =	vst v7  }
0x19d: {  	v2 =	vadd.bf16 v38, v2;
	[tilespmem:s8+$0x13380] =	vst v6  }
0x19e: {  	v4 =	vadd.bf16 v4, v5;
	v5 =	vld.idx.msk [tilespmem:v10+s18+$0x0], $0xffff  }
0x19f: {  	v2 =	vadd.bf16 v3, v2  }
0x1a0: {  	v3 =	vadd.bf16 v23, v4  }
0x1a1: {  	v1 =	vadd.bf16 v1, v2  }
0x1a2: {  	v2 =	vmul.bf16 v3, v22  }
0x1a3: {  	v0 =	vadd.bf16 v0, v1  }
0x1a4: {  	v1 =	vadd.bf16 v5, v2  }
0x1a5: {  	v0 =	vadd.bf16 v27, v0  }
0x1a6: {  	v2 =	vunpack.i.l.bf16.f32 v1  }
0x1a7: {  	v1 =	vunpack.i.u.bf16.f32 v1;
	v0 =	vadd.bf16 v39, v0;
	[tilespmem:s8+$0x13200] =	vst v2  }
0x1a8: {  	[tilespmem:s8+$0x13400] =	vst v1  }
0x1a9: {  	v0 =	vadd.bf16 v24, v0;
	v1 =	vld.idx.msk [tilespmem:v10+s2+$0x0], $0xffff;
	_ =	sdelay $0x1  }
0x1aa: {  	v0 =	vadd.bf16 v20, v0;
	_ =	sdelay $0x1  }
0x1ab: {  	v0 =	vmul.bf16 v0, v22;
	_ =	sdelay $0x1  }
0x1ac: {  	v0 =	vadd.bf16 v1, v0;
	_ =	sdelay $0x1  }
0x1ad: {  	v1 =	vunpack.i.u.bf16.f32 v0;
	v0 =	vunpack.i.l.bf16.f32 v0  }
0x1ae: {  	[tilespmem:s8+$0x13280] =	vst v0  }
0x1af: {  	[tilespmem:s8+$0x13480] =	vst v1;
	_ =	sdelay $0x1  }
0x1b0: {  	v7 =	vld [tilespmem:s21+$0xD500]  }
0x1b1: {  	v13 =	vld [tilespmem:s21+$0xF900]  }
0x1b2: {  	v0 =	vld [tilespmem:s21+$0xE500]  }
0x1b3: {  	v25 =	vld [tilespmem:s21+$0xF100]  }
0x1b4: {  	v11 =	vld [tilespmem:s21+$0xCD00]  }
0x1b5: {  	v12 =	vld [tilespmem:s21+$0xD100]  }
0x1b6: {  	v20 =	vld [tilespmem:s21+$0x10100]  }
0x1b7: {  	v24 =	vld [tilespmem:s21+$0xF500]  }
0x1b8: {  	v10 =	vld [tilespmem:s21+$0xED00]  }
0x1b9: {  	v9 =	vld [tilespmem:s21+$0xD900]  }
0x1ba: {  	v2 =	vld.idx.msk [tilespmem:v0+s15+$0x0], $0xffff  }
0x1bb: {  	v8 =	vld.idx.msk [tilespmem:v0+s14+$0x0], $0xffff  }
0x1bc: {  	v18 =	vld.idx.msk [tilespmem:v0+s0+$0x0], $0xffff  }
0x1bd: {  	v5 =	vld.idx.msk [tilespmem:v25+s6+$0x0], $0xffff  }
0x1be: {  	v28 =	vld.idx.msk [tilespmem:v0+s1+$0x0], $0xffff  }
0x1bf: {  	v22 =	vld.idx.msk [tilespmem:v25+s19+$0x0], $0xffff  }
0x1c0: {  	v1 =	vld.idx.msk [tilespmem:v25+s9+$0x0], $0xffff  }
0x1c1: {  	v0 =	vld.idx.msk [tilespmem:v24+s9+$0x0], $0xffff  }
0x1c2: {  	v6 =	vld.idx.msk [tilespmem:v24+s6+$0x0], $0xffff  }
0x1c3: {  	v23 =	vld.idx.msk [tilespmem:v24+s19+$0x0], $0xffff  }
0x1c4: {  	v3 =	vld.idx.msk [tilespmem:v10+s15+$0x0], $0xffff  }
0x1c5: {  	v27 =	vld.idx.msk [tilespmem:v10+s1+$0x0], $0xffff  }
0x1c6: {  	v16 =	vld [tilespmem:s21+$0xE900]  }
0x1c7: {  	v15 =	vld [tilespmem:s21+$0xE100]  }
0x1c8: {  	v14 =	vld [tilespmem:s21+$0xDD00]  }
0x1c9: {  	v4 =	vld.idx.msk [tilespmem:v20+s16+$0x0], $0xffff  }
0x1ca: {  	v21 =	vld.idx.msk [tilespmem:v20+s10+$0x0], $0xffff  }
0x1cb: {  	v29 =	vld.idx.msk [tilespmem:v12+s5+$0x0], $0xffff  }
0x1cc: {  	v31 =	vld.idx.msk [tilespmem:v11+s5+$0x0], $0xffff  }
0x1cd: {  	v17 =	vld.idx.msk [tilespmem:v12+s24+$0x0], $0xffff  }
0x1ce: {  	v33 =	vld.idx.msk [tilespmem:v7+s5+$0x0], $0xffff  }
0x1cf: {  	v26 =	vld.idx.msk [tilespmem:v11+s24+$0x0], $0xffff  }
0x1d0: {  	v32 =	vld.idx.msk [tilespmem:v12+s25+$0x0], $0xffff  }
0x1d1: {  	v34 =	vld.idx.msk [tilespmem:v7+s24+$0x0], $0xffff  }
0x1d2: {  	v19 =	vld.idx.msk [tilespmem:v15+s30+$0x0], $0xffff  }
0x1d3: {  	v36 =	vld.idx.msk [tilespmem:v7+s25+$0x0], $0xffff  }
0x1d4: {  	v30 =	vld.idx.msk [tilespmem:v15+s29+$0x0], $0xffff  }
0x1d5: {  	v35 =	vadd.bf16 v17, v26;
	v37 =	vld.idx.msk [tilespmem:v14+s29+$0x0], $0xffff  }
0x1d6: {  	v38 =	vld.idx.msk [tilespmem:v11+s25+$0x0], $0xffff  }
0x1d7: {  	v39 =	vld.idx.msk [tilespmem:v9+s29+$0x0], $0xffff  }
0x1d8: {  	v26 =	vld.idx.msk [tilespmem:v9+s30+$0x0], $0xffff  }
0x1d9: {  	v17 =	vld.idx.msk [tilespmem:v10+s14+$0x0], $0xffff  }
0x1da: {  	v34 =	vadd.bf16 v34, v35;
	v40 =	vld.idx.msk [tilespmem:v9+s28+$0x0], $0xffff  }
0x1db: {  	v35 =	vld.idx.msk [tilespmem:v14+s28+$0x0], $0xffff  }
.Ltmp1:
0x1dc: {  	v31 =	vadd.bf16 v29, v31;
	v38 =	vadd.bf16 v32, v38;
	v29 =	vld.idx.msk [tilespmem:v10+s0+$0x0], $0xffff;
	(pc) =	sbr.rel @p0 .LBB2_5-.Ltmp1, $4  }
0x1dd: {  	v10 =	vadd.bf16 v39, v34;
	v32 =	vld.idx.msk [tilespmem:v16+s0+$0x0], $0xffff  }
0x1de: {  	v39 =	vadd.bf16 v33, v31;
	v31 =	vadd.bf16 v36, v38;
	v36 =	vld.idx.msk [tilespmem:v15+s28+$0x0], $0xffff  }
0x1df: {  	v34 =	vadd.bf16 v37, v10;
	v33 =	vld [tilespmem:s21+$0xFD00]  }
0x1e0: {  	v37 =	vadd.bf16 v40, v39;
	v10 =	vld [tilespmem:s21+$0x10D00]  }
0x1e1: {  	_ =	sdelay $0x2  }
0x1e2: {  	v38 =	vld [tilespmem:s21+$0x10500];
	v35 =	vadd.bf16 v35, v37  }
0x1e3: {  	v57 =	vld.idx.msk [tilespmem:v16+s1+$0x0], $0xffff  }
0x1e4: {  	v25 =	vld.idx.msk [tilespmem:v25+s20+$0x0], $0xffff;
	v35 =	vadd.bf16 v36, v35  }
0x1e5: {  	v24 =	vld.idx.msk [tilespmem:v24+s20+$0x0], $0xffff;
	v58 =	vadd.s32 $0xFFFFFFFF, v10  }
0x1e6: {  	v39 =	vld.idx.msk [tilespmem:v20+s22+$0x0], $0xffff;
	vm0 =	vgt.s32 v58, $0x1;
	v28 =	vadd.bf16 v28, v35  }
0x1e7: {  	v59 =	vld.idx.msk [tilespmem:v13+s20+$0x0], $0xffff;
	v36 =	vnsel vm0, $0x1, v58  }
0x1e8: {  	v61 =	vld.idx.msk [tilespmem:v20+s13+$0x0], $0xffff;
	v36 =	vmin.u32 v36, $0x5;
	v28 =	vadd.bf16 v57, v28  }
0x1e9: {  	v62 =	vld.idx.msk [tilespmem:v13+s19+$0x0], $0xffff;
	v36 =	vcvt.s32.f32 v36  }
0x1ea: {  	v43 =	vld.idx.msk [tilespmem:v13+s9+$0x0], $0xffff;
	v27 =	vadd.bf16 v27, v28  }
0x1eb: {  	v45 =	vld.idx.msk [tilespmem:v14+s30+$0x0], $0xffff;
	(erf) = vrcp.f32 v36  }
0x1ec: {  	v47 =	vld.idx.msk [tilespmem:v13+s6+$0x0], $0xffff;
	v22 =	vadd.bf16 v22, v27  }
0x1ed: {  	v40 =	vld.idx.msk [tilespmem:v33+s10+$0x0], $0xffff  }
0x1ee: {  	v30 =	vadd.bf16 v30, v34;
	v12 =	vld.idx.msk [tilespmem:v12+s26+$0x0], $0xffff;
	v22 =	vadd.bf16 v23, v22  }
0x1ef: {  	v11 =	vld.idx.msk [tilespmem:v11+s26+$0x0], $0xffff  }
0x1f0: {  	v50 =	vld.idx.msk [tilespmem:v16+s14+$0x0], $0xffff;
	v18 =	vadd.bf16 v18, v30;
	v22 =	vadd.bf16 v62, v22  }
0x1f1: {  	v42 =	vld.idx.msk [tilespmem:v38+s10+$0x0], $0xffff  }
0x1f2: {  	v7 =	vld.idx.msk [tilespmem:v7+s26+$0x0], $0xffff;
	v18 =	vadd.bf16 v32, v18;
	v22 =	vadd.bf16 v40, v22  }
0x1f3: {  	v26 =	vadd.bf16 v26, v31;
	v51 =	vld.idx.msk [tilespmem:v16+s15+$0x0], $0xffff  }
0x1f4: {  	v9 =	vld.idx.msk [tilespmem:v9+s31+$0x0], $0xffff;
	v18 =	vadd.bf16 v29, v18;
	v21 =	vadd.bf16 v21, v22;
	v48 =	vpop (erf)  }
0x1f5: {  	v46 =	vld.idx.msk [tilespmem:v10+s23+$0x0], $0xffff;
	v49 =	vadd.bf16 v45, v26;
	v22 =	vmul.f32 $3.333333430e-01, v48  }
0x1f6: {  	v15 =	vld.idx.msk [tilespmem:v15+s31+$0x0], $0xffff;
	v18 =	vadd.bf16 v25, v18;
	v21 =	vadd.bf16 v42, v21  }
0x1f7: {  	v60 =	vld.idx.msk [tilespmem:v33+s13+$0x0], $0xffff;
	v19 =	vadd.bf16 v19, v49;
	v22 =	vpack.i.f32.bf16 v22, v22  }
0x1f8: {  	v52 =	vld.idx.msk [tilespmem:v14+s31+$0x0], $0xffff;
	v18 =	vadd.bf16 v24, v18;
	v21 =	vmul.bf16 v21, v22  }
0x1f9: {  	v44 =	vld.idx.msk [tilespmem:v33+s16+$0x0], $0xffff;
	v11 =	vadd.bf16 v12, v11;
	v8 =	vadd.bf16 v8, v19  }
0x1fa: {  	s3 =	sshll.u32 s11, $0x8;
	v41 =	vld.idx.msk [tilespmem:v38+s13+$0x0], $0xffff;
	v18 =	vadd.bf16 v59, v18;
	v21 =	vadd.bf16 v46, v21  }
0x1fb: {  	s3 =	sand.u32 $0x3FFFFC00, s3;
	v7 =	vadd.bf16 v7, v11;
	v63 =	vld.idx.msk [tilespmem:v38+s16+$0x0], $0xffff  }
0x1fc: {  	s3 =	sor.u32 s7, s3;
	v36 =	vld.idx.msk [tilespmem:v33+s22+$0x0], $0xffff;
	v8 =	vadd.bf16 v50, v8;
	v18 =	vadd.bf16 v60, v18;
	v53 =	vunpack.i.l.bf16.f32 v21  }
0x1fd: {  	v7 =	vadd.bf16 v9, v7;
	v27 =	vld.idx.msk [tilespmem:v38+s22+$0x0], $0xffff;
	v54 =	vunpack.i.u.bf16.f32 v21;
	[tilespmem:s3+$0x13100] =	vst v53  }
0x1fe: {  	v8 =	vadd.bf16 v17, v8;
	v55 =	vadd.bf16 v61, v18;
	[tilespmem:s3+$0x13300] =	vst v54  }
0x1ff: {  	v7 =	vadd.bf16 v52, v7;
	v14 =	vld.idx.msk [tilespmem:v10+s17+$0x0], $0xffff  }
0x200: {  	v5 =	vadd.bf16 v5, v8;
	v56 =	vadd.bf16 v41, v55  }
0x201: {  	v58 =	vadd.bf16 v15, v7  }
0x202: {  	v5 =	vadd.bf16 v6, v5;
	v57 =	vmul.bf16 v56, v22  }
0x203: {  	v2 =	vadd.bf16 v2, v58  }
0x204: {  	v5 =	vadd.bf16 v47, v5;
	v59 =	vadd.bf16 v14, v57;
	_ =	sdelay $0x1  }
0x205: {  	v2 =	vadd.bf16 v51, v2;
	v5 =	vadd.bf16 v44, v5;
	v60 =	vunpack.i.l.bf16.f32 v59  }
0x206: {  	v7 =	vunpack.i.u.bf16.f32 v59;
	[tilespmem:s3+$0x13180] =	vst v60  }
0x207: {  	v2 =	vadd.bf16 v3, v2;
	v4 =	vadd.bf16 v4, v5;
	[tilespmem:s3+$0x13380] =	vst v7  }
0x208: {  	v61 =	vld.idx.msk [tilespmem:v10+s18+$0x0], $0xffff  }
0x209: {  	v1 =	vadd.bf16 v1, v2;
	v4 =	vadd.bf16 v63, v4;
	_ =	sdelay $0x1  }
0x20a: {  	v0 =	vadd.bf16 v0, v1;
	v62 =	vmul.bf16 v4, v22;
	_ =	sdelay $0x1  }
0x20b: {  	v0 =	vadd.bf16 v43, v0;
	v63 =	vadd.bf16 v61, v62;
	_ =	sdelay $0x1  }
0x20c: {  	v0 =	vadd.bf16 v36, v0;
	v2 =	vunpack.i.l.bf16.f32 v63  }
0x20d: {  	v1 =	vunpack.i.u.bf16.f32 v63;
	[tilespmem:s3+$0x13200] =	vst v2  }
0x20e: {  	v0 =	vadd.bf16 v39, v0;
	[tilespmem:s3+$0x13400] =	vst v1  }
0x20f: {  	v1 =	vld.idx.msk [tilespmem:v10+s2+$0x0], $0xffff  }
0x210: {  	v0 =	vadd.bf16 v27, v0  }
0x211: {  	s4 =	rddreg [dreg:$0x10]  }
0x212: {  	s8 =	rddreg [dreg:$0xe];
	v0 =	vmul.bf16 v0, v22  }
0x213: {  	s4 =	sand.u32 $0x40000, s4;
	s7 =	sshll.u32 s8, $0xF;
	s8 =	rddreg [dreg:$0xb]  }
0x214: {  	s4 =	sor.u32 s8, s4;
	s7 =	sand.u32 $0x38000, s7;
	v0 =	vadd.bf16 v1, v0  }
0x215: {  	s11 =	rddreg [dreg:$0x7];
	s4 =	sor.u32 s4, s7  }
0x216: {  	s7 =	sor.u32 s4, s11;
	v1 =	vunpack.i.l.bf16.f32 v0  }
0x217: {  	s8 =	rddreg [dreg:$0x3];
	s7 =	sshrl.u32 s7, $0x3;
	v0 =	vunpack.i.u.bf16.f32 v0;
	[tilespmem:s3+$0x13280] =	vst v1  }
0x218: {  	s21 =	simm.s32 $0x13100;
	[tilespmem:s3+$0x13480] =	vst v0;
	s3 =	sadd.s32 s8, s7  }
0x219: {  	[hbm4b:s3+s5] =	stream.linear.scatter [tilespmem:s21], [sflag:$0x2], $0x200, $0x38;
	[tilespmem:$0x15100] =	vst v63  }
0x21a: {  	s11 =	sadd.s32 $0x200, s3;
	s21 =	simm.s32 $0x13500  }
0x21b: {  	[hbm4b:s11+s5] =	stream.linear.scatter [tilespmem:s21], [sflag:$0x2], $0x200, $0x38;
	[tilespmem:$0x15100] =	vst v63  }
0x21c: {  	s11 =	sadd.s32 $0x400, s3;
	s21 =	simm.s32 $0x13900  }
0x21d: {  	[hbm4b:s11+s5] =	stream.linear.scatter [tilespmem:s21], [sflag:$0x2], $0x200, $0x38;
	[tilespmem:$0x15100] =	vst v63  }
0x21e: {  	s11 =	sadd.s32 $0x600, s3;
	s21 =	simm.s32 $0x13D00  }
0x21f: {  	[hbm4b:s11+s5] =	stream.linear.scatter [tilespmem:s21], [sflag:$0x2], $0x200, $0x38;
	[tilespmem:$0x15100] =	vst v63  }
0x220: {  	s11 =	sadd.s32 $0x800, s3;
	s21 =	simm.s32 $0x14100  }
0x221: {  	[hbm4b:s11+s5] =	stream.linear.scatter [tilespmem:s21], [sflag:$0x2], $0x200, $0x38;
	[tilespmem:$0x15100] =	vst v63  }
0x222: {  	s11 =	sadd.s32 $0xA00, s3;
	s21 =	simm.s32 $0x14500  }
0x223: {  	[hbm4b:s11+s5] =	stream.linear.scatter [tilespmem:s21], [sflag:$0x2], $0x200, $0x38;
	[tilespmem:$0x15100] =	vst v63  }
0x224: {  	s11 =	sadd.s32 $0xC00, s3;
	s21 =	simm.s32 $0x14900  }
0x225: {  	[hbm4b:s11+s5] =	stream.linear.scatter [tilespmem:s21], [sflag:$0x2], $0x200, $0x38;
	[tilespmem:$0x15100] =	vst v63  }
0x226: {  	s7 =	rddreg [dreg:$0xa];
	s3 =	sadd.s32 $0xE00, s3;
	s21 =	simm.s32 $0x14D00  }
0x227: {  	[hbm4b:s3+s5] =	stream.linear.scatter [tilespmem:s21], [sflag:$0x2], $0x200, $0x38;
	[tilespmem:$0x15100] =	vst v63  }
0x228: {  	s3 =	sor.u32 s4, s7  }
0x229: {  	s3 =	sshrl.u32 s3, $0x3  }
0x22a: {  	s3 =	sadd.s32 s8, s3;
	s8 =	simm.s32 $0x13300  }
0x22b: {  	[hbm4b:s3+s5] =	stream.linear.scatter [tilespmem:s8], [sflag:$0x2], $0x200, $0x38;
	[tilespmem:$0x15100] =	vst v63  }
0x22c: {  	s21 =	simm.s32 $0x13700;
	s11 =	sadd.s32 $0x200, s3  }
0x22d: {  	[hbm4b:s11+s5] =	stream.linear.scatter [tilespmem:s21], [sflag:$0x2], $0x200, $0x38;
	[tilespmem:$0x15100] =	vst v63  }
0x22e: {  	s7 =	sadd.s32 $0x400, s3;
	s8 =	simm.s32 $0x13B00  }
0x22f: {  	[hbm4b:s7+s5] =	stream.linear.scatter [tilespmem:s8], [sflag:$0x2], $0x200, $0x38;
	[tilespmem:$0x15100] =	vst v63  }
0x230: {  	s11 =	sadd.s32 $0x600, s3;
	s21 =	simm.s32 $0x13F00  }
0x231: {  	[hbm4b:s11+s5] =	stream.linear.scatter [tilespmem:s21], [sflag:$0x2], $0x200, $0x38;
	[tilespmem:$0x15100] =	vst v63  }
0x232: {  	s12 =	sadd.s32 $0x1, s12;
	s7 =	sadd.s32 $0x800, s3;
	s8 =	simm.s32 $0x14300  }
0x233: {  	[hbm4b:s7+s5] =	stream.linear.scatter [tilespmem:s8], [sflag:$0x2], $0x200, $0x38;
	[tilespmem:$0x15100] =	vst v63  }
0x234: {  	p0 =	sne.s32 s12, $0x8;
	s11 =	sadd.s32 $0xA00, s3;
	s21 =	simm.s32 $0x14700  }
0x235: {  	[hbm4b:s11+s5] =	stream.linear.scatter [tilespmem:s21], [sflag:$0x2], $0x200, $0x38;
	[tilespmem:$0x15100] =	vst v63  }
.Ltmp2:
0x236: {  	_ = 	snop;
	(pc) =	sbr.rel @p0 .LBB2_2-.Ltmp2, $4  }
0x237: {  	s8 =	sadd.s32 $0xC00, s3;
	s11 =	simm.s32 $0x14B00  }
0x238: {  	[hbm4b:s8+s5] =	stream.linear.scatter [tilespmem:s11], [sflag:$0x2], $0x200, $0x38;
	[tilespmem:$0x15100] =	vst v63  }
0x239: {  	s3 =	sadd.s32 $0xE00, s3;
	s21 =	simm.s32 $0x14F00  }
0x23a: {  	[hbm4b:s3+s5] =	stream.linear.scatter [tilespmem:s21], [sflag:$0x2], $0x200, $0x38;
	[tilespmem:$0x15100] =	vst v63  }
0x23b: {  	s4 =	simm.s32 $0x2  }
0x23c: {  	_ =	swait.ge [sflag:s4], $0x1000  }
0x23d: {  	[sflag:s4] =	ssyncset.done $0x0  }
0x23e: {  	[sflag:s4] =	ssyncadd.s32 $0xFFFFF000  }
0x23f: {  	_ =	swait.ge [sflag:s4], $0x1000  }
0x240: {  	[sflag:s4] =	ssyncset.done $0x0  }
0x241: {  	[sflag:s4] =	ssyncadd.s32 $0xFFFFF000  }
0x242: {  	_ =	swait.ge [sflag:s4], $0x1000  }
0x243: {  	[sflag:s4] =	ssyncset.done $0x0  }
0x244: {  	[sflag:s4] =	ssyncadd.s32 $0xFFFFF000  }
0x245: {  	_ =	swait.ge [sflag:s4], $0x1000  }
0x246: {  	s7 =	rddreg [dreg:$0xd]  }
0x247: {  	s3 =	rddreg [dreg:$0xc];
	s7 =	sadd.s32 $0x1, s7  }
0x248: {  	p0 =	sne.s32 s7, s3  }
.Ltmp3:
0x249: {  	_ = 	snop;
	(pc) =	sbr.rel @p0 .LBB2_1-.Ltmp3, $3  }
0x24a: {  	_ =	sdelay $0x1  }
0x24b: {  	[sflag:s4] =	ssyncset.done $0x0  }
0x24c: {  	[sflag:s4] =	ssyncadd.s32 $0xFFFFF000  }
0x24d: {  	_ =	sfence.sel $0x180000  }
0x24e: {  	[bflag:$0x0] =	sbarrier.arrive $0xFFFF  }
0x24f: {  	_ =	strace $0x90000047  }
0x250: {  	s0 =	stileid.u32;
	[bflag:$0x2] =	sbarrier.arrive $0xFFFF  }
0x251: {  	p0 =	sne.s32 s0, $0x0;
	s0 =	rddreg [dreg:$0x4]  }
0x252: {  	s0 =	sadd.s32 @!p0 $0x100000, s0  }
0x253: {  	[sflag:s0] =	ssyncadd.tile.s32 @!p0 $0x1;
	_ =	shalt  }
.Lfunc_end2:
_tile_overlayer_lowered:
.L_overlay_start_2:
0x254: {  	(tag) =	ssettag $0x2  }
0x255: {  	s0 =	rddreg [dreg:$0x0];
	s2 =	stileid.u32  }
0x256: {  	s1 =	rddreg [dreg:$0x1];
	p0 =	sne.s32 s2, $0x0  }
0x257: {  	s3 =	rddreg [dreg:$0x2];
	[bflag:$0x3] =	sbarrier.arrive $0xFFFF;
	s2 =	simm.s32 @!p0 $0x1C03  }
0x258: {  	[timem:s3], [sflag:s2] =	dma.local @!p0 [hbm:s0], s1  }
0x259: {  	s0 =	simm.s32 @!p0 $0x3  }
0x25a: {  	_ =	swait.ge @!p0 [sflag:s0], s1  }
0x25b: {  	s1 =	ssub.s32 @!p0 $0x0, s1;
	[sflag:s0] =	ssyncset.done @!p0 $0x0  }
0x25c: {  	[sflag:s0] =	ssyncadd.s32 @!p0 s1  }
0x25d: {  	[bflag:$0x3] =	sbarrier.arrive $0xFFFF  }
0x25e: {  	_ =	shalt  }

</sc_bundles>
